<compile_context>
chip_gen: v7x
topology: tpu7x:2x2x1
jax: 0.10.2.dev20260603
libtpu: 0.0.44.dev20260713+nightly
codegen_flags: <defaults>
</compile_context>

<pallas_src>
import jax
import jax.numpy as jnp
from jax import lax
from jax.experimental import pallas as pl
from jax.experimental.pallas import tpu as pltpu
from jax.experimental.pallas import tpu_sc as plsc

N = 16384
K = 2
H = 1024
E = 16
NW = 32
RPW = N // NW
C = 8
NCHUNK = RPW // C
L = 16
NSL = H // L


def _body(ex_hbm, idx0_hbm, idx1_hbm, x1_hbm, x2_hbm, biasf_hbm,
          s0_hbm, s1_hbm, e0_hbm, e1_hbm, out_hbm,
          idx0_v, idx1_v, s0_v, s1_v, e0_v, e1_v, bias_v,
          g0_v, g1_v, x1_v, x2_v, out_v,
          in_sem0, in_sem1, out_sem0, out_sem1):
  wid = lax.axis_index("s") * 2 + lax.axis_index("c")
  base = wid * RPW

  pltpu.sync_copy(idx0_hbm.at[pl.ds(base, RPW)], idx0_v)
  pltpu.sync_copy(idx1_hbm.at[pl.ds(base, RPW)], idx1_v)
  pltpu.sync_copy(s0_hbm.at[pl.ds(base, RPW)], s0_v)
  pltpu.sync_copy(s1_hbm.at[pl.ds(base, RPW)], s1_v)
  pltpu.sync_copy(e0_hbm.at[pl.ds(base, RPW)], e0_v)
  pltpu.sync_copy(e1_hbm.at[pl.ds(base, RPW)], e1_v)
  pltpu.sync_copy(biasf_hbm, bias_v)

  in_sems = (in_sem0, in_sem1)
  out_sems = (out_sem0, out_sem1)

  def issue_in(b, c):
    rb = base + c * C
    pltpu.async_copy(ex_hbm.at[idx0_v.at[pl.ds(c * C, C)]], g0_v.at[b],
                     in_sems[b])
    pltpu.async_copy(ex_hbm.at[idx1_v.at[pl.ds(c * C, C)]], g1_v.at[b],
                     in_sems[b])
    pltpu.async_copy(x1_hbm.at[pl.ds(rb, C)], x1_v.at[b], in_sems[b])
    pltpu.async_copy(x2_hbm.at[pl.ds(rb, C)], x2_v.at[b], in_sems[b])

  def wait_in(b, c):
    pltpu.make_async_copy(ex_hbm.at[idx0_v.at[pl.ds(c * C, C)]], g0_v.at[b],
                          in_sems[b]).wait()
    pltpu.make_async_copy(ex_hbm.at[idx1_v.at[pl.ds(c * C, C)]], g1_v.at[b],
                          in_sems[b]).wait()
    rb = base + c * C
    pltpu.make_async_copy(x1_hbm.at[pl.ds(rb, C)], x1_v.at[b],
                          in_sems[b]).wait()
    pltpu.make_async_copy(x2_hbm.at[pl.ds(rb, C)], x2_v.at[b],
                          in_sems[b]).wait()

  def issue_out(b, c):
    rb = base + c * C
    pltpu.async_copy(out_v.at[b], out_hbm.at[pl.ds(rb, C)], out_sems[b])

  def wait_out(b, c):
    rb = base + c * C
    pltpu.make_async_copy(out_v.at[b], out_hbm.at[pl.ds(rb, C)],
                          out_sems[b]).wait()

  lane = lax.iota(jnp.int32, L)

  def compute(b, c):
    s0rs, s1rs, eb0s, eb1s = [], [], [], []
    for r in range(C):
      rowvec = jnp.full((L,), c * C + r, jnp.int32)
      s0rs.append(plsc.load_gather(s0_v, [rowvec]))
      s1rs.append(plsc.load_gather(s1_v, [rowvec]))
      eb0s.append(plsc.load_gather(e0_v, [rowvec]) * H + lane)
      eb1s.append(plsc.load_gather(e1_v, [rowvec]) * H + lane)

    @plsc.parallel_loop(0, NSL, step=1, unroll=1)
    def _(h):
      off = h * L
      for r in range(C):
        g0 = g0_v[b, r, pl.ds(off, L)]
        g1 = g1_v[b, r, pl.ds(off, L)]
        a1 = x1_v[b, r, pl.ds(off, L)]
        a2 = x2_v[b, r, pl.ds(off, L)]
        b0 = plsc.load_gather(bias_v, [eb0s[r] + off])
        b1 = plsc.load_gather(bias_v, [eb1s[r] + off])
        out_v[b, r, pl.ds(off, L)] = (
            a1 + a2 + s0rs[r] * (g0 + b0) + s1rs[r] * (g1 + b1))

  issue_in(0, jnp.int32(0))

  def step(j, _):
    c0 = 2 * j
    c1 = c0 + 1
    issue_in(1, c1)
    wait_in(0, c0)

    @pl.when(c0 >= 2)
    def _():
      wait_out(0, c0 - 2)

    compute(0, c0)
    issue_out(0, c0)

    @pl.when(c0 + 2 < NCHUNK)
    def _():
      issue_in(0, c0 + 2)

    wait_in(1, c1)

    @pl.when(c1 >= 3)
    def _():
      wait_out(1, c1 - 2)

    compute(1, c1)
    issue_out(1, c1)
    return 0

  lax.fori_loop(0, NCHUNK // 2, step, 0)
  wait_out(0, jnp.int32(NCHUNK - 2))
  wait_out(1, jnp.int32(NCHUNK - 1))


@jax.jit
def _run(ex, idx0, idx1, x1, x2, biasf, s0, s1, e0, e1):
  mesh = plsc.VectorSubcoreMesh(core_axis_name="c", subcore_axis_name="s")
  f = pl.kernel(
      _body,
      out_type=jax.ShapeDtypeStruct((N, H), jnp.float32),
      mesh=mesh,
      compiler_params=pltpu.CompilerParams(needs_layout_passes=False),
      scratch_types=[
          pltpu.VMEM((RPW,), jnp.int32),
          pltpu.VMEM((RPW,), jnp.int32),
          pltpu.VMEM((RPW,), jnp.float32),
          pltpu.VMEM((RPW,), jnp.float32),
          pltpu.VMEM((RPW,), jnp.int32),
          pltpu.VMEM((RPW,), jnp.int32),
          pltpu.VMEM((E * H,), jnp.float32),
          pltpu.VMEM((2, C, H), jnp.float32),
          pltpu.VMEM((2, C, H), jnp.float32),
          pltpu.VMEM((2, C, H), jnp.float32),
          pltpu.VMEM((2, C, H), jnp.float32),
          pltpu.VMEM((2, C, H), jnp.float32),
          pltpu.SemaphoreType.DMA,
          pltpu.SemaphoreType.DMA,
          pltpu.SemaphoreType.DMA,
          pltpu.SemaphoreType.DMA,
      ],
  )
  return f(ex, idx0, idx1, x1, x2, biasf, s0, s1, e0, e1)


def kernel(expanded_x, expanded_row_idx, x1, x2, bias, scales, expert_idx,
           drop_pad_mode=0):
  idx0 = expanded_row_idx[:N]
  idx1 = expanded_row_idx[N:]
  biasf = bias.reshape(E * H)
  s0 = scales[:, 0]
  s1 = scales[:, 1]
  e0 = expert_idx[:, 0]
  e1 = expert_idx[:, 1]
  return _run(expanded_x, idx0, idx1, x1, x2, biasf, s0, s1, e0, e1)

# --- scband reference (transcript-rebuilt; emitter-appended) ---
"""Pipeline reference for scband-model-21260088115735 (READ-ONLY COPY).

The authoritative reference and input builder live on the scoring server;
editing this copy changes nothing except your own understanding.
"""

import jax, jax.numpy as jnp
import numpy as np


def setup_inputs(seed: int = 0) -> dict:
    key = jax.random.key(seed)
    ks = jax.random.split(key, 7)
    num_rows, K, H, E = 16384, 2, 1024, 16
    expanded_x = jax.random.normal(ks[0], (num_rows * K, H), dtype=jnp.float32)
    expanded_row_idx = jax.random.randint(ks[1], (num_rows * K,), 0, num_rows * K, dtype=jnp.int32)
    x1 = jax.random.normal(ks[2], (num_rows, H), dtype=jnp.float32)
    x2 = jax.random.normal(ks[3], (num_rows, H), dtype=jnp.float32)
    bias = jax.random.normal(ks[4], (E, H), dtype=jnp.float32)
    scales = jax.random.uniform(ks[5], (num_rows, K), dtype=jnp.float32)
    expert_idx = jax.random.randint(ks[6], (num_rows, K), 0, E, dtype=jnp.int32)
    return {"expanded_x": expanded_x, "expanded_row_idx": expanded_row_idx, "x1": x1,
            "x2": x2, "bias": bias, "scales": scales, "expert_idx": expert_idx,
            "drop_pad_mode": 0}


def reference(expanded_x, expanded_row_idx, x1, x2, bias, scales, expert_idx, drop_pad_mode=0):
    # Faithful translation of npu_moe_finalize_routing (drop_pad_mode=0):
    # out[i, :] = x1[i, :] + x2[i, :]
    #           + sum_k scales[i, k] * (expanded_x[expanded_row_idx[i + k*num_rows], :]
    #                                   + bias[expert_idx[i, k], :])
    num_rows, K = scales.shape
    # expanded_row_idx is laid out as idx[k * num_rows + i]
    idx = expanded_row_idx.reshape(K, num_rows)                 # [K, num_rows]
    gathered = jnp.take(expanded_x, idx, axis=0)                # [K, num_rows, H]
    b = jnp.take(bias, expert_idx, axis=0)                      # [num_rows, K, H]
    b = jnp.transpose(b, (1, 0, 2))                             # [K, num_rows, H]
    s = jnp.transpose(scales)[:, :, None]                       # [K, num_rows, 1]
    out = x1 + x2 + jnp.sum(s * (gathered + b), axis=0)        # [num_rows, H]
    return out

if __name__ == "__main__":
    import jax
    _d = setup_inputs()
    print(jax.jit(kernel)(*tuple(_d.values())))

</pallas_src>

<mosaic_0001>
#map = affine_map<(d0, d1) -> (0, 0)>
#map1 = affine_map<(d0, d1) -> (0)>
module attributes {stable_mosaic.version = 14 : i64} {
  func.func @_body(%arg0: i32, %arg1: i32, %arg2: memref<32768x1024xf32, #tpu.memory_space<hbm>>, %arg3: memref<16384xi32, #tpu.memory_space<hbm>>, %arg4: memref<16384xi32, #tpu.memory_space<hbm>>, %arg5: memref<16384x1024xf32, #tpu.memory_space<hbm>>, %arg6: memref<16384x1024xf32, #tpu.memory_space<hbm>>, %arg7: memref<16384xf32, #tpu.memory_space<hbm>>, %arg8: memref<16384xf32, #tpu.memory_space<hbm>>, %arg9: memref<16384xf32, #tpu.memory_space<hbm>>, %arg10: memref<16384xi32, #tpu.memory_space<hbm>>, %arg11: memref<16384xi32, #tpu.memory_space<hbm>>, %arg12: memref<16384x1024xf32, #tpu.memory_space<hbm>>, %arg13: memref<512xi32, #tpu.memory_space<vmem>>, %arg14: memref<512xi32, #tpu.memory_space<vmem>>, %arg15: memref<512xf32, #tpu.memory_space<vmem>>, %arg16: memref<512xf32, #tpu.memory_space<vmem>>, %arg17: memref<512xi32, #tpu.memory_space<vmem>>, %arg18: memref<512xi32, #tpu.memory_space<vmem>>, %arg19: memref<16384xf32, #tpu.memory_space<vmem>>, %arg20: memref<2x8x1024xf32, #tpu.memory_space<vmem>>, %arg21: memref<2x8x1024xf32, #tpu.memory_space<vmem>>, %arg22: memref<2x8x1024xf32, #tpu.memory_space<vmem>>, %arg23: memref<2x8x1024xf32, #tpu.memory_space<vmem>>, %arg24: memref<2x8x1024xf32, #tpu.memory_space<vmem>>, %arg25: memref<!tpu.dma_semaphore, #tpu.memory_space<semaphore_mem>>, %arg26: memref<!tpu.dma_semaphore, #tpu.memory_space<semaphore_mem>>, %arg27: memref<!tpu.dma_semaphore, #tpu.memory_space<semaphore_mem>>, %arg28: memref<!tpu.dma_semaphore, #tpu.memory_space<semaphore_mem>>) attributes {dimension_semantics = [#tpu.dimension_semantics<core_parallel>, #tpu.dimension_semantics<subcore_parallel>], iteration_bounds = array<i64: 2, 16>, scalar_prefetch = 0 : i64, scratch_operands = 16 : i64, tpu.core_type = #tpu.core_type<sc_vector_subcore>, window_params = [{transform_indices = #map}, {transform_indices = #map1}, {transform_indices = #map1}, {transform_indices = #map}, {transform_indices = #map}, {transform_indices = #map1}, {transform_indices = #map1}, {transform_indices = #map1}, {transform_indices = #map1}, {transform_indices = #map1}, {transform_indices = #map}]} {
    %mul3A = arith.constant 2 : i32
    %mul3A_0 = arith.muli %arg1, %mul3A : i32
    %add3A = arith.addi %mul3A_0, %arg0 : i32
    %mul3A_1 = arith.constant 512 : i32
    %mul3A_2 = arith.muli %add3A, %mul3A_1 : i32
    "tpu.region"() ({
      %run_scoped3A = tpu.sem_alloc : memref<!tpu.dma_semaphore, #tpu.memory_space<semaphore_mem>>
      %dma_start3A_95 = tpu.memref_slice %arg3[%mul3A_2] : memref<16384xi32, #tpu.memory_space<hbm>> -> memref<512xi32, #tpu.memory_space<hbm>>
      %dma_start3A_96 = tpu.memref_slice %arg3[%mul3A_2] : memref<16384xi32, #tpu.memory_space<hbm>> -> memref<512xi32, #tpu.memory_space<hbm>>
      tpu.enqueue_dma source(%dma_start3A_96 : memref<512xi32, #tpu.memory_space<hbm>>) target(%arg13 : memref<512xi32, #tpu.memory_space<vmem>>) target_semaphore(%run_scoped3A : memref<!tpu.dma_semaphore, #tpu.memory_space<semaphore_mem>>)
      %dma_wait3A_97 = tpu.memref_slice %arg3[%mul3A_2] : memref<16384xi32, #tpu.memory_space<hbm>> -> memref<512xi32, #tpu.memory_space<hbm>>
      %dma_wait3A_98 = tpu.memref_slice %arg3[%mul3A_2] : memref<16384xi32, #tpu.memory_space<hbm>> -> memref<512xi32, #tpu.memory_space<hbm>>
      tpu.wait_dma2 semaphore(%run_scoped3A : memref<!tpu.dma_semaphore, #tpu.memory_space<semaphore_mem>>) src(%dma_wait3A_98 : memref<512xi32, #tpu.memory_space<hbm>>) dst(%arg13 : memref<512xi32, #tpu.memory_space<vmem>>)
      tpu.yield
    }) : () -> ()
    "tpu.region"() ({
      %run_scoped3A = tpu.sem_alloc : memref<!tpu.dma_semaphore, #tpu.memory_space<semaphore_mem>>
      %dma_start3A_95 = tpu.memref_slice %arg4[%mul3A_2] : memref<16384xi32, #tpu.memory_space<hbm>> -> memref<512xi32, #tpu.memory_space<hbm>>
      %dma_start3A_96 = tpu.memref_slice %arg4[%mul3A_2] : memref<16384xi32, #tpu.memory_space<hbm>> -> memref<512xi32, #tpu.memory_space<hbm>>
      tpu.enqueue_dma source(%dma_start3A_96 : memref<512xi32, #tpu.memory_space<hbm>>) target(%arg14 : memref<512xi32, #tpu.memory_space<vmem>>) target_semaphore(%run_scoped3A : memref<!tpu.dma_semaphore, #tpu.memory_space<semaphore_mem>>)
      %dma_wait3A_97 = tpu.memref_slice %arg4[%mul3A_2] : memref<16384xi32, #tpu.memory_space<hbm>> -> memref<512xi32, #tpu.memory_space<hbm>>
      %dma_wait3A_98 = tpu.memref_slice %arg4[%mul3A_2] : memref<16384xi32, #tpu.memory_space<hbm>> -> memref<512xi32, #tpu.memory_space<hbm>>
      tpu.wait_dma2 semaphore(%run_scoped3A : memref<!tpu.dma_semaphore, #tpu.memory_space<semaphore_mem>>) src(%dma_wait3A_98 : memref<512xi32, #tpu.memory_space<hbm>>) dst(%arg14 : memref<512xi32, #tpu.memory_space<vmem>>)
      tpu.yield
    }) : () -> ()
    "tpu.region"() ({
      %run_scoped3A = tpu.sem_alloc : memref<!tpu.dma_semaphore, #tpu.memory_space<semaphore_mem>>
      %dma_start3A_95 = tpu.memref_slice %arg8[%mul3A_2] : memref<16384xf32, #tpu.memory_space<hbm>> -> memref<512xf32, #tpu.memory_space<hbm>>
      %dma_start3A_96 = tpu.memref_slice %arg8[%mul3A_2] : memref<16384xf32, #tpu.memory_space<hbm>> -> memref<512xf32, #tpu.memory_space<hbm>>
      tpu.enqueue_dma source(%dma_start3A_96 : memref<512xf32, #tpu.memory_space<hbm>>) target(%arg15 : memref<512xf32, #tpu.memory_space<vmem>>) target_semaphore(%run_scoped3A : memref<!tpu.dma_semaphore, #tpu.memory_space<semaphore_mem>>)
      %dma_wait3A_97 = tpu.memref_slice %arg8[%mul3A_2] : memref<16384xf32, #tpu.memory_space<hbm>> -> memref<512xf32, #tpu.memory_space<hbm>>
      %dma_wait3A_98 = tpu.memref_slice %arg8[%mul3A_2] : memref<16384xf32, #tpu.memory_space<hbm>> -> memref<512xf32, #tpu.memory_space<hbm>>
      tpu.wait_dma2 semaphore(%run_scoped3A : memref<!tpu.dma_semaphore, #tpu.memory_space<semaphore_mem>>) src(%dma_wait3A_98 : memref<512xf32, #tpu.memory_space<hbm>>) dst(%arg15 : memref<512xf32, #tpu.memory_space<vmem>>)
      tpu.yield
    }) : () -> ()
    "tpu.region"() ({
      %run_scoped3A = tpu.sem_alloc : memref<!tpu.dma_semaphore, #tpu.memory_space<semaphore_mem>>
      %dma_start3A_95 = tpu.memref_slice %arg9[%mul3A_2] : memref<16384xf32, #tpu.memory_space<hbm>> -> memref<512xf32, #tpu.memory_space<hbm>>
      %dma_start3A_96 = tpu.memref_slice %arg9[%mul3A_2] : memref<16384xf32, #tpu.memory_space<hbm>> -> memref<512xf32, #tpu.memory_space<hbm>>
      tpu.enqueue_dma source(%dma_start3A_96 : memref<512xf32, #tpu.memory_space<hbm>>) target(%arg16 : memref<512xf32, #tpu.memory_space<vmem>>) target_semaphore(%run_scoped3A : memref<!tpu.dma_semaphore, #tpu.memory_space<semaphore_mem>>)
      %dma_wait3A_97 = tpu.memref_slice %arg9[%mul3A_2] : memref<16384xf32, #tpu.memory_space<hbm>> -> memref<512xf32, #tpu.memory_space<hbm>>
      %dma_wait3A_98 = tpu.memref_slice %arg9[%mul3A_2] : memref<16384xf32, #tpu.memory_space<hbm>> -> memref<512xf32, #tpu.memory_space<hbm>>
      tpu.wait_dma2 semaphore(%run_scoped3A : memref<!tpu.dma_semaphore, #tpu.memory_space<semaphore_mem>>) src(%dma_wait3A_98 : memref<512xf32, #tpu.memory_space<hbm>>) dst(%arg16 : memref<512xf32, #tpu.memory_space<vmem>>)
      tpu.yield
    }) : () -> ()
    "tpu.region"() ({
      %run_scoped3A = tpu.sem_alloc : memref<!tpu.dma_semaphore, #tpu.memory_space<semaphore_mem>>
      %dma_start3A_95 = tpu.memref_slice %arg10[%mul3A_2] : memref<16384xi32, #tpu.memory_space<hbm>> -> memref<512xi32, #tpu.memory_space<hbm>>
      %dma_start3A_96 = tpu.memref_slice %arg10[%mul3A_2] : memref<16384xi32, #tpu.memory_space<hbm>> -> memref<512xi32, #tpu.memory_space<hbm>>
      tpu.enqueue_dma source(%dma_start3A_96 : memref<512xi32, #tpu.memory_space<hbm>>) target(%arg17 : memref<512xi32, #tpu.memory_space<vmem>>) target_semaphore(%run_scoped3A : memref<!tpu.dma_semaphore, #tpu.memory_space<semaphore_mem>>)
      %dma_wait3A_97 = tpu.memref_slice %arg10[%mul3A_2] : memref<16384xi32, #tpu.memory_space<hbm>> -> memref<512xi32, #tpu.memory_space<hbm>>
      %dma_wait3A_98 = tpu.memref_slice %arg10[%mul3A_2] : memref<16384xi32, #tpu.memory_space<hbm>> -> memref<512xi32, #tpu.memory_space<hbm>>
      tpu.wait_dma2 semaphore(%run_scoped3A : memref<!tpu.dma_semaphore, #tpu.memory_space<semaphore_mem>>) src(%dma_wait3A_98 : memref<512xi32, #tpu.memory_space<hbm>>) dst(%arg17 : memref<512xi32, #tpu.memory_space<vmem>>)
      tpu.yield
    }) : () -> ()
    "tpu.region"() ({
      %run_scoped3A = tpu.sem_alloc : memref<!tpu.dma_semaphore, #tpu.memory_space<semaphore_mem>>
      %dma_start3A_95 = tpu.memref_slice %arg11[%mul3A_2] : memref<16384xi32, #tpu.memory_space<hbm>> -> memref<512xi32, #tpu.memory_space<hbm>>
      %dma_start3A_96 = tpu.memref_slice %arg11[%mul3A_2] : memref<16384xi32, #tpu.memory_space<hbm>> -> memref<512xi32, #tpu.memory_space<hbm>>
      tpu.enqueue_dma source(%dma_start3A_96 : memref<512xi32, #tpu.memory_space<hbm>>) target(%arg18 : memref<512xi32, #tpu.memory_space<vmem>>) target_semaphore(%run_scoped3A : memref<!tpu.dma_semaphore, #tpu.memory_space<semaphore_mem>>)
      %dma_wait3A_97 = tpu.memref_slice %arg11[%mul3A_2] : memref<16384xi32, #tpu.memory_space<hbm>> -> memref<512xi32, #tpu.memory_space<hbm>>
      %dma_wait3A_98 = tpu.memref_slice %arg11[%mul3A_2] : memref<16384xi32, #tpu.memory_space<hbm>> -> memref<512xi32, #tpu.memory_space<hbm>>
      tpu.wait_dma2 semaphore(%run_scoped3A : memref<!tpu.dma_semaphore, #tpu.memory_space<semaphore_mem>>) src(%dma_wait3A_98 : memref<512xi32, #tpu.memory_space<hbm>>) dst(%arg18 : memref<512xi32, #tpu.memory_space<vmem>>)
      tpu.yield
    }) : () -> ()
    "tpu.region"() ({
      %run_scoped3A = tpu.sem_alloc : memref<!tpu.dma_semaphore, #tpu.memory_space<semaphore_mem>>
      tpu.enqueue_dma source(%arg7 : memref<16384xf32, #tpu.memory_space<hbm>>) target(%arg19 : memref<16384xf32, #tpu.memory_space<vmem>>) target_semaphore(%run_scoped3A : memref<!tpu.dma_semaphore, #tpu.memory_space<semaphore_mem>>)
      tpu.wait_dma2 semaphore(%run_scoped3A : memref<!tpu.dma_semaphore, #tpu.memory_space<semaphore_mem>>) src(%arg7 : memref<16384xf32, #tpu.memory_space<hbm>>) dst(%arg19 : memref<16384xf32, #tpu.memory_space<vmem>>)
      tpu.yield
    }) : () -> ()
    %iota3A = tpu.iota {dimensions = array<i32: 0>} : vector<16xi32>
    %mul3A_3 = arith.constant 0 : i32
    %mul3A_4 = arith.constant 8 : i32
    %mul3A_5 = arith.muli %mul3A_3, %mul3A_4 : i32
    %add3A_6 = arith.addi %mul3A_2, %mul3A_5 : i32
    %mul3A_7 = arith.constant 0 : i32
    %mul3A_8 = arith.constant 8 : i32
    %mul3A_9 = arith.muli %mul3A_7, %mul3A_8 : i32
    %dma_start3A = arith.constant 0 : i32
    %dma_start3A_10 = arith.constant 0 : i32
    %dma_start3A_11 = arith.constant 0 : i32
    %dma_start3A_12 = tpu.memref_slice %arg20[%dma_start3A, %dma_start3A_10, %dma_start3A_11] : memref<2x8x1024xf32, #tpu.memory_space<vmem>> -> memref<1x8x1024xf32, #tpu.memory_space<vmem>>
    %dma_start3A_13 = tpu.memref_squeeze %dma_start3A_12 : memref<1x8x1024xf32, #tpu.memory_space<vmem>> -> memref<8x1024xf32, #tpu.memory_space<vmem>>
    %dma_start3A_14 = tpu.memref_slice %arg13[%mul3A_9] : memref<512xi32, #tpu.memory_space<vmem>> -> memref<8xi32, #tpu.memory_space<vmem>>
    %dma_start3A_15 = arith.constant 0 : i32
    %dma_start3A_16 = arith.constant 0 : i32
    %dma_start3A_17 = tpu.memref_slice %arg2[%dma_start3A_15, %dma_start3A_16] : memref<32768x1024xf32, #tpu.memory_space<hbm>> -> memref<32768x1024xf32, #tpu.memory_space<hbm>>
    tpu.enqueue_indirect_dma source(%dma_start3A_17 : memref<32768x1024xf32, #tpu.memory_space<hbm>>) target(%dma_start3A_13 : memref<8x1024xf32, #tpu.memory_space<vmem>>) offsets(%dma_start3A_14 : memref<8xi32, #tpu.memory_space<vmem>>) semaphore(%arg25 : memref<!tpu.dma_semaphore, #tpu.memory_space<semaphore_mem>>)
    %mul3A_18 = arith.constant 0 : i32
    %mul3A_19 = arith.constant 8 : i32
    %mul3A_20 = arith.muli %mul3A_18, %mul3A_19 : i32
    %dma_start3A_21 = arith.constant 0 : i32
    %dma_start3A_22 = arith.constant 0 : i32
    %dma_start3A_23 = arith.constant 0 : i32
    %dma_start3A_24 = tpu.memref_slice %arg21[%dma_start3A_21, %dma_start3A_22, %dma_start3A_23] : memref<2x8x1024xf32, #tpu.memory_space<vmem>> -> memref<1x8x1024xf32, #tpu.memory_space<vmem>>
    %dma_start3A_25 = tpu.memref_squeeze %dma_start3A_24 : memref<1x8x1024xf32, #tpu.memory_space<vmem>> -> memref<8x1024xf32, #tpu.memory_space<vmem>>
    %dma_start3A_26 = tpu.memref_slice %arg14[%mul3A_20] : memref<512xi32, #tpu.memory_space<vmem>> -> memref<8xi32, #tpu.memory_space<vmem>>
    %dma_start3A_27 = arith.constant 0 : i32
    %dma_start3A_28 = arith.constant 0 : i32
    %dma_start3A_29 = tpu.memref_slice %arg2[%dma_start3A_27, %dma_start3A_28] : memref<32768x1024xf32, #tpu.memory_space<hbm>> -> memref<32768x1024xf32, #tpu.memory_space<hbm>>
    tpu.enqueue_indirect_dma source(%dma_start3A_29 : memref<32768x1024xf32, #tpu.memory_space<hbm>>) target(%dma_start3A_25 : memref<8x1024xf32, #tpu.memory_space<vmem>>) offsets(%dma_start3A_26 : memref<8xi32, #tpu.memory_space<vmem>>) semaphore(%arg25 : memref<!tpu.dma_semaphore, #tpu.memory_space<semaphore_mem>>)
    %dma_start3A_30 = arith.constant 0 : i32
    %dma_start3A_31 = arith.constant 0 : i32
    %dma_start3A_32 = arith.constant 0 : i32
    %dma_start3A_33 = tpu.memref_slice %arg22[%dma_start3A_30, %dma_start3A_31, %dma_start3A_32] : memref<2x8x1024xf32, #tpu.memory_space<vmem>> -> memref<1x8x1024xf32, #tpu.memory_space<vmem>>
    %dma_start3A_34 = tpu.memref_squeeze %dma_start3A_33 : memref<1x8x1024xf32, #tpu.memory_space<vmem>> -> memref<8x1024xf32, #tpu.memory_space<vmem>>
    %dma_start3A_35 = arith.constant 0 : i32
    %dma_start3A_36 = tpu.memref_slice %arg5[%add3A_6, %dma_start3A_35] : memref<16384x1024xf32, #tpu.memory_space<hbm>> -> memref<8x1024xf32, #tpu.memory_space<hbm>>
    %dma_start3A_37 = arith.constant 0 : i32
    %dma_start3A_38 = arith.constant 0 : i32
    %dma_start3A_39 = tpu.memref_slice %arg22[%dma_start3A_30, %dma_start3A_37, %dma_start3A_38] : memref<2x8x1024xf32, #tpu.memory_space<vmem>> -> memref<1x8x1024xf32, #tpu.memory_space<vmem>>
    %dma_start3A_40 = tpu.memref_squeeze %dma_start3A_39 : memref<1x8x1024xf32, #tpu.memory_space<vmem>> -> memref<8x1024xf32, #tpu.memory_space<vmem>>
    %dma_start3A_41 = arith.constant 0 : i32
    %dma_start3A_42 = tpu.memref_slice %arg5[%add3A_6, %dma_start3A_41] : memref<16384x1024xf32, #tpu.memory_space<hbm>> -> memref<8x1024xf32, #tpu.memory_space<hbm>>
    tpu.enqueue_dma source(%dma_start3A_42 : memref<8x1024xf32, #tpu.memory_space<hbm>>) target(%dma_start3A_40 : memref<8x1024xf32, #tpu.memory_space<vmem>>) target_semaphore(%arg25 : memref<!tpu.dma_semaphore, #tpu.memory_space<semaphore_mem>>)
    %dma_start3A_43 = arith.constant 0 : i32
    %dma_start3A_44 = arith.constant 0 : i32
    %dma_start3A_45 = arith.constant 0 : i32
    %dma_start3A_46 = tpu.memref_slice %arg23[%dma_start3A_43, %dma_start3A_44, %dma_start3A_45] : memref<2x8x1024xf32, #tpu.memory_space<vmem>> -> memref<1x8x1024xf32, #tpu.memory_space<vmem>>
    %dma_start3A_47 = tpu.memref_squeeze %dma_start3A_46 : memref<1x8x1024xf32, #tpu.memory_space<vmem>> -> memref<8x1024xf32, #tpu.memory_space<vmem>>
    %dma_start3A_48 = arith.constant 0 : i32
    %dma_start3A_49 = tpu.memref_slice %arg6[%add3A_6, %dma_start3A_48] : memref<16384x1024xf32, #tpu.memory_space<hbm>> -> memref<8x1024xf32, #tpu.memory_space<hbm>>
    %dma_start3A_50 = arith.constant 0 : i32
    %dma_start3A_51 = arith.constant 0 : i32
    %dma_start3A_52 = tpu.memref_slice %arg23[%dma_start3A_43, %dma_start3A_50, %dma_start3A_51] : memref<2x8x1024xf32, #tpu.memory_space<vmem>> -> memref<1x8x1024xf32, #tpu.memory_space<vmem>>
    %dma_start3A_53 = tpu.memref_squeeze %dma_start3A_52 : memref<1x8x1024xf32, #tpu.memory_space<vmem>> -> memref<8x1024xf32, #tpu.memory_space<vmem>>
    %dma_start3A_54 = arith.constant 0 : i32
    %dma_start3A_55 = tpu.memref_slice %arg6[%add3A_6, %dma_start3A_54] : memref<16384x1024xf32, #tpu.memory_space<hbm>> -> memref<8x1024xf32, #tpu.memory_space<hbm>>
    tpu.enqueue_dma source(%dma_start3A_55 : memref<8x1024xf32, #tpu.memory_space<hbm>>) target(%dma_start3A_53 : memref<8x1024xf32, #tpu.memory_space<vmem>>) target_semaphore(%arg25 : memref<!tpu.dma_semaphore, #tpu.memory_space<semaphore_mem>>)
    %scan3A = arith.constant 0 : i32
    %scan3A_56 = arith.constant 0 : i32
    %scan3A_57 = arith.constant 32 : i32
    %scan3A_58 = arith.addi %scan3A_56, %scan3A_57 : i32
    %scan3A_59 = arith.constant 1 : i32
    %scan3A_60 = scf.for %scan3A_95 = %scan3A_56 to %scan3A_58 step %scan3A_59 iter_args(%scan3A_96 = %scan3A) -> (i32)  : i32 {
      %mul3A_97 = arith.constant 2 : i32
      %mul3A_98 = arith.muli %mul3A_97, %scan3A_95 : i32
      %add3A_99 = arith.constant 1 : i32
      %add3A_100 = arith.addi %mul3A_98, %add3A_99 : i32
      %mul3A_101 = arith.constant 8 : i32
      %mul3A_102 = arith.muli %add3A_100, %mul3A_101 : i32
      %add3A_103 = arith.addi %mul3A_2, %mul3A_102 : i32
      %mul3A_104 = arith.constant 8 : i32
      %mul3A_105 = arith.muli %add3A_100, %mul3A_104 : i32
      %dma_start3A_106 = arith.constant 1 : i32
      %dma_start3A_107 = arith.constant 0 : i32
      %dma_start3A_108 = arith.constant 0 : i32
      %dma_start3A_109 = tpu.memref_slice %arg20[%dma_start3A_106, %dma_start3A_107, %dma_start3A_108] : memref<2x8x1024xf32, #tpu.memory_space<vmem>> -> memref<1x8x1024xf32, #tpu.memory_space<vmem>>
      %dma_start3A_110 = tpu.memref_squeeze %dma_start3A_109 : memref<1x8x1024xf32, #tpu.memory_space<vmem>> -> memref<8x1024xf32, #tpu.memory_space<vmem>>
      %dma_start3A_111 = tpu.memref_slice %arg13[%mul3A_105] : memref<512xi32, #tpu.memory_space<vmem>> -> memref<8xi32, #tpu.memory_space<vmem>>
      %dma_start3A_112 = arith.constant 0 : i32
      %dma_start3A_113 = arith.constant 0 : i32
      %dma_start3A_114 = tpu.memref_slice %arg2[%dma_start3A_112, %dma_start3A_113] : memref<32768x1024xf32, #tpu.memory_space<hbm>> -> memref<32768x1024xf32, #tpu.memory_space<hbm>>
      tpu.enqueue_indirect_dma source(%dma_start3A_114 : memref<32768x1024xf32, #tpu.memory_space<hbm>>) target(%dma_start3A_110 : memref<8x1024xf32, #tpu.memory_space<vmem>>) offsets(%dma_start3A_111 : memref<8xi32, #tpu.memory_space<vmem>>) semaphore(%arg26 : memref<!tpu.dma_semaphore, #tpu.memory_space<semaphore_mem>>)
      %mul3A_115 = arith.constant 8 : i32
      %mul3A_116 = arith.muli %add3A_100, %mul3A_115 : i32
      %dma_start3A_117 = arith.constant 1 : i32
      %dma_start3A_118 = arith.constant 0 : i32
      %dma_start3A_119 = arith.constant 0 : i32
      %dma_start3A_120 = tpu.memref_slice %arg21[%dma_start3A_117, %dma_start3A_118, %dma_start3A_119] : memref<2x8x1024xf32, #tpu.memory_space<vmem>> -> memref<1x8x1024xf32, #tpu.memory_space<vmem>>
      %dma_start3A_121 = tpu.memref_squeeze %dma_start3A_120 : memref<1x8x1024xf32, #tpu.memory_space<vmem>> -> memref<8x1024xf32, #tpu.memory_space<vmem>>
      %dma_start3A_122 = tpu.memref_slice %arg14[%mul3A_116] : memref<512xi32, #tpu.memory_space<vmem>> -> memref<8xi32, #tpu.memory_space<vmem>>
      %dma_start3A_123 = arith.constant 0 : i32
      %dma_start3A_124 = arith.constant 0 : i32
      %dma_start3A_125 = tpu.memref_slice %arg2[%dma_start3A_123, %dma_start3A_124] : memref<32768x1024xf32, #tpu.memory_space<hbm>> -> memref<32768x1024xf32, #tpu.memory_space<hbm>>
      tpu.enqueue_indirect_dma source(%dma_start3A_125 : memref<32768x1024xf32, #tpu.memory_space<hbm>>) target(%dma_start3A_121 : memref<8x1024xf32, #tpu.memory_space<vmem>>) offsets(%dma_start3A_122 : memref<8xi32, #tpu.memory_space<vmem>>) semaphore(%arg26 : memref<!tpu.dma_semaphore, #tpu.memory_space<semaphore_mem>>)
      %dma_start3A_126 = arith.constant 1 : i32
      %dma_start3A_127 = arith.constant 0 : i32
      %dma_start3A_128 = arith.constant 0 : i32
      %dma_start3A_129 = tpu.memref_slice %arg22[%dma_start3A_126, %dma_start3A_127, %dma_start3A_128] : memref<2x8x1024xf32, #tpu.memory_space<vmem>> -> memref<1x8x1024xf32, #tpu.memory_space<vmem>>
      %dma_start3A_130 = tpu.memref_squeeze %dma_start3A_129 : memref<1x8x1024xf32, #tpu.memory_space<vmem>> -> memref<8x1024xf32, #tpu.memory_space<vmem>>
      %dma_start3A_131 = arith.constant 0 : i32
      %dma_start3A_132 = tpu.memref_slice %arg5[%add3A_103, %dma_start3A_131] : memref<16384x1024xf32, #tpu.memory_space<hbm>> -> memref<8x1024xf32, #tpu.memory_space<hbm>>
      %dma_start3A_133 = arith.constant 0 : i32
      %dma_start3A_134 = arith.constant 0 : i32
      %dma_start3A_135 = tpu.memref_slice %arg22[%dma_start3A_126, %dma_start3A_133, %dma_start3A_134] : memref<2x8x1024xf32, #tpu.memory_space<vmem>> -> memref<1x8x1024xf32, #tpu.memory_space<vmem>>
      %dma_start3A_136 = tpu.memref_squeeze %dma_start3A_135 : memref<1x8x1024xf32, #tpu.memory_space<vmem>> -> memref<8x1024xf32, #tpu.memory_space<vmem>>
      %dma_start3A_137 = arith.constant 0 : i32
      %dma_start3A_138 = tpu.memref_slice %arg5[%add3A_103, %dma_start3A_137] : memref<16384x1024xf32, #tpu.memory_space<hbm>> -> memref<8x1024xf32, #tpu.memory_space<hbm>>
      tpu.enqueue_dma source(%dma_start3A_138 : memref<8x1024xf32, #tpu.memory_space<hbm>>) target(%dma_start3A_136 : memref<8x1024xf32, #tpu.memory_space<vmem>>) target_semaphore(%arg26 : memref<!tpu.dma_semaphore, #tpu.memory_space<semaphore_mem>>)
      %dma_start3A_139 = arith.constant 1 : i32
      %dma_start3A_140 = arith.constant 0 : i32
      %dma_start3A_141 = arith.constant 0 : i32
      %dma_start3A_142 = tpu.memref_slice %arg23[%dma_start3A_139, %dma_start3A_140, %dma_start3A_141] : memref<2x8x1024xf32, #tpu.memory_space<vmem>> -> memref<1x8x1024xf32, #tpu.memory_space<vmem>>
      %dma_start3A_143 = tpu.memref_squeeze %dma_start3A_142 : memref<1x8x1024xf32, #tpu.memory_space<vmem>> -> memref<8x1024xf32, #tpu.memory_space<vmem>>
      %dma_start3A_144 = arith.constant 0 : i32
      %dma_start3A_145 = tpu.memref_slice %arg6[%add3A_103, %dma_start3A_144] : memref<16384x1024xf32, #tpu.memory_space<hbm>> -> memref<8x1024xf32, #tpu.memory_space<hbm>>
      %dma_start3A_146 = arith.constant 0 : i32
      %dma_start3A_147 = arith.constant 0 : i32
      %dma_start3A_148 = tpu.memref_slice %arg23[%dma_start3A_139, %dma_start3A_146, %dma_start3A_147] : memref<2x8x1024xf32, #tpu.memory_space<vmem>> -> memref<1x8x1024xf32, #tpu.memory_space<vmem>>
      %dma_start3A_149 = tpu.memref_squeeze %dma_start3A_148 : memref<1x8x1024xf32, #tpu.memory_space<vmem>> -> memref<8x1024xf32, #tpu.memory_space<vmem>>
      %dma_start3A_150 = arith.constant 0 : i32
      %dma_start3A_151 = tpu.memref_slice %arg6[%add3A_103, %dma_start3A_150] : memref<16384x1024xf32, #tpu.memory_space<hbm>> -> memref<8x1024xf32, #tpu.memory_space<hbm>>
      tpu.enqueue_dma source(%dma_start3A_151 : memref<8x1024xf32, #tpu.memory_space<hbm>>) target(%dma_start3A_149 : memref<8x1024xf32, #tpu.memory_space<vmem>>) target_semaphore(%arg26 : memref<!tpu.dma_semaphore, #tpu.memory_space<semaphore_mem>>)
      %mul3A_152 = arith.constant 8 : i32
      %mul3A_153 = arith.muli %mul3A_98, %mul3A_152 : i32
      %dma_wait3A_154 = arith.constant 0 : i32
      %dma_wait3A_155 = arith.constant 0 : i32
      %dma_wait3A_156 = arith.constant 0 : i32
      %dma_wait3A_157 = tpu.memref_slice %arg20[%dma_wait3A_154, %dma_wait3A_155, %dma_wait3A_156] : memref<2x8x1024xf32, #tpu.memory_space<vmem>> -> memref<1x8x1024xf32, #tpu.memory_space<vmem>>
      %dma_wait3A_158 = tpu.memref_squeeze %dma_wait3A_157 : memref<1x8x1024xf32, #tpu.memory_space<vmem>> -> memref<8x1024xf32, #tpu.memory_space<vmem>>
      %dma_wait3A_159 = tpu.memref_slice %arg13[%mul3A_153] : memref<512xi32, #tpu.memory_space<vmem>> -> memref<8xi32, #tpu.memory_space<vmem>>
      %dma_wait3A_160 = arith.constant 0 : i32
      %dma_wait3A_161 = arith.constant 0 : i32
      %dma_wait3A_162 = tpu.memref_slice %arg2[%dma_wait3A_160, %dma_wait3A_161] : memref<32768x1024xf32, #tpu.memory_space<hbm>> -> memref<32768x1024xf32, #tpu.memory_space<hbm>>
      tpu.wait_indirect_dma semaphore(%arg25 : memref<!tpu.dma_semaphore, #tpu.memory_space<semaphore_mem>>) src(%dma_wait3A_162 : memref<32768x1024xf32, #tpu.memory_space<hbm>>) dst(%dma_wait3A_158 : memref<8x1024xf32, #tpu.memory_space<vmem>>)
      %mul3A_163 = arith.constant 8 : i32
      %mul3A_164 = arith.muli %mul3A_98, %mul3A_163 : i32
      %dma_wait3A_165 = arith.constant 0 : i32
      %dma_wait3A_166 = arith.constant 0 : i32
      %dma_wait3A_167 = arith.constant 0 : i32
      %dma_wait3A_168 = tpu.memref_slice %arg21[%dma_wait3A_165, %dma_wait3A_166, %dma_wait3A_167] : memref<2x8x1024xf32, #tpu.memory_space<vmem>> -> memref<1x8x1024xf32, #tpu.memory_space<vmem>>
      %dma_wait3A_169 = tpu.memref_squeeze %dma_wait3A_168 : memref<1x8x1024xf32, #tpu.memory_space<vmem>> -> memref<8x1024xf32, #tpu.memory_space<vmem>>
      %dma_wait3A_170 = tpu.memref_slice %arg14[%mul3A_164] : memref<512xi32, #tpu.memory_space<vmem>> -> memref<8xi32, #tpu.memory_space<vmem>>
      %dma_wait3A_171 = arith.constant 0 : i32
      %dma_wait3A_172 = arith.constant 0 : i32
      %dma_wait3A_173 = tpu.memref_slice %arg2[%dma_wait3A_171, %dma_wait3A_172] : memref<32768x1024xf32, #tpu.memory_space<hbm>> -> memref<32768x1024xf32, #tpu.memory_space<hbm>>
      tpu.wait_indirect_dma semaphore(%arg25 : memref<!tpu.dma_semaphore, #tpu.memory_space<semaphore_mem>>) src(%dma_wait3A_173 : memref<32768x1024xf32, #tpu.memory_space<hbm>>) dst(%dma_wait3A_169 : memref<8x1024xf32, #tpu.memory_space<vmem>>)
      %mul3A_174 = arith.constant 8 : i32
      %mul3A_175 = arith.muli %mul3A_98, %mul3A_174 : i32
      %add3A_176 = arith.addi %mul3A_2, %mul3A_175 : i32
      %dma_wait3A_177 = arith.constant 0 : i32
      %dma_wait3A_178 = arith.constant 0 : i32
      %dma_wait3A_179 = arith.constant 0 : i32
      %dma_wait3A_180 = tpu.memref_slice %arg22[%dma_wait3A_177, %dma_wait3A_178, %dma_wait3A_179] : memref<2x8x1024xf32, #tpu.memory_space<vmem>> -> memref<1x8x1024xf32, #tpu.memory_space<vmem>>
      %dma_wait3A_181 = tpu.memref_squeeze %dma_wait3A_180 : memref<1x8x1024xf32, #tpu.memory_space<vmem>> -> memref<8x1024xf32, #tpu.memory_space<vmem>>
      %dma_wait3A_182 = arith.constant 0 : i32
      %dma_wait3A_183 = tpu.memref_slice %arg5[%add3A_176, %dma_wait3A_182] : memref<16384x1024xf32, #tpu.memory_space<hbm>> -> memref<8x1024xf32, #tpu.memory_space<hbm>>
      %dma_wait3A_184 = arith.constant 0 : i32
      %dma_wait3A_185 = arith.constant 0 : i32
      %dma_wait3A_186 = tpu.memref_slice %arg22[%dma_wait3A_177, %dma_wait3A_184, %dma_wait3A_185] : memref<2x8x1024xf32, #tpu.memory_space<vmem>> -> memref<1x8x1024xf32, #tpu.memory_space<vmem>>
      %dma_wait3A_187 = tpu.memref_squeeze %dma_wait3A_186 : memref<1x8x1024xf32, #tpu.memory_space<vmem>> -> memref<8x1024xf32, #tpu.memory_space<vmem>>
      %dma_wait3A_188 = arith.constant 0 : i32
      %dma_wait3A_189 = tpu.memref_slice %arg5[%add3A_176, %dma_wait3A_188] : memref<16384x1024xf32, #tpu.memory_space<hbm>> -> memref<8x1024xf32, #tpu.memory_space<hbm>>
      tpu.wait_dma2 semaphore(%arg25 : memref<!tpu.dma_semaphore, #tpu.memory_space<semaphore_mem>>) src(%dma_wait3A_189 : memref<8x1024xf32, #tpu.memory_space<hbm>>) dst(%dma_wait3A_187 : memref<8x1024xf32, #tpu.memory_space<vmem>>)
      %dma_wait3A_190 = arith.constant 0 : i32
      %dma_wait3A_191 = arith.constant 0 : i32
      %dma_wait3A_192 = arith.constant 0 : i32
      %dma_wait3A_193 = tpu.memref_slice %arg23[%dma_wait3A_190, %dma_wait3A_191, %dma_wait3A_192] : memref<2x8x1024xf32, #tpu.memory_space<vmem>> -> memref<1x8x1024xf32, #tpu.memory_space<vmem>>
      %dma_wait3A_194 = tpu.memref_squeeze %dma_wait3A_193 : memref<1x8x1024xf32, #tpu.memory_space<vmem>> -> memref<8x1024xf32, #tpu.memory_space<vmem>>
      %dma_wait3A_195 = arith.constant 0 : i32
      %dma_wait3A_196 = tpu.memref_slice %arg6[%add3A_176, %dma_wait3A_195] : memref<16384x1024xf32, #tpu.memory_space<hbm>> -> memref<8x1024xf32, #tpu.memory_space<hbm>>
      %dma_wait3A_197 = arith.constant 0 : i32
      %dma_wait3A_198 = arith.constant 0 : i32
      %dma_wait3A_199 = tpu.memref_slice %arg23[%dma_wait3A_190, %dma_wait3A_197, %dma_wait3A_198] : memref<2x8x1024xf32, #tpu.memory_space<vmem>> -> memref<1x8x1024xf32, #tpu.memory_space<vmem>>
      %dma_wait3A_200 = tpu.memref_squeeze %dma_wait3A_199 : memref<1x8x1024xf32, #tpu.memory_space<vmem>> -> memref<8x1024xf32, #tpu.memory_space<vmem>>
      %dma_wait3A_201 = arith.constant 0 : i32
      %dma_wait3A_202 = tpu.memref_slice %arg6[%add3A_176, %dma_wait3A_201] : memref<16384x1024xf32, #tpu.memory_space<hbm>> -> memref<8x1024xf32, #tpu.memory_space<hbm>>
      tpu.wait_dma2 semaphore(%arg25 : memref<!tpu.dma_semaphore, #tpu.memory_space<semaphore_mem>>) src(%dma_wait3A_202 : memref<8x1024xf32, #tpu.memory_space<hbm>>) dst(%dma_wait3A_200 : memref<8x1024xf32, #tpu.memory_space<vmem>>)
      %ge3A = arith.constant 2 : i32
      %ge3A_203 = arith.cmpi sge, %mul3A_98, %ge3A : i32
      %convert_element_type3A = arith.extui %ge3A_203 : i1 to i32
      %cond3A = arith.constant 0 : i32
      %cond3A_204 = arith.cmpi ne, %convert_element_type3A, %cond3A : i32
      scf.if %cond3A_204 {
        %sub3A = arith.constant 2 : i32
        %sub3A_575 = arith.subi %mul3A_98, %sub3A : i32
        %mul3A_576 = arith.constant 8 : i32
        %mul3A_577 = arith.muli %sub3A_575, %mul3A_576 : i32
        %add3A_578 = arith.addi %mul3A_2, %mul3A_577 : i32
        %dma_wait3A_579 = arith.constant 0 : i32
        %dma_wait3A_580 = arith.constant 0 : i32
        %dma_wait3A_581 = arith.constant 0 : i32
        %dma_wait3A_582 = tpu.memref_slice %arg24[%dma_wait3A_579, %dma_wait3A_580, %dma_wait3A_581] : memref<2x8x1024xf32, #tpu.memory_space<vmem>> -> memref<1x8x1024xf32, #tpu.memory_space<vmem>>
        %dma_wait3A_583 = tpu.memref_squeeze %dma_wait3A_582 : memref<1x8x1024xf32, #tpu.memory_space<vmem>> -> memref<8x1024xf32, #tpu.memory_space<vmem>>
        %dma_wait3A_584 = arith.constant 0 : i32
        %dma_wait3A_585 = tpu.memref_slice %arg12[%add3A_578, %dma_wait3A_584] : memref<16384x1024xf32, #tpu.memory_space<hbm>> -> memref<8x1024xf32, #tpu.memory_space<hbm>>
        %dma_wait3A_586 = arith.constant 0 : i32
        %dma_wait3A_587 = tpu.memref_slice %arg12[%add3A_578, %dma_wait3A_586] : memref<16384x1024xf32, #tpu.memory_space<hbm>> -> memref<8x1024xf32, #tpu.memory_space<hbm>>
        %dma_wait3A_588 = arith.constant 0 : i32
        %dma_wait3A_589 = arith.constant 0 : i32
        %dma_wait3A_590 = tpu.memref_slice %arg24[%dma_wait3A_579, %dma_wait3A_588, %dma_wait3A_589] : memref<2x8x1024xf32, #tpu.memory_space<vmem>> -> memref<1x8x1024xf32, #tpu.memory_space<vmem>>
        %dma_wait3A_591 = tpu.memref_squeeze %dma_wait3A_590 : memref<1x8x1024xf32, #tpu.memory_space<vmem>> -> memref<8x1024xf32, #tpu.memory_space<vmem>>
        tpu.wait_dma2 semaphore(%arg27 : memref<!tpu.dma_semaphore, #tpu.memory_space<semaphore_mem>>) src(%dma_wait3A_591 : memref<8x1024xf32, #tpu.memory_space<vmem>>) dst(%dma_wait3A_587 : memref<8x1024xf32, #tpu.memory_space<hbm>>)
      } else {
      }
      %mul3A_205 = arith.constant 8 : i32
      %mul3A_206 = arith.muli %mul3A_98, %mul3A_205 : i32
      %add3A_207 = arith.constant 0 : i32
      %add3A_208 = arith.addi %mul3A_206, %add3A_207 : i32
      %broadcast_in_dim3A = vector.broadcast %add3A_208 : i32 to vector<16xi32>
      %gather3A = tpu.vector_load_idx %arg15[%broadcast_in_dim3A] : memref<512xf32, #tpu.memory_space<vmem>>[vector<16xi32>], vector<16xf32>,
      %gather3A_209 = tpu.vector_load_idx %arg16[%broadcast_in_dim3A] : memref<512xf32, #tpu.memory_space<vmem>>[vector<16xi32>], vector<16xf32>,
      %gather3A_210 = tpu.vector_load_idx %arg17[%broadcast_in_dim3A] : memref<512xi32, #tpu.memory_space<vmem>>[vector<16xi32>], vector<16xi32>,
      %mul3A_211 = arith.constant 1024 : i32
      %mul3A_212 = vector.broadcast %mul3A_211 : i32 to vector<16xi32>
      %mul3A_213 = arith.muli %gather3A_210, %mul3A_212 : vector<16xi32>
      %add3A_214 = arith.addi %mul3A_213, %iota3A : vector<16xi32>
      %gather3A_215 = tpu.vector_load_idx %arg18[%broadcast_in_dim3A] : memref<512xi32, #tpu.memory_space<vmem>>[vector<16xi32>], vector<16xi32>,
      %mul3A_216 = arith.constant 1024 : i32
      %mul3A_217 = vector.broadcast %mul3A_216 : i32 to vector<16xi32>
      %mul3A_218 = arith.muli %gather3A_215, %mul3A_217 : vector<16xi32>
      %add3A_219 = arith.addi %mul3A_218, %iota3A : vector<16xi32>
      %mul3A_220 = arith.constant 8 : i32
      %mul3A_221 = arith.muli %mul3A_98, %mul3A_220 : i32
      %add3A_222 = arith.constant 1 : i32
      %add3A_223 = arith.addi %mul3A_221, %add3A_222 : i32
      %broadcast_in_dim3A_224 = vector.broadcast %add3A_223 : i32 to vector<16xi32>
      %gather3A_225 = tpu.vector_load_idx %arg15[%broadcast_in_dim3A_224] : memref<512xf32, #tpu.memory_space<vmem>>[vector<16xi32>], vector<16xf32>,
      %gather3A_226 = tpu.vector_load_idx %arg16[%broadcast_in_dim3A_224] : memref<512xf32, #tpu.memory_space<vmem>>[vector<16xi32>], vector<16xf32>,
      %gather3A_227 = tpu.vector_load_idx %arg17[%broadcast_in_dim3A_224] : memref<512xi32, #tpu.memory_space<vmem>>[vector<16xi32>], vector<16xi32>,
      %mul3A_228 = arith.constant 1024 : i32
      %mul3A_229 = vector.broadcast %mul3A_228 : i32 to vector<16xi32>
      %mul3A_230 = arith.muli %gather3A_227, %mul3A_229 : vector<16xi32>
      %add3A_231 = arith.addi %mul3A_230, %iota3A : vector<16xi32>
      %gather3A_232 = tpu.vector_load_idx %arg18[%broadcast_in_dim3A_224] : memref<512xi32, #tpu.memory_space<vmem>>[vector<16xi32>], vector<16xi32>,
      %mul3A_233 = arith.constant 1024 : i32
      %mul3A_234 = vector.broadcast %mul3A_233 : i32 to vector<16xi32>
      %mul3A_235 = arith.muli %gather3A_232, %mul3A_234 : vector<16xi32>
      %add3A_236 = arith.addi %mul3A_235, %iota3A : vector<16xi32>
      %mul3A_237 = arith.constant 8 : i32
      %mul3A_238 = arith.muli %mul3A_98, %mul3A_237 : i32
      %add3A_239 = arith.constant 2 : i32
      %add3A_240 = arith.addi %mul3A_238, %add3A_239 : i32
      %broadcast_in_dim3A_241 = vector.broadcast %add3A_240 : i32 to vector<16xi32>
      %gather3A_242 = tpu.vector_load_idx %arg15[%broadcast_in_dim3A_241] : memref<512xf32, #tpu.memory_space<vmem>>[vector<16xi32>], vector<16xf32>,
      %gather3A_243 = tpu.vector_load_idx %arg16[%broadcast_in_dim3A_241] : memref<512xf32, #tpu.memory_space<vmem>>[vector<16xi32>], vector<16xf32>,
      %gather3A_244 = tpu.vector_load_idx %arg17[%broadcast_in_dim3A_241] : memref<512xi32, #tpu.memory_space<vmem>>[vector<16xi32>], vector<16xi32>,
      %mul3A_245 = arith.constant 1024 : i32
      %mul3A_246 = vector.broadcast %mul3A_245 : i32 to vector<16xi32>
      %mul3A_247 = arith.muli %gather3A_244, %mul3A_246 : vector<16xi32>
      %add3A_248 = arith.addi %mul3A_247, %iota3A : vector<16xi32>
      %gather3A_249 = tpu.vector_load_idx %arg18[%broadcast_in_dim3A_241] : memref<512xi32, #tpu.memory_space<vmem>>[vector<16xi32>], vector<16xi32>,
      %mul3A_250 = arith.constant 1024 : i32
      %mul3A_251 = vector.broadcast %mul3A_250 : i32 to vector<16xi32>
      %mul3A_252 = arith.muli %gather3A_249, %mul3A_251 : vector<16xi32>
      %add3A_253 = arith.addi %mul3A_252, %iota3A : vector<16xi32>
      %mul3A_254 = arith.constant 8 : i32
      %mul3A_255 = arith.muli %mul3A_98, %mul3A_254 : i32
      %add3A_256 = arith.constant 3 : i32
      %add3A_257 = arith.addi %mul3A_255, %add3A_256 : i32
      %broadcast_in_dim3A_258 = vector.broadcast %add3A_257 : i32 to vector<16xi32>
      %gather3A_259 = tpu.vector_load_idx %arg15[%broadcast_in_dim3A_258] : memref<512xf32, #tpu.memory_space<vmem>>[vector<16xi32>], vector<16xf32>,
      %gather3A_260 = tpu.vector_load_idx %arg16[%broadcast_in_dim3A_258] : memref<512xf32, #tpu.memory_space<vmem>>[vector<16xi32>], vector<16xf32>,
      %gather3A_261 = tpu.vector_load_idx %arg17[%broadcast_in_dim3A_258] : memref<512xi32, #tpu.memory_space<vmem>>[vector<16xi32>], vector<16xi32>,
      %mul3A_262 = arith.constant 1024 : i32
      %mul3A_263 = vector.broadcast %mul3A_262 : i32 to vector<16xi32>
      %mul3A_264 = arith.muli %gather3A_261, %mul3A_263 : vector<16xi32>
      %add3A_265 = arith.addi %mul3A_264, %iota3A : vector<16xi32>
      %gather3A_266 = tpu.vector_load_idx %arg18[%broadcast_in_dim3A_258] : memref<512xi32, #tpu.memory_space<vmem>>[vector<16xi32>], vector<16xi32>,
      %mul3A_267 = arith.constant 1024 : i32
      %mul3A_268 = vector.broadcast %mul3A_267 : i32 to vector<16xi32>
      %mul3A_269 = arith.muli %gather3A_266, %mul3A_268 : vector<16xi32>
      %add3A_270 = arith.addi %mul3A_269, %iota3A : vector<16xi32>
      %mul3A_271 = arith.constant 8 : i32
      %mul3A_272 = arith.muli %mul3A_98, %mul3A_271 : i32
      %add3A_273 = arith.constant 4 : i32
      %add3A_274 = arith.addi %mul3A_272, %add3A_273 : i32
      %broadcast_in_dim3A_275 = vector.broadcast %add3A_274 : i32 to vector<16xi32>
      %gather3A_276 = tpu.vector_load_idx %arg15[%broadcast_in_dim3A_275] : memref<512xf32, #tpu.memory_space<vmem>>[vector<16xi32>], vector<16xf32>,
      %gather3A_277 = tpu.vector_load_idx %arg16[%broadcast_in_dim3A_275] : memref<512xf32, #tpu.memory_space<vmem>>[vector<16xi32>], vector<16xf32>,
      %gather3A_278 = tpu.vector_load_idx %arg17[%broadcast_in_dim3A_275] : memref<512xi32, #tpu.memory_space<vmem>>[vector<16xi32>], vector<16xi32>,
      %mul3A_279 = arith.constant 1024 : i32
      %mul3A_280 = vector.broadcast %mul3A_279 : i32 to vector<16xi32>
      %mul3A_281 = arith.muli %gather3A_278, %mul3A_280 : vector<16xi32>
      %add3A_282 = arith.addi %mul3A_281, %iota3A : vector<16xi32>
      %gather3A_283 = tpu.vector_load_idx %arg18[%broadcast_in_dim3A_275] : memref<512xi32, #tpu.memory_space<vmem>>[vector<16xi32>], vector<16xi32>,
      %mul3A_284 = arith.constant 1024 : i32
      %mul3A_285 = vector.broadcast %mul3A_284 : i32 to vector<16xi32>
      %mul3A_286 = arith.muli %gather3A_283, %mul3A_285 : vector<16xi32>
      %add3A_287 = arith.addi %mul3A_286, %iota3A : vector<16xi32>
      %mul3A_288 = arith.constant 8 : i32
      %mul3A_289 = arith.muli %mul3A_98, %mul3A_288 : i32
      %add3A_290 = arith.constant 5 : i32
      %add3A_291 = arith.addi %mul3A_289, %add3A_290 : i32
      %broadcast_in_dim3A_292 = vector.broadcast %add3A_291 : i32 to vector<16xi32>
      %gather3A_293 = tpu.vector_load_idx %arg15[%broadcast_in_dim3A_292] : memref<512xf32, #tpu.memory_space<vmem>>[vector<16xi32>], vector<16xf32>,
      %gather3A_294 = tpu.vector_load_idx %arg16[%broadcast_in_dim3A_292] : memref<512xf32, #tpu.memory_space<vmem>>[vector<16xi32>], vector<16xf32>,
      %gather3A_295 = tpu.vector_load_idx %arg17[%broadcast_in_dim3A_292] : memref<512xi32, #tpu.memory_space<vmem>>[vector<16xi32>], vector<16xi32>,
      %mul3A_296 = arith.constant 1024 : i32
      %mul3A_297 = vector.broadcast %mul3A_296 : i32 to vector<16xi32>
      %mul3A_298 = arith.muli %gather3A_295, %mul3A_297 : vector<16xi32>
      %add3A_299 = arith.addi %mul3A_298, %iota3A : vector<16xi32>
      %gather3A_300 = tpu.vector_load_idx %arg18[%broadcast_in_dim3A_292] : memref<512xi32, #tpu.memory_space<vmem>>[vector<16xi32>], vector<16xi32>,
      %mul3A_301 = arith.constant 1024 : i32
      %mul3A_302 = vector.broadcast %mul3A_301 : i32 to vector<16xi32>
      %mul3A_303 = arith.muli %gather3A_300, %mul3A_302 : vector<16xi32>
      %add3A_304 = arith.addi %mul3A_303, %iota3A : vector<16xi32>
      %mul3A_305 = arith.constant 8 : i32
      %mul3A_306 = arith.muli %mul3A_98, %mul3A_305 : i32
      %add3A_307 = arith.constant 6 : i32
      %add3A_308 = arith.addi %mul3A_306, %add3A_307 : i32
      %broadcast_in_dim3A_309 = vector.broadcast %add3A_308 : i32 to vector<16xi32>
      %gather3A_310 = tpu.vector_load_idx %arg15[%broadcast_in_dim3A_309] : memref<512xf32, #tpu.memory_space<vmem>>[vector<16xi32>], vector<16xf32>,
      %gather3A_311 = tpu.vector_load_idx %arg16[%broadcast_in_dim3A_309] : memref<512xf32, #tpu.memory_space<vmem>>[vector<16xi32>], vector<16xf32>,
      %gather3A_312 = tpu.vector_load_idx %arg17[%broadcast_in_dim3A_309] : memref<512xi32, #tpu.memory_space<vmem>>[vector<16xi32>], vector<16xi32>,
      %mul3A_313 = arith.constant 1024 : i32
      %mul3A_314 = vector.broadcast %mul3A_313 : i32 to vector<16xi32>
      %mul3A_315 = arith.muli %gather3A_312, %mul3A_314 : vector<16xi32>
      %add3A_316 = arith.addi %mul3A_315, %iota3A : vector<16xi32>
      %gather3A_317 = tpu.vector_load_idx %arg18[%broadcast_in_dim3A_309] : memref<512xi32, #tpu.memory_space<vmem>>[vector<16xi32>], vector<16xi32>,
      %mul3A_318 = arith.constant 1024 : i32
      %mul3A_319 = vector.broadcast %mul3A_318 : i32 to vector<16xi32>
      %mul3A_320 = arith.muli %gather3A_317, %mul3A_319 : vector<16xi32>
      %add3A_321 = arith.addi %mul3A_320, %iota3A : vector<16xi32>
      %mul3A_322 = arith.constant 8 : i32
      %mul3A_323 = arith.muli %mul3A_98, %mul3A_322 : i32
      %add3A_324 = arith.constant 7 : i32
      %add3A_325 = arith.addi %mul3A_323, %add3A_324 : i32
      %broadcast_in_dim3A_326 = vector.broadcast %add3A_325 : i32 to vector<16xi32>
      %gather3A_327 = tpu.vector_load_idx %arg15[%broadcast_in_dim3A_326] : memref<512xf32, #tpu.memory_space<vmem>>[vector<16xi32>], vector<16xf32>,
      %gather3A_328 = tpu.vector_load_idx %arg16[%broadcast_in_dim3A_326] : memref<512xf32, #tpu.memory_space<vmem>>[vector<16xi32>], vector<16xf32>,
      %gather3A_329 = tpu.vector_load_idx %arg17[%broadcast_in_dim3A_326] : memref<512xi32, #tpu.memory_space<vmem>>[vector<16xi32>], vector<16xi32>,
      %mul3A_330 = arith.constant 1024 : i32
      %mul3A_331 = vector.broadcast %mul3A_330 : i32 to vector<16xi32>
      %mul3A_332 = arith.muli %gather3A_329, %mul3A_331 : vector<16xi32>
      %add3A_333 = arith.addi %mul3A_332, %iota3A : vector<16xi32>
      %gather3A_334 = tpu.vector_load_idx %arg18[%broadcast_in_dim3A_326] : memref<512xi32, #tpu.memory_space<vmem>>[vector<16xi32>], vector<16xi32>,
      %mul3A_335 = arith.constant 1024 : i32
      %mul3A_336 = vector.broadcast %mul3A_335 : i32 to vector<16xi32>
      %mul3A_337 = arith.muli %gather3A_334, %mul3A_336 : vector<16xi32>
      %add3A_338 = arith.addi %mul3A_337, %iota3A : vector<16xi32>
      %parallel_loop3A = arith.constant 0 : i32
      %parallel_loop3A_339 = arith.constant 64 : i32
      %parallel_loop3A_340 = arith.constant 1 : i32
      scf.for %parallel_loop3A_575 = %parallel_loop3A to %parallel_loop3A_339 step %parallel_loop3A_340  : i32 {
        %parallel_loop3A_576 = arith.constant 16 : i32
        %parallel_loop3A_577 = arith.muli %parallel_loop3A_575, %parallel_loop3A_576 : i32
        %parallel_loop3A_578 = arith.constant 0 : i32
        %parallel_loop3A_579 = arith.constant 0 : i32
        %parallel_loop3A_580 = arith.index_cast %parallel_loop3A_578 : i32 to index
        %parallel_loop3A_581 = arith.index_cast %parallel_loop3A_579 : i32 to index
        %parallel_loop3A_582 = arith.index_cast %parallel_loop3A_577 : i32 to index
        %parallel_loop3A_583 = tpu.vector_load %arg20[%parallel_loop3A_580, %parallel_loop3A_581, %parallel_loop3A_582] {strides = array<i32>} : memref<2x8x1024xf32, #tpu.memory_space<vmem>>, vector<16xf32>,
        %parallel_loop3A_584 = arith.constant 0 : i32
        %parallel_loop3A_585 = arith.constant 0 : i32
        %parallel_loop3A_586 = arith.index_cast %parallel_loop3A_584 : i32 to index
        %parallel_loop3A_587 = arith.index_cast %parallel_loop3A_585 : i32 to index
        %parallel_loop3A_588 = arith.index_cast %parallel_loop3A_577 : i32 to index
        %parallel_loop3A_589 = tpu.vector_load %arg21[%parallel_loop3A_586, %parallel_loop3A_587, %parallel_loop3A_588] {strides = array<i32>} : memref<2x8x1024xf32, #tpu.memory_space<vmem>>, vector<16xf32>,
        %parallel_loop3A_590 = arith.constant 0 : i32
        %parallel_loop3A_591 = arith.constant 0 : i32
        %parallel_loop3A_592 = arith.index_cast %parallel_loop3A_590 : i32 to index
        %parallel_loop3A_593 = arith.index_cast %parallel_loop3A_591 : i32 to index
        %parallel_loop3A_594 = arith.index_cast %parallel_loop3A_577 : i32 to index
        %parallel_loop3A_595 = tpu.vector_load %arg22[%parallel_loop3A_592, %parallel_loop3A_593, %parallel_loop3A_594] {strides = array<i32>} : memref<2x8x1024xf32, #tpu.memory_space<vmem>>, vector<16xf32>,
        %parallel_loop3A_596 = arith.constant 0 : i32
        %parallel_loop3A_597 = arith.constant 0 : i32
        %parallel_loop3A_598 = arith.index_cast %parallel_loop3A_596 : i32 to index
        %parallel_loop3A_599 = arith.index_cast %parallel_loop3A_597 : i32 to index
        %parallel_loop3A_600 = arith.index_cast %parallel_loop3A_577 : i32 to index
        %parallel_loop3A_601 = tpu.vector_load %arg23[%parallel_loop3A_598, %parallel_loop3A_599, %parallel_loop3A_600] {strides = array<i32>} : memref<2x8x1024xf32, #tpu.memory_space<vmem>>, vector<16xf32>,
        %parallel_loop3A_602 = vector.broadcast %parallel_loop3A_577 : i32 to vector<16xi32>
        %parallel_loop3A_603 = arith.addi %add3A_214, %parallel_loop3A_602 : vector<16xi32>
        %parallel_loop3A_604 = tpu.vector_load_idx %arg19[%parallel_loop3A_603] : memref<16384xf32, #tpu.memory_space<vmem>>[vector<16xi32>], vector<16xf32>,
        %parallel_loop3A_605 = vector.broadcast %parallel_loop3A_577 : i32 to vector<16xi32>
        %parallel_loop3A_606 = arith.addi %add3A_219, %parallel_loop3A_605 : vector<16xi32>
        %parallel_loop3A_607 = tpu.vector_load_idx %arg19[%parallel_loop3A_606] : memref<16384xf32, #tpu.memory_space<vmem>>[vector<16xi32>], vector<16xf32>,
        %parallel_loop3A_608 = arith.addf %parallel_loop3A_595, %parallel_loop3A_601 : vector<16xf32>
        %parallel_loop3A_609 = arith.addf %parallel_loop3A_583, %parallel_loop3A_604 : vector<16xf32>
        %parallel_loop3A_610 = arith.mulf %gather3A, %parallel_loop3A_609 : vector<16xf32>
        %parallel_loop3A_611 = arith.addf %parallel_loop3A_608, %parallel_loop3A_610 : vector<16xf32>
        %parallel_loop3A_612 = arith.addf %parallel_loop3A_589, %parallel_loop3A_607 : vector<16xf32>
        %parallel_loop3A_613 = arith.mulf %gather3A_209, %parallel_loop3A_612 : vector<16xf32>
        %parallel_loop3A_614 = arith.addf %parallel_loop3A_611, %parallel_loop3A_613 : vector<16xf32>
        %parallel_loop3A_615 = arith.constant 0 : i32
        %parallel_loop3A_616 = arith.constant 0 : i32
        %parallel_loop3A_617 = arith.index_cast %parallel_loop3A_615 : i32 to index
        %parallel_loop3A_618 = arith.index_cast %parallel_loop3A_616 : i32 to index
        %parallel_loop3A_619 = arith.index_cast %parallel_loop3A_577 : i32 to index
        %parallel_loop3A_620 = tpu.vector_load %arg24[%parallel_loop3A_617, %parallel_loop3A_618, %parallel_loop3A_619] {strides = array<i32>} : memref<2x8x1024xf32, #tpu.memory_space<vmem>>, vector<16xf32>,
        tpu.vector_store %arg24[%parallel_loop3A_617, %parallel_loop3A_618, %parallel_loop3A_619], %parallel_loop3A_614 {strides = array<i32>} : memref<2x8x1024xf32, #tpu.memory_space<vmem>>, vector<16xf32>,
        %parallel_loop3A_621 = arith.constant 0 : i32
        %parallel_loop3A_622 = arith.constant 1 : i32
        %parallel_loop3A_623 = arith.index_cast %parallel_loop3A_621 : i32 to index
        %parallel_loop3A_624 = arith.index_cast %parallel_loop3A_622 : i32 to index
        %parallel_loop3A_625 = arith.index_cast %parallel_loop3A_577 : i32 to index
        %parallel_loop3A_626 = tpu.vector_load %arg20[%parallel_loop3A_623, %parallel_loop3A_624, %parallel_loop3A_625] {strides = array<i32>} : memref<2x8x1024xf32, #tpu.memory_space<vmem>>, vector<16xf32>,
        %parallel_loop3A_627 = arith.constant 0 : i32
        %parallel_loop3A_628 = arith.constant 1 : i32
        %parallel_loop3A_629 = arith.index_cast %parallel_loop3A_627 : i32 to index
        %parallel_loop3A_630 = arith.index_cast %parallel_loop3A_628 : i32 to index
        %parallel_loop3A_631 = arith.index_cast %parallel_loop3A_577 : i32 to index
        %parallel_loop3A_632 = tpu.vector_load %arg21[%parallel_loop3A_629, %parallel_loop3A_630, %parallel_loop3A_631] {strides = array<i32>} : memref<2x8x1024xf32, #tpu.memory_space<vmem>>, vector<16xf32>,
        %parallel_loop3A_633 = arith.constant 0 : i32
        %parallel_loop3A_634 = arith.constant 1 : i32
        %parallel_loop3A_635 = arith.index_cast %parallel_loop3A_633 : i32 to index
        %parallel_loop3A_636 = arith.index_cast %parallel_loop3A_634 : i32 to index
        %parallel_loop3A_637 = arith.index_cast %parallel_loop3A_577 : i32 to index
        %parallel_loop3A_638 = tpu.vector_load %arg22[%parallel_loop3A_635, %parallel_loop3A_636, %parallel_loop3A_637] {strides = array<i32>} : memref<2x8x1024xf32, #tpu.memory_space<vmem>>, vector<16xf32>,
        %parallel_loop3A_639 = arith.constant 0 : i32
        %parallel_loop3A_640 = arith.constant 1 : i32
        %parallel_loop3A_641 = arith.index_cast %parallel_loop3A_639 : i32 to index
        %parallel_loop3A_642 = arith.index_cast %parallel_loop3A_640 : i32 to index
        %parallel_loop3A_643 = arith.index_cast %parallel_loop3A_577 : i32 to index
        %parallel_loop3A_644 = tpu.vector_load %arg23[%parallel_loop3A_641, %parallel_loop3A_642, %parallel_loop3A_643] {strides = array<i32>} : memref<2x8x1024xf32, #tpu.memory_space<vmem>>, vector<16xf32>,
        %parallel_loop3A_645 = vector.broadcast %parallel_loop3A_577 : i32 to vector<16xi32>
        %parallel_loop3A_646 = arith.addi %add3A_231, %parallel_loop3A_645 : vector<16xi32>
        %parallel_loop3A_647 = tpu.vector_load_idx %arg19[%parallel_loop3A_646] : memref<16384xf32, #tpu.memory_space<vmem>>[vector<16xi32>], vector<16xf32>,
        %parallel_loop3A_648 = vector.broadcast %parallel_loop3A_577 : i32 to vector<16xi32>
        %parallel_loop3A_649 = arith.addi %add3A_236, %parallel_loop3A_648 : vector<16xi32>
        %parallel_loop3A_650 = tpu.vector_load_idx %arg19[%parallel_loop3A_649] : memref<16384xf32, #tpu.memory_space<vmem>>[vector<16xi32>], vector<16xf32>,
        %parallel_loop3A_651 = arith.addf %parallel_loop3A_638, %parallel_loop3A_644 : vector<16xf32>
        %parallel_loop3A_652 = arith.addf %parallel_loop3A_626, %parallel_loop3A_647 : vector<16xf32>
        %parallel_loop3A_653 = arith.mulf %gather3A_225, %parallel_loop3A_652 : vector<16xf32>
        %parallel_loop3A_654 = arith.addf %parallel_loop3A_651, %parallel_loop3A_653 : vector<16xf32>
        %parallel_loop3A_655 = arith.addf %parallel_loop3A_632, %parallel_loop3A_650 : vector<16xf32>
        %parallel_loop3A_656 = arith.mulf %gather3A_226, %parallel_loop3A_655 : vector<16xf32>
        %parallel_loop3A_657 = arith.addf %parallel_loop3A_654, %parallel_loop3A_656 : vector<16xf32>
        %parallel_loop3A_658 = arith.constant 0 : i32
        %parallel_loop3A_659 = arith.constant 1 : i32
        %parallel_loop3A_660 = arith.index_cast %parallel_loop3A_658 : i32 to index
        %parallel_loop3A_661 = arith.index_cast %parallel_loop3A_659 : i32 to index
        %parallel_loop3A_662 = arith.index_cast %parallel_loop3A_577 : i32 to index
        %parallel_loop3A_663 = tpu.vector_load %arg24[%parallel_loop3A_660, %parallel_loop3A_661, %parallel_loop3A_662] {strides = array<i32>} : memref<2x8x1024xf32, #tpu.memory_space<vmem>>, vector<16xf32>,
        tpu.vector_store %arg24[%parallel_loop3A_660, %parallel_loop3A_661, %parallel_loop3A_662], %parallel_loop3A_657 {strides = array<i32>} : memref<2x8x1024xf32, #tpu.memory_space<vmem>>, vector<16xf32>,
        %parallel_loop3A_664 = arith.constant 0 : i32
        %parallel_loop3A_665 = arith.constant 2 : i32
        %parallel_loop3A_666 = arith.index_cast %parallel_loop3A_664 : i32 to index
        %parallel_loop3A_667 = arith.index_cast %parallel_loop3A_665 : i32 to index
        %parallel_loop3A_668 = arith.index_cast %parallel_loop3A_577 : i32 to index
        %parallel_loop3A_669 = tpu.vector_load %arg20[%parallel_loop3A_666, %parallel_loop3A_667, %parallel_loop3A_668] {strides = array<i32>} : memref<2x8x1024xf32, #tpu.memory_space<vmem>>, vector<16xf32>,
        %parallel_loop3A_670 = arith.constant 0 : i32
        %parallel_loop3A_671 = arith.constant 2 : i32
        %parallel_loop3A_672 = arith.index_cast %parallel_loop3A_670 : i32 to index
        %parallel_loop3A_673 = arith.index_cast %parallel_loop3A_671 : i32 to index
        %parallel_loop3A_674 = arith.index_cast %parallel_loop3A_577 : i32 to index
        %parallel_loop3A_675 = tpu.vector_load %arg21[%parallel_loop3A_672, %parallel_loop3A_673, %parallel_loop3A_674] {strides = array<i32>} : memref<2x8x1024xf32, #tpu.memory_space<vmem>>, vector<16xf32>,
        %parallel_loop3A_676 = arith.constant 0 : i32
        %parallel_loop3A_677 = arith.constant 2 : i32
        %parallel_loop3A_678 = arith.index_cast %parallel_loop3A_676 : i32 to index
        %parallel_loop3A_679 = arith.index_cast %parallel_loop3A_677 : i32 to index
        %parallel_loop3A_680 = arith.index_cast %parallel_loop3A_577 : i32 to index
        %parallel_loop3A_681 = tpu.vector_load %arg22[%parallel_loop3A_678, %parallel_loop3A_679, %parallel_loop3A_680] {strides = array<i32>} : memref<2x8x1024xf32, #tpu.memory_space<vmem>>, vector<16xf32>,
        %parallel_loop3A_682 = arith.constant 0 : i32
        %parallel_loop3A_683 = arith.constant 2 : i32
        %parallel_loop3A_684 = arith.index_cast %parallel_loop3A_682 : i32 to index
        %parallel_loop3A_685 = arith.index_cast %parallel_loop3A_683 : i32 to index
        %parallel_loop3A_686 = arith.index_cast %parallel_loop3A_577 : i32 to index
        %parallel_loop3A_687 = tpu.vector_load %arg23[%parallel_loop3A_684, %parallel_loop3A_685, %parallel_loop3A_686] {strides = array<i32>} : memref<2x8x1024xf32, #tpu.memory_space<vmem>>, vector<16xf32>,
        %parallel_loop3A_688 = vector.broadcast %parallel_loop3A_577 : i32 to vector<16xi32>
        %parallel_loop3A_689 = arith.addi %add3A_248, %parallel_loop3A_688 : vector<16xi32>
        %parallel_loop3A_690 = tpu.vector_load_idx %arg19[%parallel_loop3A_689] : memref<16384xf32, #tpu.memory_space<vmem>>[vector<16xi32>], vector<16xf32>,
        %parallel_loop3A_691 = vector.broadcast %parallel_loop3A_577 : i32 to vector<16xi32>
        %parallel_loop3A_692 = arith.addi %add3A_253, %parallel_loop3A_691 : vector<16xi32>
        %parallel_loop3A_693 = tpu.vector_load_idx %arg19[%parallel_loop3A_692] : memref<16384xf32, #tpu.memory_space<vmem>>[vector<16xi32>], vector<16xf32>,
        %parallel_loop3A_694 = arith.addf %parallel_loop3A_681, %parallel_loop3A_687 : vector<16xf32>
        %parallel_loop3A_695 = arith.addf %parallel_loop3A_669, %parallel_loop3A_690 : vector<16xf32>
        %parallel_loop3A_696 = arith.mulf %gather3A_242, %parallel_loop3A_695 : vector<16xf32>
        %parallel_loop3A_697 = arith.addf %parallel_loop3A_694, %parallel_loop3A_696 : vector<16xf32>
        %parallel_loop3A_698 = arith.addf %parallel_loop3A_675, %parallel_loop3A_693 : vector<16xf32>
        %parallel_loop3A_699 = arith.mulf %gather3A_243, %parallel_loop3A_698 : vector<16xf32>
        %parallel_loop3A_700 = arith.addf %parallel_loop3A_697, %parallel_loop3A_699 : vector<16xf32>
        %parallel_loop3A_701 = arith.constant 0 : i32
        %parallel_loop3A_702 = arith.constant 2 : i32
        %parallel_loop3A_703 = arith.index_cast %parallel_loop3A_701 : i32 to index
        %parallel_loop3A_704 = arith.index_cast %parallel_loop3A_702 : i32 to index
        %parallel_loop3A_705 = arith.index_cast %parallel_loop3A_577 : i32 to index
        %parallel_loop3A_706 = tpu.vector_load %arg24[%parallel_loop3A_703, %parallel_loop3A_704, %parallel_loop3A_705] {strides = array<i32>} : memref<2x8x1024xf32, #tpu.memory_space<vmem>>, vector<16xf32>,
        tpu.vector_store %arg24[%parallel_loop3A_703, %parallel_loop3A_704, %parallel_loop3A_705], %parallel_loop3A_700 {strides = array<i32>} : memref<2x8x1024xf32, #tpu.memory_space<vmem>>, vector<16xf32>,
        %parallel_loop3A_707 = arith.constant 0 : i32
        %parallel_loop3A_708 = arith.constant 3 : i32
        %parallel_loop3A_709 = arith.index_cast %parallel_loop3A_707 : i32 to index
        %parallel_loop3A_710 = arith.index_cast %parallel_loop3A_708 : i32 to index
        %parallel_loop3A_711 = arith.index_cast %parallel_loop3A_577 : i32 to index
        %parallel_loop3A_712 = tpu.vector_load %arg20[%parallel_loop3A_709, %parallel_loop3A_710, %parallel_loop3A_711] {strides = array<i32>} : memref<2x8x1024xf32, #tpu.memory_space<vmem>>, vector<16xf32>,
        %parallel_loop3A_713 = arith.constant 0 : i32
        %parallel_loop3A_714 = arith.constant 3 : i32
        %parallel_loop3A_715 = arith.index_cast %parallel_loop3A_713 : i32 to index
        %parallel_loop3A_716 = arith.index_cast %parallel_loop3A_714 : i32 to index
        %parallel_loop3A_717 = arith.index_cast %parallel_loop3A_577 : i32 to index
        %parallel_loop3A_718 = tpu.vector_load %arg21[%parallel_loop3A_715, %parallel_loop3A_716, %parallel_loop3A_717] {strides = array<i32>} : memref<2x8x1024xf32, #tpu.memory_space<vmem>>, vector<16xf32>,
        %parallel_loop3A_719 = arith.constant 0 : i32
        %parallel_loop3A_720 = arith.constant 3 : i32
        %parallel_loop3A_721 = arith.index_cast %parallel_loop3A_719 : i32 to index
        %parallel_loop3A_722 = arith.index_cast %parallel_loop3A_720 : i32 to index
        %parallel_loop3A_723 = arith.index_cast %parallel_loop3A_577 : i32 to index
        %parallel_loop3A_724 = tpu.vector_load %arg22[%parallel_loop3A_721, %parallel_loop3A_722, %parallel_loop3A_723] {strides = array<i32>} : memref<2x8x1024xf32, #tpu.memory_space<vmem>>, vector<16xf32>,
        %parallel_loop3A_725 = arith.constant 0 : i32
        %parallel_loop3A_726 = arith.constant 3 : i32
        %parallel_loop3A_727 = arith.index_cast %parallel_loop3A_725 : i32 to index
        %parallel_loop3A_728 = arith.index_cast %parallel_loop3A_726 : i32 to index
        %parallel_loop3A_729 = arith.index_cast %parallel_loop3A_577 : i32 to index
        %parallel_loop3A_730 = tpu.vector_load %arg23[%parallel_loop3A_727, %parallel_loop3A_728, %parallel_loop3A_729] {strides = array<i32>} : memref<2x8x1024xf32, #tpu.memory_space<vmem>>, vector<16xf32>,
        %parallel_loop3A_731 = vector.broadcast %parallel_loop3A_577 : i32 to vector<16xi32>
        %parallel_loop3A_732 = arith.addi %add3A_265, %parallel_loop3A_731 : vector<16xi32>
        %parallel_loop3A_733 = tpu.vector_load_idx %arg19[%parallel_loop3A_732] : memref<16384xf32, #tpu.memory_space<vmem>>[vector<16xi32>], vector<16xf32>,
        %parallel_loop3A_734 = vector.broadcast %parallel_loop3A_577 : i32 to vector<16xi32>
        %parallel_loop3A_735 = arith.addi %add3A_270, %parallel_loop3A_734 : vector<16xi32>
        %parallel_loop3A_736 = tpu.vector_load_idx %arg19[%parallel_loop3A_735] : memref<16384xf32, #tpu.memory_space<vmem>>[vector<16xi32>], vector<16xf32>,
        %parallel_loop3A_737 = arith.addf %parallel_loop3A_724, %parallel_loop3A_730 : vector<16xf32>
        %parallel_loop3A_738 = arith.addf %parallel_loop3A_712, %parallel_loop3A_733 : vector<16xf32>
        %parallel_loop3A_739 = arith.mulf %gather3A_259, %parallel_loop3A_738 : vector<16xf32>
        %parallel_loop3A_740 = arith.addf %parallel_loop3A_737, %parallel_loop3A_739 : vector<16xf32>
        %parallel_loop3A_741 = arith.addf %parallel_loop3A_718, %parallel_loop3A_736 : vector<16xf32>
        %parallel_loop3A_742 = arith.mulf %gather3A_260, %parallel_loop3A_741 : vector<16xf32>
        %parallel_loop3A_743 = arith.addf %parallel_loop3A_740, %parallel_loop3A_742 : vector<16xf32>
        %parallel_loop3A_744 = arith.constant 0 : i32
        %parallel_loop3A_745 = arith.constant 3 : i32
        %parallel_loop3A_746 = arith.index_cast %parallel_loop3A_744 : i32 to index
        %parallel_loop3A_747 = arith.index_cast %parallel_loop3A_745 : i32 to index
        %parallel_loop3A_748 = arith.index_cast %parallel_loop3A_577 : i32 to index
        %parallel_loop3A_749 = tpu.vector_load %arg24[%parallel_loop3A_746, %parallel_loop3A_747, %parallel_loop3A_748] {strides = array<i32>} : memref<2x8x1024xf32, #tpu.memory_space<vmem>>, vector<16xf32>,
        tpu.vector_store %arg24[%parallel_loop3A_746, %parallel_loop3A_747, %parallel_loop3A_748], %parallel_loop3A_743 {strides = array<i32>} : memref<2x8x1024xf32, #tpu.memory_space<vmem>>, vector<16xf32>,
        %parallel_loop3A_750 = arith.constant 0 : i32
        %parallel_loop3A_751 = arith.constant 4 : i32
        %parallel_loop3A_752 = arith.index_cast %parallel_loop3A_750 : i32 to index
        %parallel_loop3A_753 = arith.index_cast %parallel_loop3A_751 : i32 to index
        %parallel_loop3A_754 = arith.index_cast %parallel_loop3A_577 : i32 to index
        %parallel_loop3A_755 = tpu.vector_load %arg20[%parallel_loop3A_752, %parallel_loop3A_753, %parallel_loop3A_754] {strides = array<i32>} : memref<2x8x1024xf32, #tpu.memory_space<vmem>>, vector<16xf32>,
        %parallel_loop3A_756 = arith.constant 0 : i32
        %parallel_loop3A_757 = arith.constant 4 : i32
        %parallel_loop3A_758 = arith.index_cast %parallel_loop3A_756 : i32 to index
        %parallel_loop3A_759 = arith.index_cast %parallel_loop3A_757 : i32 to index
        %parallel_loop3A_760 = arith.index_cast %parallel_loop3A_577 : i32 to index
        %parallel_loop3A_761 = tpu.vector_load %arg21[%parallel_loop3A_758, %parallel_loop3A_759, %parallel_loop3A_760] {strides = array<i32>} : memref<2x8x1024xf32, #tpu.memory_space<vmem>>, vector<16xf32>,
        %parallel_loop3A_762 = arith.constant 0 : i32
        %parallel_loop3A_763 = arith.constant 4 : i32
        %parallel_loop3A_764 = arith.index_cast %parallel_loop3A_762 : i32 to index
        %parallel_loop3A_765 = arith.index_cast %parallel_loop3A_763 : i32 to index
        %parallel_loop3A_766 = arith.index_cast %parallel_loop3A_577 : i32 to index
        %parallel_loop3A_767 = tpu.vector_load %arg22[%parallel_loop3A_764, %parallel_loop3A_765, %parallel_loop3A_766] {strides = array<i32>} : memref<2x8x1024xf32, #tpu.memory_space<vmem>>, vector<16xf32>,
        %parallel_loop3A_768 = arith.constant 0 : i32
        %parallel_loop3A_769 = arith.constant 4 : i32
        %parallel_loop3A_770 = arith.index_cast %parallel_loop3A_768 : i32 to index
        %parallel_loop3A_771 = arith.index_cast %parallel_loop3A_769 : i32 to index
        %parallel_loop3A_772 = arith.index_cast %parallel_loop3A_577 : i32 to index
        %parallel_loop3A_773 = tpu.vector_load %arg23[%parallel_loop3A_770, %parallel_loop3A_771, %parallel_loop3A_772] {strides = array<i32>} : memref<2x8x1024xf32, #tpu.memory_space<vmem>>, vector<16xf32>,
        %parallel_loop3A_774 = vector.broadcast %parallel_loop3A_577 : i32 to vector<16xi32>
        %parallel_loop3A_775 = arith.addi %add3A_282, %parallel_loop3A_774 : vector<16xi32>
        %parallel_loop3A_776 = tpu.vector_load_idx %arg19[%parallel_loop3A_775] : memref<16384xf32, #tpu.memory_space<vmem>>[vector<16xi32>], vector<16xf32>,
        %parallel_loop3A_777 = vector.broadcast %parallel_loop3A_577 : i32 to vector<16xi32>
        %parallel_loop3A_778 = arith.addi %add3A_287, %parallel_loop3A_777 : vector<16xi32>
        %parallel_loop3A_779 = tpu.vector_load_idx %arg19[%parallel_loop3A_778] : memref<16384xf32, #tpu.memory_space<vmem>>[vector<16xi32>], vector<16xf32>,
        %parallel_loop3A_780 = arith.addf %parallel_loop3A_767, %parallel_loop3A_773 : vector<16xf32>
        %parallel_loop3A_781 = arith.addf %parallel_loop3A_755, %parallel_loop3A_776 : vector<16xf32>
        %parallel_loop3A_782 = arith.mulf %gather3A_276, %parallel_loop3A_781 : vector<16xf32>
        %parallel_loop3A_783 = arith.addf %parallel_loop3A_780, %parallel_loop3A_782 : vector<16xf32>
        %parallel_loop3A_784 = arith.addf %parallel_loop3A_761, %parallel_loop3A_779 : vector<16xf32>
        %parallel_loop3A_785 = arith.mulf %gather3A_277, %parallel_loop3A_784 : vector<16xf32>
        %parallel_loop3A_786 = arith.addf %parallel_loop3A_783, %parallel_loop3A_785 : vector<16xf32>
        %parallel_loop3A_787 = arith.constant 0 : i32
        %parallel_loop3A_788 = arith.constant 4 : i32
        %parallel_loop3A_789 = arith.index_cast %parallel_loop3A_787 : i32 to index
        %parallel_loop3A_790 = arith.index_cast %parallel_loop3A_788 : i32 to index
        %parallel_loop3A_791 = arith.index_cast %parallel_loop3A_577 : i32 to index
        %parallel_loop3A_792 = tpu.vector_load %arg24[%parallel_loop3A_789, %parallel_loop3A_790, %parallel_loop3A_791] {strides = array<i32>} : memref<2x8x1024xf32, #tpu.memory_space<vmem>>, vector<16xf32>,
        tpu.vector_store %arg24[%parallel_loop3A_789, %parallel_loop3A_790, %parallel_loop3A_791], %parallel_loop3A_786 {strides = array<i32>} : memref<2x8x1024xf32, #tpu.memory_space<vmem>>, vector<16xf32>,
        %parallel_loop3A_793 = arith.constant 0 : i32
        %parallel_loop3A_794 = arith.constant 5 : i32
        %parallel_loop3A_795 = arith.index_cast %parallel_loop3A_793 : i32 to index
        %parallel_loop3A_796 = arith.index_cast %parallel_loop3A_794 : i32 to index
        %parallel_loop3A_797 = arith.index_cast %parallel_loop3A_577 : i32 to index
        %parallel_loop3A_798 = tpu.vector_load %arg20[%parallel_loop3A_795, %parallel_loop3A_796, %parallel_loop3A_797] {strides = array<i32>} : memref<2x8x1024xf32, #tpu.memory_space<vmem>>, vector<16xf32>,
        %parallel_loop3A_799 = arith.constant 0 : i32
        %parallel_loop3A_800 = arith.constant 5 : i32
        %parallel_loop3A_801 = arith.index_cast %parallel_loop3A_799 : i32 to index
        %parallel_loop3A_802 = arith.index_cast %parallel_loop3A_800 : i32 to index
        %parallel_loop3A_803 = arith.index_cast %parallel_loop3A_577 : i32 to index
        %parallel_loop3A_804 = tpu.vector_load %arg21[%parallel_loop3A_801, %parallel_loop3A_802, %parallel_loop3A_803] {strides = array<i32>} : memref<2x8x1024xf32, #tpu.memory_space<vmem>>, vector<16xf32>,
        %parallel_loop3A_805 = arith.constant 0 : i32
        %parallel_loop3A_806 = arith.constant 5 : i32
        %parallel_loop3A_807 = arith.index_cast %parallel_loop3A_805 : i32 to index
        %parallel_loop3A_808 = arith.index_cast %parallel_loop3A_806 : i32 to index
        %parallel_loop3A_809 = arith.index_cast %parallel_loop3A_577 : i32 to index
        %parallel_loop3A_810 = tpu.vector_load %arg22[%parallel_loop3A_807, %parallel_loop3A_808, %parallel_loop3A_809] {strides = array<i32>} : memref<2x8x1024xf32, #tpu.memory_space<vmem>>, vector<16xf32>,
        %parallel_loop3A_811 = arith.constant 0 : i32
        %parallel_loop3A_812 = arith.constant 5 : i32
        %parallel_loop3A_813 = arith.index_cast %parallel_loop3A_811 : i32 to index
        %parallel_loop3A_814 = arith.index_cast %parallel_loop3A_812 : i32 to index
        %parallel_loop3A_815 = arith.index_cast %parallel_loop3A_577 : i32 to index
        %parallel_loop3A_816 = tpu.vector_load %arg23[%parallel_loop3A_813, %parallel_loop3A_814, %parallel_loop3A_815] {strides = array<i32>} : memref<2x8x1024xf32, #tpu.memory_space<vmem>>, vector<16xf32>,
        %parallel_loop3A_817 = vector.broadcast %parallel_loop3A_577 : i32 to vector<16xi32>
        %parallel_loop3A_818 = arith.addi %add3A_299, %parallel_loop3A_817 : vector<16xi32>
        %parallel_loop3A_819 = tpu.vector_load_idx %arg19[%parallel_loop3A_818] : memref<16384xf32, #tpu.memory_space<vmem>>[vector<16xi32>], vector<16xf32>,
        %parallel_loop3A_820 = vector.broadcast %parallel_loop3A_577 : i32 to vector<16xi32>
        %parallel_loop3A_821 = arith.addi %add3A_304, %parallel_loop3A_820 : vector<16xi32>
        %parallel_loop3A_822 = tpu.vector_load_idx %arg19[%parallel_loop3A_821] : memref<16384xf32, #tpu.memory_space<vmem>>[vector<16xi32>], vector<16xf32>,
        %parallel_loop3A_823 = arith.addf %parallel_loop3A_810, %parallel_loop3A_816 : vector<16xf32>
        %parallel_loop3A_824 = arith.addf %parallel_loop3A_798, %parallel_loop3A_819 : vector<16xf32>
        %parallel_loop3A_825 = arith.mulf %gather3A_293, %parallel_loop3A_824 : vector<16xf32>
        %parallel_loop3A_826 = arith.addf %parallel_loop3A_823, %parallel_loop3A_825 : vector<16xf32>
        %parallel_loop3A_827 = arith.addf %parallel_loop3A_804, %parallel_loop3A_822 : vector<16xf32>
        %parallel_loop3A_828 = arith.mulf %gather3A_294, %parallel_loop3A_827 : vector<16xf32>
        %parallel_loop3A_829 = arith.addf %parallel_loop3A_826, %parallel_loop3A_828 : vector<16xf32>
        %parallel_loop3A_830 = arith.constant 0 : i32
        %parallel_loop3A_831 = arith.constant 5 : i32
        %parallel_loop3A_832 = arith.index_cast %parallel_loop3A_830 : i32 to index
        %parallel_loop3A_833 = arith.index_cast %parallel_loop3A_831 : i32 to index
        %parallel_loop3A_834 = arith.index_cast %parallel_loop3A_577 : i32 to index
        %parallel_loop3A_835 = tpu.vector_load %arg24[%parallel_loop3A_832, %parallel_loop3A_833, %parallel_loop3A_834] {strides = array<i32>} : memref<2x8x1024xf32, #tpu.memory_space<vmem>>, vector<16xf32>,
        tpu.vector_store %arg24[%parallel_loop3A_832, %parallel_loop3A_833, %parallel_loop3A_834], %parallel_loop3A_829 {strides = array<i32>} : memref<2x8x1024xf32, #tpu.memory_space<vmem>>, vector<16xf32>,
        %parallel_loop3A_836 = arith.constant 0 : i32
        %parallel_loop3A_837 = arith.constant 6 : i32
        %parallel_loop3A_838 = arith.index_cast %parallel_loop3A_836 : i32 to index
        %parallel_loop3A_839 = arith.index_cast %parallel_loop3A_837 : i32 to index
        %parallel_loop3A_840 = arith.index_cast %parallel_loop3A_577 : i32 to index
        %parallel_loop3A_841 = tpu.vector_load %arg20[%parallel_loop3A_838, %parallel_loop3A_839, %parallel_loop3A_840] {strides = array<i32>} : memref<2x8x1024xf32, #tpu.memory_space<vmem>>, vector<16xf32>,
        %parallel_loop3A_842 = arith.constant 0 : i32
        %parallel_loop3A_843 = arith.constant 6 : i32
        %parallel_loop3A_844 = arith.index_cast %parallel_loop3A_842 : i32 to index
        %parallel_loop3A_845 = arith.index_cast %parallel_loop3A_843 : i32 to index
        %parallel_loop3A_846 = arith.index_cast %parallel_loop3A_577 : i32 to index
        %parallel_loop3A_847 = tpu.vector_load %arg21[%parallel_loop3A_844, %parallel_loop3A_845, %parallel_loop3A_846] {strides = array<i32>} : memref<2x8x1024xf32, #tpu.memory_space<vmem>>, vector<16xf32>,
        %parallel_loop3A_848 = arith.constant 0 : i32
        %parallel_loop3A_849 = arith.constant 6 : i32
        %parallel_loop3A_850 = arith.index_cast %parallel_loop3A_848 : i32 to index
        %parallel_loop3A_851 = arith.index_cast %parallel_loop3A_849 : i32 to index
        %parallel_loop3A_852 = arith.index_cast %parallel_loop3A_577 : i32 to index
        %parallel_loop3A_853 = tpu.vector_load %arg22[%parallel_loop3A_850, %parallel_loop3A_851, %parallel_loop3A_852] {strides = array<i32>} : memref<2x8x1024xf32, #tpu.memory_space<vmem>>, vector<16xf32>,
        %parallel_loop3A_854 = arith.constant 0 : i32
        %parallel_loop3A_855 = arith.constant 6 : i32
        %parallel_loop3A_856 = arith.index_cast %parallel_loop3A_854 : i32 to index
        %parallel_loop3A_857 = arith.index_cast %parallel_loop3A_855 : i32 to index
        %parallel_loop3A_858 = arith.index_cast %parallel_loop3A_577 : i32 to index
        %parallel_loop3A_859 = tpu.vector_load %arg23[%parallel_loop3A_856, %parallel_loop3A_857, %parallel_loop3A_858] {strides = array<i32>} : memref<2x8x1024xf32, #tpu.memory_space<vmem>>, vector<16xf32>,
        %parallel_loop3A_860 = vector.broadcast %parallel_loop3A_577 : i32 to vector<16xi32>
        %parallel_loop3A_861 = arith.addi %add3A_316, %parallel_loop3A_860 : vector<16xi32>
        %parallel_loop3A_862 = tpu.vector_load_idx %arg19[%parallel_loop3A_861] : memref<16384xf32, #tpu.memory_space<vmem>>[vector<16xi32>], vector<16xf32>,
        %parallel_loop3A_863 = vector.broadcast %parallel_loop3A_577 : i32 to vector<16xi32>
        %parallel_loop3A_864 = arith.addi %add3A_321, %parallel_loop3A_863 : vector<16xi32>
        %parallel_loop3A_865 = tpu.vector_load_idx %arg19[%parallel_loop3A_864] : memref<16384xf32, #tpu.memory_space<vmem>>[vector<16xi32>], vector<16xf32>,
        %parallel_loop3A_866 = arith.addf %parallel_loop3A_853, %parallel_loop3A_859 : vector<16xf32>
        %parallel_loop3A_867 = arith.addf %parallel_loop3A_841, %parallel_loop3A_862 : vector<16xf32>
        %parallel_loop3A_868 = arith.mulf %gather3A_310, %parallel_loop3A_867 : vector<16xf32>
        %parallel_loop3A_869 = arith.addf %parallel_loop3A_866, %parallel_loop3A_868 : vector<16xf32>
        %parallel_loop3A_870 = arith.addf %parallel_loop3A_847, %parallel_loop3A_865 : vector<16xf32>
        %parallel_loop3A_871 = arith.mulf %gather3A_311, %parallel_loop3A_870 : vector<16xf32>
        %parallel_loop3A_872 = arith.addf %parallel_loop3A_869, %parallel_loop3A_871 : vector<16xf32>
        %parallel_loop3A_873 = arith.constant 0 : i32
        %parallel_loop3A_874 = arith.constant 6 : i32
        %parallel_loop3A_875 = arith.index_cast %parallel_loop3A_873 : i32 to index
        %parallel_loop3A_876 = arith.index_cast %parallel_loop3A_874 : i32 to index
        %parallel_loop3A_877 = arith.index_cast %parallel_loop3A_577 : i32 to index
        %parallel_loop3A_878 = tpu.vector_load %arg24[%parallel_loop3A_875, %parallel_loop3A_876, %parallel_loop3A_877] {strides = array<i32>} : memref<2x8x1024xf32, #tpu.memory_space<vmem>>, vector<16xf32>,
        tpu.vector_store %arg24[%parallel_loop3A_875, %parallel_loop3A_876, %parallel_loop3A_877], %parallel_loop3A_872 {strides = array<i32>} : memref<2x8x1024xf32, #tpu.memory_space<vmem>>, vector<16xf32>,
        %parallel_loop3A_879 = arith.constant 0 : i32
        %parallel_loop3A_880 = arith.constant 7 : i32
        %parallel_loop3A_881 = arith.index_cast %parallel_loop3A_879 : i32 to index
        %parallel_loop3A_882 = arith.index_cast %parallel_loop3A_880 : i32 to index
        %parallel_loop3A_883 = arith.index_cast %parallel_loop3A_577 : i32 to index
        %parallel_loop3A_884 = tpu.vector_load %arg20[%parallel_loop3A_881, %parallel_loop3A_882, %parallel_loop3A_883] {strides = array<i32>} : memref<2x8x1024xf32, #tpu.memory_space<vmem>>, vector<16xf32>,
        %parallel_loop3A_885 = arith.constant 0 : i32
        %parallel_loop3A_886 = arith.constant 7 : i32
        %parallel_loop3A_887 = arith.index_cast %parallel_loop3A_885 : i32 to index
        %parallel_loop3A_888 = arith.index_cast %parallel_loop3A_886 : i32 to index
        %parallel_loop3A_889 = arith.index_cast %parallel_loop3A_577 : i32 to index
        %parallel_loop3A_890 = tpu.vector_load %arg21[%parallel_loop3A_887, %parallel_loop3A_888, %parallel_loop3A_889] {strides = array<i32>} : memref<2x8x1024xf32, #tpu.memory_space<vmem>>, vector<16xf32>,
        %parallel_loop3A_891 = arith.constant 0 : i32
        %parallel_loop3A_892 = arith.constant 7 : i32
        %parallel_loop3A_893 = arith.index_cast %parallel_loop3A_891 : i32 to index
        %parallel_loop3A_894 = arith.index_cast %parallel_loop3A_892 : i32 to index
        %parallel_loop3A_895 = arith.index_cast %parallel_loop3A_577 : i32 to index
        %parallel_loop3A_896 = tpu.vector_load %arg22[%parallel_loop3A_893, %parallel_loop3A_894, %parallel_loop3A_895] {strides = array<i32>} : memref<2x8x1024xf32, #tpu.memory_space<vmem>>, vector<16xf32>,
        %parallel_loop3A_897 = arith.constant 0 : i32
        %parallel_loop3A_898 = arith.constant 7 : i32
        %parallel_loop3A_899 = arith.index_cast %parallel_loop3A_897 : i32 to index
        %parallel_loop3A_900 = arith.index_cast %parallel_loop3A_898 : i32 to index
        %parallel_loop3A_901 = arith.index_cast %parallel_loop3A_577 : i32 to index
        %parallel_loop3A_902 = tpu.vector_load %arg23[%parallel_loop3A_899, %parallel_loop3A_900, %parallel_loop3A_901] {strides = array<i32>} : memref<2x8x1024xf32, #tpu.memory_space<vmem>>, vector<16xf32>,
        %parallel_loop3A_903 = vector.broadcast %parallel_loop3A_577 : i32 to vector<16xi32>
        %parallel_loop3A_904 = arith.addi %add3A_333, %parallel_loop3A_903 : vector<16xi32>
        %parallel_loop3A_905 = tpu.vector_load_idx %arg19[%parallel_loop3A_904] : memref<16384xf32, #tpu.memory_space<vmem>>[vector<16xi32>], vector<16xf32>,
        %parallel_loop3A_906 = vector.broadcast %parallel_loop3A_577 : i32 to vector<16xi32>
        %parallel_loop3A_907 = arith.addi %add3A_338, %parallel_loop3A_906 : vector<16xi32>
        %parallel_loop3A_908 = tpu.vector_load_idx %arg19[%parallel_loop3A_907] : memref<16384xf32, #tpu.memory_space<vmem>>[vector<16xi32>], vector<16xf32>,
        %parallel_loop3A_909 = arith.addf %parallel_loop3A_896, %parallel_loop3A_902 : vector<16xf32>
        %parallel_loop3A_910 = arith.addf %parallel_loop3A_884, %parallel_loop3A_905 : vector<16xf32>
        %parallel_loop3A_911 = arith.mulf %gather3A_327, %parallel_loop3A_910 : vector<16xf32>
        %parallel_loop3A_912 = arith.addf %parallel_loop3A_909, %parallel_loop3A_911 : vector<16xf32>
        %parallel_loop3A_913 = arith.addf %parallel_loop3A_890, %parallel_loop3A_908 : vector<16xf32>
        %parallel_loop3A_914 = arith.mulf %gather3A_328, %parallel_loop3A_913 : vector<16xf32>
        %parallel_loop3A_915 = arith.addf %parallel_loop3A_912, %parallel_loop3A_914 : vector<16xf32>
        %parallel_loop3A_916 = arith.constant 0 : i32
        %parallel_loop3A_917 = arith.constant 7 : i32
        %parallel_loop3A_918 = arith.index_cast %parallel_loop3A_916 : i32 to index
        %parallel_loop3A_919 = arith.index_cast %parallel_loop3A_917 : i32 to index
        %parallel_loop3A_920 = arith.index_cast %parallel_loop3A_577 : i32 to index
        %parallel_loop3A_921 = tpu.vector_load %arg24[%parallel_loop3A_918, %parallel_loop3A_919, %parallel_loop3A_920] {strides = array<i32>} : memref<2x8x1024xf32, #tpu.memory_space<vmem>>, vector<16xf32>,
        tpu.vector_store %arg24[%parallel_loop3A_918, %parallel_loop3A_919, %parallel_loop3A_920], %parallel_loop3A_915 {strides = array<i32>} : memref<2x8x1024xf32, #tpu.memory_space<vmem>>, vector<16xf32>,
      } {sc.loop_unroll_factor = 1 : i64, sc.parallel_access}
      %mul3A_341 = arith.constant 8 : i32
      %mul3A_342 = arith.muli %mul3A_98, %mul3A_341 : i32
      %add3A_343 = arith.addi %mul3A_2, %mul3A_342 : i32
      %dma_start3A_344 = arith.constant 0 : i32
      %dma_start3A_345 = arith.constant 0 : i32
      %dma_start3A_346 = arith.constant 0 : i32
      %dma_start3A_347 = tpu.memref_slice %arg24[%dma_start3A_344, %dma_start3A_345, %dma_start3A_346] : memref<2x8x1024xf32, #tpu.memory_space<vmem>> -> memref<1x8x1024xf32, #tpu.memory_space<vmem>>
      %dma_start3A_348 = tpu.memref_squeeze %dma_start3A_347 : memref<1x8x1024xf32, #tpu.memory_space<vmem>> -> memref<8x1024xf32, #tpu.memory_space<vmem>>
      %dma_start3A_349 = arith.constant 0 : i32
      %dma_start3A_350 = tpu.memref_slice %arg12[%add3A_343, %dma_start3A_349] : memref<16384x1024xf32, #tpu.memory_space<hbm>> -> memref<8x1024xf32, #tpu.memory_space<hbm>>
      %dma_start3A_351 = arith.constant 0 : i32
      %dma_start3A_352 = tpu.memref_slice %arg12[%add3A_343, %dma_start3A_351] : memref<16384x1024xf32, #tpu.memory_space<hbm>> -> memref<8x1024xf32, #tpu.memory_space<hbm>>
      %dma_start3A_353 = arith.constant 0 : i32
      %dma_start3A_354 = arith.constant 0 : i32
      %dma_start3A_355 = tpu.memref_slice %arg24[%dma_start3A_344, %dma_start3A_353, %dma_start3A_354] : memref<2x8x1024xf32, #tpu.memory_space<vmem>> -> memref<1x8x1024xf32, #tpu.memory_space<vmem>>
      %dma_start3A_356 = tpu.memref_squeeze %dma_start3A_355 : memref<1x8x1024xf32, #tpu.memory_space<vmem>> -> memref<8x1024xf32, #tpu.memory_space<vmem>>
      tpu.enqueue_dma source(%dma_start3A_356 : memref<8x1024xf32, #tpu.memory_space<vmem>>) target(%dma_start3A_352 : memref<8x1024xf32, #tpu.memory_space<hbm>>) target_semaphore(%arg27 : memref<!tpu.dma_semaphore, #tpu.memory_space<semaphore_mem>>)
      %add3A_357 = arith.constant 2 : i32
      %add3A_358 = arith.addi %mul3A_98, %add3A_357 : i32
      %lt3A = arith.constant 64 : i32
      %lt3A_359 = arith.cmpi slt, %add3A_358, %lt3A : i32
      %convert_element_type3A_360 = arith.extui %lt3A_359 : i1 to i32
      %cond3A_361 = arith.constant 0 : i32
      %cond3A_362 = arith.cmpi ne, %convert_element_type3A_360, %cond3A_361 : i32
      scf.if %cond3A_362 {
        %add3A_575 = arith.constant 2 : i32
        %add3A_576 = arith.addi %mul3A_98, %add3A_575 : i32
        %mul3A_577 = arith.constant 8 : i32
        %mul3A_578 = arith.muli %add3A_576, %mul3A_577 : i32
        %add3A_579 = arith.addi %mul3A_2, %mul3A_578 : i32
        %mul3A_580 = arith.constant 8 : i32
        %mul3A_581 = arith.muli %add3A_576, %mul3A_580 : i32
        %dma_start3A_582 = arith.constant 0 : i32
        %dma_start3A_583 = arith.constant 0 : i32
        %dma_start3A_584 = arith.constant 0 : i32
        %dma_start3A_585 = tpu.memref_slice %arg20[%dma_start3A_582, %dma_start3A_583, %dma_start3A_584] : memref<2x8x1024xf32, #tpu.memory_space<vmem>> -> memref<1x8x1024xf32, #tpu.memory_space<vmem>>
        %dma_start3A_586 = tpu.memref_squeeze %dma_start3A_585 : memref<1x8x1024xf32, #tpu.memory_space<vmem>> -> memref<8x1024xf32, #tpu.memory_space<vmem>>
        %dma_start3A_587 = tpu.memref_slice %arg13[%mul3A_581] : memref<512xi32, #tpu.memory_space<vmem>> -> memref<8xi32, #tpu.memory_space<vmem>>
        %dma_start3A_588 = arith.constant 0 : i32
        %dma_start3A_589 = arith.constant 0 : i32
        %dma_start3A_590 = tpu.memref_slice %arg2[%dma_start3A_588, %dma_start3A_589] : memref<32768x1024xf32, #tpu.memory_space<hbm>> -> memref<32768x1024xf32, #tpu.memory_space<hbm>>
        tpu.enqueue_indirect_dma source(%dma_start3A_590 : memref<32768x1024xf32, #tpu.memory_space<hbm>>) target(%dma_start3A_586 : memref<8x1024xf32, #tpu.memory_space<vmem>>) offsets(%dma_start3A_587 : memref<8xi32, #tpu.memory_space<vmem>>) semaphore(%arg25 : memref<!tpu.dma_semaphore, #tpu.memory_space<semaphore_mem>>)
        %mul3A_591 = arith.constant 8 : i32
        %mul3A_592 = arith.muli %add3A_576, %mul3A_591 : i32
        %dma_start3A_593 = arith.constant 0 : i32
        %dma_start3A_594 = arith.constant 0 : i32
        %dma_start3A_595 = arith.constant 0 : i32
        %dma_start3A_596 = tpu.memref_slice %arg21[%dma_start3A_593, %dma_start3A_594, %dma_start3A_595] : memref<2x8x1024xf32, #tpu.memory_space<vmem>> -> memref<1x8x1024xf32, #tpu.memory_space<vmem>>
        %dma_start3A_597 = tpu.memref_squeeze %dma_start3A_596 : memref<1x8x1024xf32, #tpu.memory_space<vmem>> -> memref<8x1024xf32, #tpu.memory_space<vmem>>
        %dma_start3A_598 = tpu.memref_slice %arg14[%mul3A_592] : memref<512xi32, #tpu.memory_space<vmem>> -> memref<8xi32, #tpu.memory_space<vmem>>
        %dma_start3A_599 = arith.constant 0 : i32
        %dma_start3A_600 = arith.constant 0 : i32
        %dma_start3A_601 = tpu.memref_slice %arg2[%dma_start3A_599, %dma_start3A_600] : memref<32768x1024xf32, #tpu.memory_space<hbm>> -> memref<32768x1024xf32, #tpu.memory_space<hbm>>
        tpu.enqueue_indirect_dma source(%dma_start3A_601 : memref<32768x1024xf32, #tpu.memory_space<hbm>>) target(%dma_start3A_597 : memref<8x1024xf32, #tpu.memory_space<vmem>>) offsets(%dma_start3A_598 : memref<8xi32, #tpu.memory_space<vmem>>) semaphore(%arg25 : memref<!tpu.dma_semaphore, #tpu.memory_space<semaphore_mem>>)
        %dma_start3A_602 = arith.constant 0 : i32
        %dma_start3A_603 = arith.constant 0 : i32
        %dma_start3A_604 = arith.constant 0 : i32
        %dma_start3A_605 = tpu.memref_slice %arg22[%dma_start3A_602, %dma_start3A_603, %dma_start3A_604] : memref<2x8x1024xf32, #tpu.memory_space<vmem>> -> memref<1x8x1024xf32, #tpu.memory_space<vmem>>
        %dma_start3A_606 = tpu.memref_squeeze %dma_start3A_605 : memref<1x8x1024xf32, #tpu.memory_space<vmem>> -> memref<8x1024xf32, #tpu.memory_space<vmem>>
        %dma_start3A_607 = arith.constant 0 : i32
        %dma_start3A_608 = tpu.memref_slice %arg5[%add3A_579, %dma_start3A_607] : memref<16384x1024xf32, #tpu.memory_space<hbm>> -> memref<8x1024xf32, #tpu.memory_space<hbm>>
        %dma_start3A_609 = arith.constant 0 : i32
        %dma_start3A_610 = arith.constant 0 : i32
        %dma_start3A_611 = tpu.memref_slice %arg22[%dma_start3A_602, %dma_start3A_609, %dma_start3A_610] : memref<2x8x1024xf32, #tpu.memory_space<vmem>> -> memref<1x8x1024xf32, #tpu.memory_space<vmem>>
        %dma_start3A_612 = tpu.memref_squeeze %dma_start3A_611 : memref<1x8x1024xf32, #tpu.memory_space<vmem>> -> memref<8x1024xf32, #tpu.memory_space<vmem>>
        %dma_start3A_613 = arith.constant 0 : i32
        %dma_start3A_614 = tpu.memref_slice %arg5[%add3A_579, %dma_start3A_613] : memref<16384x1024xf32, #tpu.memory_space<hbm>> -> memref<8x1024xf32, #tpu.memory_space<hbm>>
        tpu.enqueue_dma source(%dma_start3A_614 : memref<8x1024xf32, #tpu.memory_space<hbm>>) target(%dma_start3A_612 : memref<8x1024xf32, #tpu.memory_space<vmem>>) target_semaphore(%arg25 : memref<!tpu.dma_semaphore, #tpu.memory_space<semaphore_mem>>)
        %dma_start3A_615 = arith.constant 0 : i32
        %dma_start3A_616 = arith.constant 0 : i32
        %dma_start3A_617 = arith.constant 0 : i32
        %dma_start3A_618 = tpu.memref_slice %arg23[%dma_start3A_615, %dma_start3A_616, %dma_start3A_617] : memref<2x8x1024xf32, #tpu.memory_space<vmem>> -> memref<1x8x1024xf32, #tpu.memory_space<vmem>>
        %dma_start3A_619 = tpu.memref_squeeze %dma_start3A_618 : memref<1x8x1024xf32, #tpu.memory_space<vmem>> -> memref<8x1024xf32, #tpu.memory_space<vmem>>
        %dma_start3A_620 = arith.constant 0 : i32
        %dma_start3A_621 = tpu.memref_slice %arg6[%add3A_579, %dma_start3A_620] : memref<16384x1024xf32, #tpu.memory_space<hbm>> -> memref<8x1024xf32, #tpu.memory_space<hbm>>
        %dma_start3A_622 = arith.constant 0 : i32
        %dma_start3A_623 = arith.constant 0 : i32
        %dma_start3A_624 = tpu.memref_slice %arg23[%dma_start3A_615, %dma_start3A_622, %dma_start3A_623] : memref<2x8x1024xf32, #tpu.memory_space<vmem>> -> memref<1x8x1024xf32, #tpu.memory_space<vmem>>
        %dma_start3A_625 = tpu.memref_squeeze %dma_start3A_624 : memref<1x8x1024xf32, #tpu.memory_space<vmem>> -> memref<8x1024xf32, #tpu.memory_space<vmem>>
        %dma_start3A_626 = arith.constant 0 : i32
        %dma_start3A_627 = tpu.memref_slice %arg6[%add3A_579, %dma_start3A_626] : memref<16384x1024xf32, #tpu.memory_space<hbm>> -> memref<8x1024xf32, #tpu.memory_space<hbm>>
        tpu.enqueue_dma source(%dma_start3A_627 : memref<8x1024xf32, #tpu.memory_space<hbm>>) target(%dma_start3A_625 : memref<8x1024xf32, #tpu.memory_space<vmem>>) target_semaphore(%arg25 : memref<!tpu.dma_semaphore, #tpu.memory_space<semaphore_mem>>)
      } else {
      }
      %mul3A_363 = arith.constant 8 : i32
      %mul3A_364 = arith.muli %add3A_100, %mul3A_363 : i32
      %dma_wait3A_365 = arith.constant 1 : i32
      %dma_wait3A_366 = arith.constant 0 : i32
      %dma_wait3A_367 = arith.constant 0 : i32
      %dma_wait3A_368 = tpu.memref_slice %arg20[%dma_wait3A_365, %dma_wait3A_366, %dma_wait3A_367] : memref<2x8x1024xf32, #tpu.memory_space<vmem>> -> memref<1x8x1024xf32, #tpu.memory_space<vmem>>
      %dma_wait3A_369 = tpu.memref_squeeze %dma_wait3A_368 : memref<1x8x1024xf32, #tpu.memory_space<vmem>> -> memref<8x1024xf32, #tpu.memory_space<vmem>>
      %dma_wait3A_370 = tpu.memref_slice %arg13[%mul3A_364] : memref<512xi32, #tpu.memory_space<vmem>> -> memref<8xi32, #tpu.memory_space<vmem>>
      %dma_wait3A_371 = arith.constant 0 : i32
      %dma_wait3A_372 = arith.constant 0 : i32
      %dma_wait3A_373 = tpu.memref_slice %arg2[%dma_wait3A_371, %dma_wait3A_372] : memref<32768x1024xf32, #tpu.memory_space<hbm>> -> memref<32768x1024xf32, #tpu.memory_space<hbm>>
      tpu.wait_indirect_dma semaphore(%arg26 : memref<!tpu.dma_semaphore, #tpu.memory_space<semaphore_mem>>) src(%dma_wait3A_373 : memref<32768x1024xf32, #tpu.memory_space<hbm>>) dst(%dma_wait3A_369 : memref<8x1024xf32, #tpu.memory_space<vmem>>)
      %mul3A_374 = arith.constant 8 : i32
      %mul3A_375 = arith.muli %add3A_100, %mul3A_374 : i32
      %dma_wait3A_376 = arith.constant 1 : i32
      %dma_wait3A_377 = arith.constant 0 : i32
      %dma_wait3A_378 = arith.constant 0 : i32
      %dma_wait3A_379 = tpu.memref_slice %arg21[%dma_wait3A_376, %dma_wait3A_377, %dma_wait3A_378] : memref<2x8x1024xf32, #tpu.memory_space<vmem>> -> memref<1x8x1024xf32, #tpu.memory_space<vmem>>
      %dma_wait3A_380 = tpu.memref_squeeze %dma_wait3A_379 : memref<1x8x1024xf32, #tpu.memory_space<vmem>> -> memref<8x1024xf32, #tpu.memory_space<vmem>>
      %dma_wait3A_381 = tpu.memref_slice %arg14[%mul3A_375] : memref<512xi32, #tpu.memory_space<vmem>> -> memref<8xi32, #tpu.memory_space<vmem>>
      %dma_wait3A_382 = arith.constant 0 : i32
      %dma_wait3A_383 = arith.constant 0 : i32
      %dma_wait3A_384 = tpu.memref_slice %arg2[%dma_wait3A_382, %dma_wait3A_383] : memref<32768x1024xf32, #tpu.memory_space<hbm>> -> memref<32768x1024xf32, #tpu.memory_space<hbm>>
      tpu.wait_indirect_dma semaphore(%arg26 : memref<!tpu.dma_semaphore, #tpu.memory_space<semaphore_mem>>) src(%dma_wait3A_384 : memref<32768x1024xf32, #tpu.memory_space<hbm>>) dst(%dma_wait3A_380 : memref<8x1024xf32, #tpu.memory_space<vmem>>)
      %mul3A_385 = arith.constant 8 : i32
      %mul3A_386 = arith.muli %add3A_100, %mul3A_385 : i32
      %add3A_387 = arith.addi %mul3A_2, %mul3A_386 : i32
      %dma_wait3A_388 = arith.constant 1 : i32
      %dma_wait3A_389 = arith.constant 0 : i32
      %dma_wait3A_390 = arith.constant 0 : i32
      %dma_wait3A_391 = tpu.memref_slice %arg22[%dma_wait3A_388, %dma_wait3A_389, %dma_wait3A_390] : memref<2x8x1024xf32, #tpu.memory_space<vmem>> -> memref<1x8x1024xf32, #tpu.memory_space<vmem>>
      %dma_wait3A_392 = tpu.memref_squeeze %dma_wait3A_391 : memref<1x8x1024xf32, #tpu.memory_space<vmem>> -> memref<8x1024xf32, #tpu.memory_space<vmem>>
      %dma_wait3A_393 = arith.constant 0 : i32
      %dma_wait3A_394 = tpu.memref_slice %arg5[%add3A_387, %dma_wait3A_393] : memref<16384x1024xf32, #tpu.memory_space<hbm>> -> memref<8x1024xf32, #tpu.memory_space<hbm>>
      %dma_wait3A_395 = arith.constant 0 : i32
      %dma_wait3A_396 = arith.constant 0 : i32
      %dma_wait3A_397 = tpu.memref_slice %arg22[%dma_wait3A_388, %dma_wait3A_395, %dma_wait3A_396] : memref<2x8x1024xf32, #tpu.memory_space<vmem>> -> memref<1x8x1024xf32, #tpu.memory_space<vmem>>
      %dma_wait3A_398 = tpu.memref_squeeze %dma_wait3A_397 : memref<1x8x1024xf32, #tpu.memory_space<vmem>> -> memref<8x1024xf32, #tpu.memory_space<vmem>>
      %dma_wait3A_399 = arith.constant 0 : i32
      %dma_wait3A_400 = tpu.memref_slice %arg5[%add3A_387, %dma_wait3A_399] : memref<16384x1024xf32, #tpu.memory_space<hbm>> -> memref<8x1024xf32, #tpu.memory_space<hbm>>
      tpu.wait_dma2 semaphore(%arg26 : memref<!tpu.dma_semaphore, #tpu.memory_space<semaphore_mem>>) src(%dma_wait3A_400 : memref<8x1024xf32, #tpu.memory_space<hbm>>) dst(%dma_wait3A_398 : memref<8x1024xf32, #tpu.memory_space<vmem>>)
      %dma_wait3A_401 = arith.constant 1 : i32
      %dma_wait3A_402 = arith.constant 0 : i32
      %dma_wait3A_403 = arith.constant 0 : i32
      %dma_wait3A_404 = tpu.memref_slice %arg23[%dma_wait3A_401, %dma_wait3A_402, %dma_wait3A_403] : memref<2x8x1024xf32, #tpu.memory_space<vmem>> -> memref<1x8x1024xf32, #tpu.memory_space<vmem>>
      %dma_wait3A_405 = tpu.memref_squeeze %dma_wait3A_404 : memref<1x8x1024xf32, #tpu.memory_space<vmem>> -> memref<8x1024xf32, #tpu.memory_space<vmem>>
      %dma_wait3A_406 = arith.constant 0 : i32
      %dma_wait3A_407 = tpu.memref_slice %arg6[%add3A_387, %dma_wait3A_406] : memref<16384x1024xf32, #tpu.memory_space<hbm>> -> memref<8x1024xf32, #tpu.memory_space<hbm>>
      %dma_wait3A_408 = arith.constant 0 : i32
      %dma_wait3A_409 = arith.constant 0 : i32
      %dma_wait3A_410 = tpu.memref_slice %arg23[%dma_wait3A_401, %dma_wait3A_408, %dma_wait3A_409] : memref<2x8x1024xf32, #tpu.memory_space<vmem>> -> memref<1x8x1024xf32, #tpu.memory_space<vmem>>
      %dma_wait3A_411 = tpu.memref_squeeze %dma_wait3A_410 : memref<1x8x1024xf32, #tpu.memory_space<vmem>> -> memref<8x1024xf32, #tpu.memory_space<vmem>>
      %dma_wait3A_412 = arith.constant 0 : i32
      %dma_wait3A_413 = tpu.memref_slice %arg6[%add3A_387, %dma_wait3A_412] : memref<16384x1024xf32, #tpu.memory_space<hbm>> -> memref<8x1024xf32, #tpu.memory_space<hbm>>
      tpu.wait_dma2 semaphore(%arg26 : memref<!tpu.dma_semaphore, #tpu.memory_space<semaphore_mem>>) src(%dma_wait3A_413 : memref<8x1024xf32, #tpu.memory_space<hbm>>) dst(%dma_wait3A_411 : memref<8x1024xf32, #tpu.memory_space<vmem>>)
      %ge3A_414 = arith.constant 3 : i32
      %ge3A_415 = arith.cmpi sge, %add3A_100, %ge3A_414 : i32
      %convert_element_type3A_416 = arith.extui %ge3A_415 : i1 to i32
      %cond3A_417 = arith.constant 0 : i32
      %cond3A_418 = arith.cmpi ne, %convert_element_type3A_416, %cond3A_417 : i32
      scf.if %cond3A_418 {
        %sub3A = arith.constant 2 : i32
        %sub3A_575 = arith.subi %add3A_100, %sub3A : i32
        %mul3A_576 = arith.constant 8 : i32
        %mul3A_577 = arith.muli %sub3A_575, %mul3A_576 : i32
        %add3A_578 = arith.addi %mul3A_2, %mul3A_577 : i32
        %dma_wait3A_579 = arith.constant 1 : i32
        %dma_wait3A_580 = arith.constant 0 : i32
        %dma_wait3A_581 = arith.constant 0 : i32
        %dma_wait3A_582 = tpu.memref_slice %arg24[%dma_wait3A_579, %dma_wait3A_580, %dma_wait3A_581] : memref<2x8x1024xf32, #tpu.memory_space<vmem>> -> memref<1x8x1024xf32, #tpu.memory_space<vmem>>
        %dma_wait3A_583 = tpu.memref_squeeze %dma_wait3A_582 : memref<1x8x1024xf32, #tpu.memory_space<vmem>> -> memref<8x1024xf32, #tpu.memory_space<vmem>>
        %dma_wait3A_584 = arith.constant 0 : i32
        %dma_wait3A_585 = tpu.memref_slice %arg12[%add3A_578, %dma_wait3A_584] : memref<16384x1024xf32, #tpu.memory_space<hbm>> -> memref<8x1024xf32, #tpu.memory_space<hbm>>
        %dma_wait3A_586 = arith.constant 0 : i32
        %dma_wait3A_587 = tpu.memref_slice %arg12[%add3A_578, %dma_wait3A_586] : memref<16384x1024xf32, #tpu.memory_space<hbm>> -> memref<8x1024xf32, #tpu.memory_space<hbm>>
        %dma_wait3A_588 = arith.constant 0 : i32
        %dma_wait3A_589 = arith.constant 0 : i32
        %dma_wait3A_590 = tpu.memref_slice %arg24[%dma_wait3A_579, %dma_wait3A_588, %dma_wait3A_589] : memref<2x8x1024xf32, #tpu.memory_space<vmem>> -> memref<1x8x1024xf32, #tpu.memory_space<vmem>>
        %dma_wait3A_591 = tpu.memref_squeeze %dma_wait3A_590 : memref<1x8x1024xf32, #tpu.memory_space<vmem>> -> memref<8x1024xf32, #tpu.memory_space<vmem>>
        tpu.wait_dma2 semaphore(%arg28 : memref<!tpu.dma_semaphore, #tpu.memory_space<semaphore_mem>>) src(%dma_wait3A_591 : memref<8x1024xf32, #tpu.memory_space<vmem>>) dst(%dma_wait3A_587 : memref<8x1024xf32, #tpu.memory_space<hbm>>)
      } else {
      }
      %mul3A_419 = arith.constant 8 : i32
      %mul3A_420 = arith.muli %add3A_100, %mul3A_419 : i32
      %add3A_421 = arith.constant 0 : i32
      %add3A_422 = arith.addi %mul3A_420, %add3A_421 : i32
      %broadcast_in_dim3A_423 = vector.broadcast %add3A_422 : i32 to vector<16xi32>
      %gather3A_424 = tpu.vector_load_idx %arg15[%broadcast_in_dim3A_423] : memref<512xf32, #tpu.memory_space<vmem>>[vector<16xi32>], vector<16xf32>,
      %gather3A_425 = tpu.vector_load_idx %arg16[%broadcast_in_dim3A_423] : memref<512xf32, #tpu.memory_space<vmem>>[vector<16xi32>], vector<16xf32>,
      %gather3A_426 = tpu.vector_load_idx %arg17[%broadcast_in_dim3A_423] : memref<512xi32, #tpu.memory_space<vmem>>[vector<16xi32>], vector<16xi32>,
      %mul3A_427 = arith.constant 1024 : i32
      %mul3A_428 = vector.broadcast %mul3A_427 : i32 to vector<16xi32>
      %mul3A_429 = arith.muli %gather3A_426, %mul3A_428 : vector<16xi32>
      %add3A_430 = arith.addi %mul3A_429, %iota3A : vector<16xi32>
      %gather3A_431 = tpu.vector_load_idx %arg18[%broadcast_in_dim3A_423] : memref<512xi32, #tpu.memory_space<vmem>>[vector<16xi32>], vector<16xi32>,
      %mul3A_432 = arith.constant 1024 : i32
      %mul3A_433 = vector.broadcast %mul3A_432 : i32 to vector<16xi32>
      %mul3A_434 = arith.muli %gather3A_431, %mul3A_433 : vector<16xi32>
      %add3A_435 = arith.addi %mul3A_434, %iota3A : vector<16xi32>
      %mul3A_436 = arith.constant 8 : i32
      %mul3A_437 = arith.muli %add3A_100, %mul3A_436 : i32
      %add3A_438 = arith.constant 1 : i32
      %add3A_439 = arith.addi %mul3A_437, %add3A_438 : i32
      %broadcast_in_dim3A_440 = vector.broadcast %add3A_439 : i32 to vector<16xi32>
      %gather3A_441 = tpu.vector_load_idx %arg15[%broadcast_in_dim3A_440] : memref<512xf32, #tpu.memory_space<vmem>>[vector<16xi32>], vector<16xf32>,
      %gather3A_442 = tpu.vector_load_idx %arg16[%broadcast_in_dim3A_440] : memref<512xf32, #tpu.memory_space<vmem>>[vector<16xi32>], vector<16xf32>,
      %gather3A_443 = tpu.vector_load_idx %arg17[%broadcast_in_dim3A_440] : memref<512xi32, #tpu.memory_space<vmem>>[vector<16xi32>], vector<16xi32>,
      %mul3A_444 = arith.constant 1024 : i32
      %mul3A_445 = vector.broadcast %mul3A_444 : i32 to vector<16xi32>
      %mul3A_446 = arith.muli %gather3A_443, %mul3A_445 : vector<16xi32>
      %add3A_447 = arith.addi %mul3A_446, %iota3A : vector<16xi32>
      %gather3A_448 = tpu.vector_load_idx %arg18[%broadcast_in_dim3A_440] : memref<512xi32, #tpu.memory_space<vmem>>[vector<16xi32>], vector<16xi32>,
      %mul3A_449 = arith.constant 1024 : i32
      %mul3A_450 = vector.broadcast %mul3A_449 : i32 to vector<16xi32>
      %mul3A_451 = arith.muli %gather3A_448, %mul3A_450 : vector<16xi32>
      %add3A_452 = arith.addi %mul3A_451, %iota3A : vector<16xi32>
      %mul3A_453 = arith.constant 8 : i32
      %mul3A_454 = arith.muli %add3A_100, %mul3A_453 : i32
      %add3A_455 = arith.constant 2 : i32
      %add3A_456 = arith.addi %mul3A_454, %add3A_455 : i32
      %broadcast_in_dim3A_457 = vector.broadcast %add3A_456 : i32 to vector<16xi32>
      %gather3A_458 = tpu.vector_load_idx %arg15[%broadcast_in_dim3A_457] : memref<512xf32, #tpu.memory_space<vmem>>[vector<16xi32>], vector<16xf32>,
      %gather3A_459 = tpu.vector_load_idx %arg16[%broadcast_in_dim3A_457] : memref<512xf32, #tpu.memory_space<vmem>>[vector<16xi32>], vector<16xf32>,
      %gather3A_460 = tpu.vector_load_idx %arg17[%broadcast_in_dim3A_457] : memref<512xi32, #tpu.memory_space<vmem>>[vector<16xi32>], vector<16xi32>,
      %mul3A_461 = arith.constant 1024 : i32
      %mul3A_462 = vector.broadcast %mul3A_461 : i32 to vector<16xi32>
      %mul3A_463 = arith.muli %gather3A_460, %mul3A_462 : vector<16xi32>
      %add3A_464 = arith.addi %mul3A_463, %iota3A : vector<16xi32>
      %gather3A_465 = tpu.vector_load_idx %arg18[%broadcast_in_dim3A_457] : memref<512xi32, #tpu.memory_space<vmem>>[vector<16xi32>], vector<16xi32>,
      %mul3A_466 = arith.constant 1024 : i32
      %mul3A_467 = vector.broadcast %mul3A_466 : i32 to vector<16xi32>
      %mul3A_468 = arith.muli %gather3A_465, %mul3A_467 : vector<16xi32>
      %add3A_469 = arith.addi %mul3A_468, %iota3A : vector<16xi32>
      %mul3A_470 = arith.constant 8 : i32
      %mul3A_471 = arith.muli %add3A_100, %mul3A_470 : i32
      %add3A_472 = arith.constant 3 : i32
      %add3A_473 = arith.addi %mul3A_471, %add3A_472 : i32
      %broadcast_in_dim3A_474 = vector.broadcast %add3A_473 : i32 to vector<16xi32>
      %gather3A_475 = tpu.vector_load_idx %arg15[%broadcast_in_dim3A_474] : memref<512xf32, #tpu.memory_space<vmem>>[vector<16xi32>], vector<16xf32>,
      %gather3A_476 = tpu.vector_load_idx %arg16[%broadcast_in_dim3A_474] : memref<512xf32, #tpu.memory_space<vmem>>[vector<16xi32>], vector<16xf32>,
      %gather3A_477 = tpu.vector_load_idx %arg17[%broadcast_in_dim3A_474] : memref<512xi32, #tpu.memory_space<vmem>>[vector<16xi32>], vector<16xi32>,
      %mul3A_478 = arith.constant 1024 : i32
      %mul3A_479 = vector.broadcast %mul3A_478 : i32 to vector<16xi32>
      %mul3A_480 = arith.muli %gather3A_477, %mul3A_479 : vector<16xi32>
      %add3A_481 = arith.addi %mul3A_480, %iota3A : vector<16xi32>
      %gather3A_482 = tpu.vector_load_idx %arg18[%broadcast_in_dim3A_474] : memref<512xi32, #tpu.memory_space<vmem>>[vector<16xi32>], vector<16xi32>,
      %mul3A_483 = arith.constant 1024 : i32
      %mul3A_484 = vector.broadcast %mul3A_483 : i32 to vector<16xi32>
      %mul3A_485 = arith.muli %gather3A_482, %mul3A_484 : vector<16xi32>
      %add3A_486 = arith.addi %mul3A_485, %iota3A : vector<16xi32>
      %mul3A_487 = arith.constant 8 : i32
      %mul3A_488 = arith.muli %add3A_100, %mul3A_487 : i32
      %add3A_489 = arith.constant 4 : i32
      %add3A_490 = arith.addi %mul3A_488, %add3A_489 : i32
      %broadcast_in_dim3A_491 = vector.broadcast %add3A_490 : i32 to vector<16xi32>
      %gather3A_492 = tpu.vector_load_idx %arg15[%broadcast_in_dim3A_491] : memref<512xf32, #tpu.memory_space<vmem>>[vector<16xi32>], vector<16xf32>,
      %gather3A_493 = tpu.vector_load_idx %arg16[%broadcast_in_dim3A_491] : memref<512xf32, #tpu.memory_space<vmem>>[vector<16xi32>], vector<16xf32>,
      %gather3A_494 = tpu.vector_load_idx %arg17[%broadcast_in_dim3A_491] : memref<512xi32, #tpu.memory_space<vmem>>[vector<16xi32>], vector<16xi32>,
      %mul3A_495 = arith.constant 1024 : i32
      %mul3A_496 = vector.broadcast %mul3A_495 : i32 to vector<16xi32>
      %mul3A_497 = arith.muli %gather3A_494, %mul3A_496 : vector<16xi32>
      %add3A_498 = arith.addi %mul3A_497, %iota3A : vector<16xi32>
      %gather3A_499 = tpu.vector_load_idx %arg18[%broadcast_in_dim3A_491] : memref<512xi32, #tpu.memory_space<vmem>>[vector<16xi32>], vector<16xi32>,
      %mul3A_500 = arith.constant 1024 : i32
      %mul3A_501 = vector.broadcast %mul3A_500 : i32 to vector<16xi32>
      %mul3A_502 = arith.muli %gather3A_499, %mul3A_501 : vector<16xi32>
      %add3A_503 = arith.addi %mul3A_502, %iota3A : vector<16xi32>
      %mul3A_504 = arith.constant 8 : i32
      %mul3A_505 = arith.muli %add3A_100, %mul3A_504 : i32
      %add3A_506 = arith.constant 5 : i32
      %add3A_507 = arith.addi %mul3A_505, %add3A_506 : i32
      %broadcast_in_dim3A_508 = vector.broadcast %add3A_507 : i32 to vector<16xi32>
      %gather3A_509 = tpu.vector_load_idx %arg15[%broadcast_in_dim3A_508] : memref<512xf32, #tpu.memory_space<vmem>>[vector<16xi32>], vector<16xf32>,
      %gather3A_510 = tpu.vector_load_idx %arg16[%broadcast_in_dim3A_508] : memref<512xf32, #tpu.memory_space<vmem>>[vector<16xi32>], vector<16xf32>,
      %gather3A_511 = tpu.vector_load_idx %arg17[%broadcast_in_dim3A_508] : memref<512xi32, #tpu.memory_space<vmem>>[vector<16xi32>], vector<16xi32>,
      %mul3A_512 = arith.constant 1024 : i32
      %mul3A_513 = vector.broadcast %mul3A_512 : i32 to vector<16xi32>
      %mul3A_514 = arith.muli %gather3A_511, %mul3A_513 : vector<16xi32>
      %add3A_515 = arith.addi %mul3A_514, %iota3A : vector<16xi32>
      %gather3A_516 = tpu.vector_load_idx %arg18[%broadcast_in_dim3A_508] : memref<512xi32, #tpu.memory_space<vmem>>[vector<16xi32>], vector<16xi32>,
      %mul3A_517 = arith.constant 1024 : i32
      %mul3A_518 = vector.broadcast %mul3A_517 : i32 to vector<16xi32>
      %mul3A_519 = arith.muli %gather3A_516, %mul3A_518 : vector<16xi32>
      %add3A_520 = arith.addi %mul3A_519, %iota3A : vector<16xi32>
      %mul3A_521 = arith.constant 8 : i32
      %mul3A_522 = arith.muli %add3A_100, %mul3A_521 : i32
      %add3A_523 = arith.constant 6 : i32
      %add3A_524 = arith.addi %mul3A_522, %add3A_523 : i32
      %broadcast_in_dim3A_525 = vector.broadcast %add3A_524 : i32 to vector<16xi32>
      %gather3A_526 = tpu.vector_load_idx %arg15[%broadcast_in_dim3A_525] : memref<512xf32, #tpu.memory_space<vmem>>[vector<16xi32>], vector<16xf32>,
      %gather3A_527 = tpu.vector_load_idx %arg16[%broadcast_in_dim3A_525] : memref<512xf32, #tpu.memory_space<vmem>>[vector<16xi32>], vector<16xf32>,
      %gather3A_528 = tpu.vector_load_idx %arg17[%broadcast_in_dim3A_525] : memref<512xi32, #tpu.memory_space<vmem>>[vector<16xi32>], vector<16xi32>,
      %mul3A_529 = arith.constant 1024 : i32
      %mul3A_530 = vector.broadcast %mul3A_529 : i32 to vector<16xi32>
      %mul3A_531 = arith.muli %gather3A_528, %mul3A_530 : vector<16xi32>
      %add3A_532 = arith.addi %mul3A_531, %iota3A : vector<16xi32>
      %gather3A_533 = tpu.vector_load_idx %arg18[%broadcast_in_dim3A_525] : memref<512xi32, #tpu.memory_space<vmem>>[vector<16xi32>], vector<16xi32>,
      %mul3A_534 = arith.constant 1024 : i32
      %mul3A_535 = vector.broadcast %mul3A_534 : i32 to vector<16xi32>
      %mul3A_536 = arith.muli %gather3A_533, %mul3A_535 : vector<16xi32>
      %add3A_537 = arith.addi %mul3A_536, %iota3A : vector<16xi32>
      %mul3A_538 = arith.constant 8 : i32
      %mul3A_539 = arith.muli %add3A_100, %mul3A_538 : i32
      %add3A_540 = arith.constant 7 : i32
      %add3A_541 = arith.addi %mul3A_539, %add3A_540 : i32
      %broadcast_in_dim3A_542 = vector.broadcast %add3A_541 : i32 to vector<16xi32>
      %gather3A_543 = tpu.vector_load_idx %arg15[%broadcast_in_dim3A_542] : memref<512xf32, #tpu.memory_space<vmem>>[vector<16xi32>], vector<16xf32>,
      %gather3A_544 = tpu.vector_load_idx %arg16[%broadcast_in_dim3A_542] : memref<512xf32, #tpu.memory_space<vmem>>[vector<16xi32>], vector<16xf32>,
      %gather3A_545 = tpu.vector_load_idx %arg17[%broadcast_in_dim3A_542] : memref<512xi32, #tpu.memory_space<vmem>>[vector<16xi32>], vector<16xi32>,
      %mul3A_546 = arith.constant 1024 : i32
      %mul3A_547 = vector.broadcast %mul3A_546 : i32 to vector<16xi32>
      %mul3A_548 = arith.muli %gather3A_545, %mul3A_547 : vector<16xi32>
      %add3A_549 = arith.addi %mul3A_548, %iota3A : vector<16xi32>
      %gather3A_550 = tpu.vector_load_idx %arg18[%broadcast_in_dim3A_542] : memref<512xi32, #tpu.memory_space<vmem>>[vector<16xi32>], vector<16xi32>,
      %mul3A_551 = arith.constant 1024 : i32
      %mul3A_552 = vector.broadcast %mul3A_551 : i32 to vector<16xi32>
      %mul3A_553 = arith.muli %gather3A_550, %mul3A_552 : vector<16xi32>
      %add3A_554 = arith.addi %mul3A_553, %iota3A : vector<16xi32>
      %parallel_loop3A_555 = arith.constant 0 : i32
      %parallel_loop3A_556 = arith.constant 64 : i32
      %parallel_loop3A_557 = arith.constant 1 : i32
      scf.for %parallel_loop3A_575 = %parallel_loop3A_555 to %parallel_loop3A_556 step %parallel_loop3A_557  : i32 {
        %parallel_loop3A_576 = arith.constant 16 : i32
        %parallel_loop3A_577 = arith.muli %parallel_loop3A_575, %parallel_loop3A_576 : i32
        %parallel_loop3A_578 = arith.constant 1 : i32
        %parallel_loop3A_579 = arith.constant 0 : i32
        %parallel_loop3A_580 = arith.index_cast %parallel_loop3A_578 : i32 to index
        %parallel_loop3A_581 = arith.index_cast %parallel_loop3A_579 : i32 to index
        %parallel_loop3A_582 = arith.index_cast %parallel_loop3A_577 : i32 to index
        %parallel_loop3A_583 = tpu.vector_load %arg20[%parallel_loop3A_580, %parallel_loop3A_581, %parallel_loop3A_582] {strides = array<i32>} : memref<2x8x1024xf32, #tpu.memory_space<vmem>>, vector<16xf32>,
        %parallel_loop3A_584 = arith.constant 1 : i32
        %parallel_loop3A_585 = arith.constant 0 : i32
        %parallel_loop3A_586 = arith.index_cast %parallel_loop3A_584 : i32 to index
        %parallel_loop3A_587 = arith.index_cast %parallel_loop3A_585 : i32 to index
        %parallel_loop3A_588 = arith.index_cast %parallel_loop3A_577 : i32 to index
        %parallel_loop3A_589 = tpu.vector_load %arg21[%parallel_loop3A_586, %parallel_loop3A_587, %parallel_loop3A_588] {strides = array<i32>} : memref<2x8x1024xf32, #tpu.memory_space<vmem>>, vector<16xf32>,
        %parallel_loop3A_590 = arith.constant 1 : i32
        %parallel_loop3A_591 = arith.constant 0 : i32
        %parallel_loop3A_592 = arith.index_cast %parallel_loop3A_590 : i32 to index
        %parallel_loop3A_593 = arith.index_cast %parallel_loop3A_591 : i32 to index
        %parallel_loop3A_594 = arith.index_cast %parallel_loop3A_577 : i32 to index
        %parallel_loop3A_595 = tpu.vector_load %arg22[%parallel_loop3A_592, %parallel_loop3A_593, %parallel_loop3A_594] {strides = array<i32>} : memref<2x8x1024xf32, #tpu.memory_space<vmem>>, vector<16xf32>,
        %parallel_loop3A_596 = arith.constant 1 : i32
        %parallel_loop3A_597 = arith.constant 0 : i32
        %parallel_loop3A_598 = arith.index_cast %parallel_loop3A_596 : i32 to index
        %parallel_loop3A_599 = arith.index_cast %parallel_loop3A_597 : i32 to index
        %parallel_loop3A_600 = arith.index_cast %parallel_loop3A_577 : i32 to index
        %parallel_loop3A_601 = tpu.vector_load %arg23[%parallel_loop3A_598, %parallel_loop3A_599, %parallel_loop3A_600] {strides = array<i32>} : memref<2x8x1024xf32, #tpu.memory_space<vmem>>, vector<16xf32>,
        %parallel_loop3A_602 = vector.broadcast %parallel_loop3A_577 : i32 to vector<16xi32>
        %parallel_loop3A_603 = arith.addi %add3A_430, %parallel_loop3A_602 : vector<16xi32>
        %parallel_loop3A_604 = tpu.vector_load_idx %arg19[%parallel_loop3A_603] : memref<16384xf32, #tpu.memory_space<vmem>>[vector<16xi32>], vector<16xf32>,
        %parallel_loop3A_605 = vector.broadcast %parallel_loop3A_577 : i32 to vector<16xi32>
        %parallel_loop3A_606 = arith.addi %add3A_435, %parallel_loop3A_605 : vector<16xi32>
        %parallel_loop3A_607 = tpu.vector_load_idx %arg19[%parallel_loop3A_606] : memref<16384xf32, #tpu.memory_space<vmem>>[vector<16xi32>], vector<16xf32>,
        %parallel_loop3A_608 = arith.addf %parallel_loop3A_595, %parallel_loop3A_601 : vector<16xf32>
        %parallel_loop3A_609 = arith.addf %parallel_loop3A_583, %parallel_loop3A_604 : vector<16xf32>
        %parallel_loop3A_610 = arith.mulf %gather3A_424, %parallel_loop3A_609 : vector<16xf32>
        %parallel_loop3A_611 = arith.addf %parallel_loop3A_608, %parallel_loop3A_610 : vector<16xf32>
        %parallel_loop3A_612 = arith.addf %parallel_loop3A_589, %parallel_loop3A_607 : vector<16xf32>
        %parallel_loop3A_613 = arith.mulf %gather3A_425, %parallel_loop3A_612 : vector<16xf32>
        %parallel_loop3A_614 = arith.addf %parallel_loop3A_611, %parallel_loop3A_613 : vector<16xf32>
        %parallel_loop3A_615 = arith.constant 1 : i32
        %parallel_loop3A_616 = arith.constant 0 : i32
        %parallel_loop3A_617 = arith.index_cast %parallel_loop3A_615 : i32 to index
        %parallel_loop3A_618 = arith.index_cast %parallel_loop3A_616 : i32 to index
        %parallel_loop3A_619 = arith.index_cast %parallel_loop3A_577 : i32 to index
        %parallel_loop3A_620 = tpu.vector_load %arg24[%parallel_loop3A_617, %parallel_loop3A_618, %parallel_loop3A_619] {strides = array<i32>} : memref<2x8x1024xf32, #tpu.memory_space<vmem>>, vector<16xf32>,
        tpu.vector_store %arg24[%parallel_loop3A_617, %parallel_loop3A_618, %parallel_loop3A_619], %parallel_loop3A_614 {strides = array<i32>} : memref<2x8x1024xf32, #tpu.memory_space<vmem>>, vector<16xf32>,
        %parallel_loop3A_621 = arith.constant 1 : i32
        %parallel_loop3A_622 = arith.constant 1 : i32
        %parallel_loop3A_623 = arith.index_cast %parallel_loop3A_621 : i32 to index
        %parallel_loop3A_624 = arith.index_cast %parallel_loop3A_622 : i32 to index
        %parallel_loop3A_625 = arith.index_cast %parallel_loop3A_577 : i32 to index
        %parallel_loop3A_626 = tpu.vector_load %arg20[%parallel_loop3A_623, %parallel_loop3A_624, %parallel_loop3A_625] {strides = array<i32>} : memref<2x8x1024xf32, #tpu.memory_space<vmem>>, vector<16xf32>,
        %parallel_loop3A_627 = arith.constant 1 : i32
        %parallel_loop3A_628 = arith.constant 1 : i32
        %parallel_loop3A_629 = arith.index_cast %parallel_loop3A_627 : i32 to index
        %parallel_loop3A_630 = arith.index_cast %parallel_loop3A_628 : i32 to index
        %parallel_loop3A_631 = arith.index_cast %parallel_loop3A_577 : i32 to index
        %parallel_loop3A_632 = tpu.vector_load %arg21[%parallel_loop3A_629, %parallel_loop3A_630, %parallel_loop3A_631] {strides = array<i32>} : memref<2x8x1024xf32, #tpu.memory_space<vmem>>, vector<16xf32>,
        %parallel_loop3A_633 = arith.constant 1 : i32
        %parallel_loop3A_634 = arith.constant 1 : i32
        %parallel_loop3A_635 = arith.index_cast %parallel_loop3A_633 : i32 to index
        %parallel_loop3A_636 = arith.index_cast %parallel_loop3A_634 : i32 to index
        %parallel_loop3A_637 = arith.index_cast %parallel_loop3A_577 : i32 to index
        %parallel_loop3A_638 = tpu.vector_load %arg22[%parallel_loop3A_635, %parallel_loop3A_636, %parallel_loop3A_637] {strides = array<i32>} : memref<2x8x1024xf32, #tpu.memory_space<vmem>>, vector<16xf32>,
        %parallel_loop3A_639 = arith.constant 1 : i32
        %parallel_loop3A_640 = arith.constant 1 : i32
        %parallel_loop3A_641 = arith.index_cast %parallel_loop3A_639 : i32 to index
        %parallel_loop3A_642 = arith.index_cast %parallel_loop3A_640 : i32 to index
        %parallel_loop3A_643 = arith.index_cast %parallel_loop3A_577 : i32 to index
        %parallel_loop3A_644 = tpu.vector_load %arg23[%parallel_loop3A_641, %parallel_loop3A_642, %parallel_loop3A_643] {strides = array<i32>} : memref<2x8x1024xf32, #tpu.memory_space<vmem>>, vector<16xf32>,
        %parallel_loop3A_645 = vector.broadcast %parallel_loop3A_577 : i32 to vector<16xi32>
        %parallel_loop3A_646 = arith.addi %add3A_447, %parallel_loop3A_645 : vector<16xi32>
        %parallel_loop3A_647 = tpu.vector_load_idx %arg19[%parallel_loop3A_646] : memref<16384xf32, #tpu.memory_space<vmem>>[vector<16xi32>], vector<16xf32>,
        %parallel_loop3A_648 = vector.broadcast %parallel_loop3A_577 : i32 to vector<16xi32>
        %parallel_loop3A_649 = arith.addi %add3A_452, %parallel_loop3A_648 : vector<16xi32>
        %parallel_loop3A_650 = tpu.vector_load_idx %arg19[%parallel_loop3A_649] : memref<16384xf32, #tpu.memory_space<vmem>>[vector<16xi32>], vector<16xf32>,
        %parallel_loop3A_651 = arith.addf %parallel_loop3A_638, %parallel_loop3A_644 : vector<16xf32>
        %parallel_loop3A_652 = arith.addf %parallel_loop3A_626, %parallel_loop3A_647 : vector<16xf32>
        %parallel_loop3A_653 = arith.mulf %gather3A_441, %parallel_loop3A_652 : vector<16xf32>
        %parallel_loop3A_654 = arith.addf %parallel_loop3A_651, %parallel_loop3A_653 : vector<16xf32>
        %parallel_loop3A_655 = arith.addf %parallel_loop3A_632, %parallel_loop3A_650 : vector<16xf32>
        %parallel_loop3A_656 = arith.mulf %gather3A_442, %parallel_loop3A_655 : vector<16xf32>
        %parallel_loop3A_657 = arith.addf %parallel_loop3A_654, %parallel_loop3A_656 : vector<16xf32>
        %parallel_loop3A_658 = arith.constant 1 : i32
        %parallel_loop3A_659 = arith.constant 1 : i32
        %parallel_loop3A_660 = arith.index_cast %parallel_loop3A_658 : i32 to index
        %parallel_loop3A_661 = arith.index_cast %parallel_loop3A_659 : i32 to index
        %parallel_loop3A_662 = arith.index_cast %parallel_loop3A_577 : i32 to index
        %parallel_loop3A_663 = tpu.vector_load %arg24[%parallel_loop3A_660, %parallel_loop3A_661, %parallel_loop3A_662] {strides = array<i32>} : memref<2x8x1024xf32, #tpu.memory_space<vmem>>, vector<16xf32>,
        tpu.vector_store %arg24[%parallel_loop3A_660, %parallel_loop3A_661, %parallel_loop3A_662], %parallel_loop3A_657 {strides = array<i32>} : memref<2x8x1024xf32, #tpu.memory_space<vmem>>, vector<16xf32>,
        %parallel_loop3A_664 = arith.constant 1 : i32
        %parallel_loop3A_665 = arith.constant 2 : i32
        %parallel_loop3A_666 = arith.index_cast %parallel_loop3A_664 : i32 to index
        %parallel_loop3A_667 = arith.index_cast %parallel_loop3A_665 : i32 to index
        %parallel_loop3A_668 = arith.index_cast %parallel_loop3A_577 : i32 to index
        %parallel_loop3A_669 = tpu.vector_load %arg20[%parallel_loop3A_666, %parallel_loop3A_667, %parallel_loop3A_668] {strides = array<i32>} : memref<2x8x1024xf32, #tpu.memory_space<vmem>>, vector<16xf32>,
        %parallel_loop3A_670 = arith.constant 1 : i32
        %parallel_loop3A_671 = arith.constant 2 : i32
        %parallel_loop3A_672 = arith.index_cast %parallel_loop3A_670 : i32 to index
        %parallel_loop3A_673 = arith.index_cast %parallel_loop3A_671 : i32 to index
        %parallel_loop3A_674 = arith.index_cast %parallel_loop3A_577 : i32 to index
        %parallel_loop3A_675 = tpu.vector_load %arg21[%parallel_loop3A_672, %parallel_loop3A_673, %parallel_loop3A_674] {strides = array<i32>} : memref<2x8x1024xf32, #tpu.memory_space<vmem>>, vector<16xf32>,
        %parallel_loop3A_676 = arith.constant 1 : i32
        %parallel_loop3A_677 = arith.constant 2 : i32
        %parallel_loop3A_678 = arith.index_cast %parallel_loop3A_676 : i32 to index
        %parallel_loop3A_679 = arith.index_cast %parallel_loop3A_677 : i32 to index
        %parallel_loop3A_680 = arith.index_cast %parallel_loop3A_577 : i32 to index
        %parallel_loop3A_681 = tpu.vector_load %arg22[%parallel_loop3A_678, %parallel_loop3A_679, %parallel_loop3A_680] {strides = array<i32>} : memref<2x8x1024xf32, #tpu.memory_space<vmem>>, vector<16xf32>,
        %parallel_loop3A_682 = arith.constant 1 : i32
        %parallel_loop3A_683 = arith.constant 2 : i32
        %parallel_loop3A_684 = arith.index_cast %parallel_loop3A_682 : i32 to index
        %parallel_loop3A_685 = arith.index_cast %parallel_loop3A_683 : i32 to index
        %parallel_loop3A_686 = arith.index_cast %parallel_loop3A_577 : i32 to index
        %parallel_loop3A_687 = tpu.vector_load %arg23[%parallel_loop3A_684, %parallel_loop3A_685, %parallel_loop3A_686] {strides = array<i32>} : memref<2x8x1024xf32, #tpu.memory_space<vmem>>, vector<16xf32>,
        %parallel_loop3A_688 = vector.broadcast %parallel_loop3A_577 : i32 to vector<16xi32>
        %parallel_loop3A_689 = arith.addi %add3A_464, %parallel_loop3A_688 : vector<16xi32>
        %parallel_loop3A_690 = tpu.vector_load_idx %arg19[%parallel_loop3A_689] : memref<16384xf32, #tpu.memory_space<vmem>>[vector<16xi32>], vector<16xf32>,
        %parallel_loop3A_691 = vector.broadcast %parallel_loop3A_577 : i32 to vector<16xi32>
        %parallel_loop3A_692 = arith.addi %add3A_469, %parallel_loop3A_691 : vector<16xi32>
        %parallel_loop3A_693 = tpu.vector_load_idx %arg19[%parallel_loop3A_692] : memref<16384xf32, #tpu.memory_space<vmem>>[vector<16xi32>], vector<16xf32>,
        %parallel_loop3A_694 = arith.addf %parallel_loop3A_681, %parallel_loop3A_687 : vector<16xf32>
        %parallel_loop3A_695 = arith.addf %parallel_loop3A_669, %parallel_loop3A_690 : vector<16xf32>
        %parallel_loop3A_696 = arith.mulf %gather3A_458, %parallel_loop3A_695 : vector<16xf32>
        %parallel_loop3A_697 = arith.addf %parallel_loop3A_694, %parallel_loop3A_696 : vector<16xf32>
        %parallel_loop3A_698 = arith.addf %parallel_loop3A_675, %parallel_loop3A_693 : vector<16xf32>
        %parallel_loop3A_699 = arith.mulf %gather3A_459, %parallel_loop3A_698 : vector<16xf32>
        %parallel_loop3A_700 = arith.addf %parallel_loop3A_697, %parallel_loop3A_699 : vector<16xf32>
        %parallel_loop3A_701 = arith.constant 1 : i32
        %parallel_loop3A_702 = arith.constant 2 : i32
        %parallel_loop3A_703 = arith.index_cast %parallel_loop3A_701 : i32 to index
        %parallel_loop3A_704 = arith.index_cast %parallel_loop3A_702 : i32 to index
        %parallel_loop3A_705 = arith.index_cast %parallel_loop3A_577 : i32 to index
        %parallel_loop3A_706 = tpu.vector_load %arg24[%parallel_loop3A_703, %parallel_loop3A_704, %parallel_loop3A_705] {strides = array<i32>} : memref<2x8x1024xf32, #tpu.memory_space<vmem>>, vector<16xf32>,
        tpu.vector_store %arg24[%parallel_loop3A_703, %parallel_loop3A_704, %parallel_loop3A_705], %parallel_loop3A_700 {strides = array<i32>} : memref<2x8x1024xf32, #tpu.memory_space<vmem>>, vector<16xf32>,
        %parallel_loop3A_707 = arith.constant 1 : i32
        %parallel_loop3A_708 = arith.constant 3 : i32
        %parallel_loop3A_709 = arith.index_cast %parallel_loop3A_707 : i32 to index
        %parallel_loop3A_710 = arith.index_cast %parallel_loop3A_708 : i32 to index
        %parallel_loop3A_711 = arith.index_cast %parallel_loop3A_577 : i32 to index
        %parallel_loop3A_712 = tpu.vector_load %arg20[%parallel_loop3A_709, %parallel_loop3A_710, %parallel_loop3A_711] {strides = array<i32>} : memref<2x8x1024xf32, #tpu.memory_space<vmem>>, vector<16xf32>,
        %parallel_loop3A_713 = arith.constant 1 : i32
        %parallel_loop3A_714 = arith.constant 3 : i32
        %parallel_loop3A_715 = arith.index_cast %parallel_loop3A_713 : i32 to index
        %parallel_loop3A_716 = arith.index_cast %parallel_loop3A_714 : i32 to index
        %parallel_loop3A_717 = arith.index_cast %parallel_loop3A_577 : i32 to index
        %parallel_loop3A_718 = tpu.vector_load %arg21[%parallel_loop3A_715, %parallel_loop3A_716, %parallel_loop3A_717] {strides = array<i32>} : memref<2x8x1024xf32, #tpu.memory_space<vmem>>, vector<16xf32>,
        %parallel_loop3A_719 = arith.constant 1 : i32
        %parallel_loop3A_720 = arith.constant 3 : i32
        %parallel_loop3A_721 = arith.index_cast %parallel_loop3A_719 : i32 to index
        %parallel_loop3A_722 = arith.index_cast %parallel_loop3A_720 : i32 to index
        %parallel_loop3A_723 = arith.index_cast %parallel_loop3A_577 : i32 to index
        %parallel_loop3A_724 = tpu.vector_load %arg22[%parallel_loop3A_721, %parallel_loop3A_722, %parallel_loop3A_723] {strides = array<i32>} : memref<2x8x1024xf32, #tpu.memory_space<vmem>>, vector<16xf32>,
        %parallel_loop3A_725 = arith.constant 1 : i32
        %parallel_loop3A_726 = arith.constant 3 : i32
        %parallel_loop3A_727 = arith.index_cast %parallel_loop3A_725 : i32 to index
        %parallel_loop3A_728 = arith.index_cast %parallel_loop3A_726 : i32 to index
        %parallel_loop3A_729 = arith.index_cast %parallel_loop3A_577 : i32 to index
        %parallel_loop3A_730 = tpu.vector_load %arg23[%parallel_loop3A_727, %parallel_loop3A_728, %parallel_loop3A_729] {strides = array<i32>} : memref<2x8x1024xf32, #tpu.memory_space<vmem>>, vector<16xf32>,
        %parallel_loop3A_731 = vector.broadcast %parallel_loop3A_577 : i32 to vector<16xi32>
        %parallel_loop3A_732 = arith.addi %add3A_481, %parallel_loop3A_731 : vector<16xi32>
        %parallel_loop3A_733 = tpu.vector_load_idx %arg19[%parallel_loop3A_732] : memref<16384xf32, #tpu.memory_space<vmem>>[vector<16xi32>], vector<16xf32>,
        %parallel_loop3A_734 = vector.broadcast %parallel_loop3A_577 : i32 to vector<16xi32>
        %parallel_loop3A_735 = arith.addi %add3A_486, %parallel_loop3A_734 : vector<16xi32>
        %parallel_loop3A_736 = tpu.vector_load_idx %arg19[%parallel_loop3A_735] : memref<16384xf32, #tpu.memory_space<vmem>>[vector<16xi32>], vector<16xf32>,
        %parallel_loop3A_737 = arith.addf %parallel_loop3A_724, %parallel_loop3A_730 : vector<16xf32>
        %parallel_loop3A_738 = arith.addf %parallel_loop3A_712, %parallel_loop3A_733 : vector<16xf32>
        %parallel_loop3A_739 = arith.mulf %gather3A_475, %parallel_loop3A_738 : vector<16xf32>
        %parallel_loop3A_740 = arith.addf %parallel_loop3A_737, %parallel_loop3A_739 : vector<16xf32>
        %parallel_loop3A_741 = arith.addf %parallel_loop3A_718, %parallel_loop3A_736 : vector<16xf32>
        %parallel_loop3A_742 = arith.mulf %gather3A_476, %parallel_loop3A_741 : vector<16xf32>
        %parallel_loop3A_743 = arith.addf %parallel_loop3A_740, %parallel_loop3A_742 : vector<16xf32>
        %parallel_loop3A_744 = arith.constant 1 : i32
        %parallel_loop3A_745 = arith.constant 3 : i32
        %parallel_loop3A_746 = arith.index_cast %parallel_loop3A_744 : i32 to index
        %parallel_loop3A_747 = arith.index_cast %parallel_loop3A_745 : i32 to index
        %parallel_loop3A_748 = arith.index_cast %parallel_loop3A_577 : i32 to index
        %parallel_loop3A_749 = tpu.vector_load %arg24[%parallel_loop3A_746, %parallel_loop3A_747, %parallel_loop3A_748] {strides = array<i32>} : memref<2x8x1024xf32, #tpu.memory_space<vmem>>, vector<16xf32>,
        tpu.vector_store %arg24[%parallel_loop3A_746, %parallel_loop3A_747, %parallel_loop3A_748], %parallel_loop3A_743 {strides = array<i32>} : memref<2x8x1024xf32, #tpu.memory_space<vmem>>, vector<16xf32>,
        %parallel_loop3A_750 = arith.constant 1 : i32
        %parallel_loop3A_751 = arith.constant 4 : i32
        %parallel_loop3A_752 = arith.index_cast %parallel_loop3A_750 : i32 to index
        %parallel_loop3A_753 = arith.index_cast %parallel_loop3A_751 : i32 to index
        %parallel_loop3A_754 = arith.index_cast %parallel_loop3A_577 : i32 to index
        %parallel_loop3A_755 = tpu.vector_load %arg20[%parallel_loop3A_752, %parallel_loop3A_753, %parallel_loop3A_754] {strides = array<i32>} : memref<2x8x1024xf32, #tpu.memory_space<vmem>>, vector<16xf32>,
        %parallel_loop3A_756 = arith.constant 1 : i32
        %parallel_loop3A_757 = arith.constant 4 : i32
        %parallel_loop3A_758 = arith.index_cast %parallel_loop3A_756 : i32 to index
        %parallel_loop3A_759 = arith.index_cast %parallel_loop3A_757 : i32 to index
        %parallel_loop3A_760 = arith.index_cast %parallel_loop3A_577 : i32 to index
        %parallel_loop3A_761 = tpu.vector_load %arg21[%parallel_loop3A_758, %parallel_loop3A_759, %parallel_loop3A_760] {strides = array<i32>} : memref<2x8x1024xf32, #tpu.memory_space<vmem>>, vector<16xf32>,
        %parallel_loop3A_762 = arith.constant 1 : i32
        %parallel_loop3A_763 = arith.constant 4 : i32
        %parallel_loop3A_764 = arith.index_cast %parallel_loop3A_762 : i32 to index
        %parallel_loop3A_765 = arith.index_cast %parallel_loop3A_763 : i32 to index
        %parallel_loop3A_766 = arith.index_cast %parallel_loop3A_577 : i32 to index
        %parallel_loop3A_767 = tpu.vector_load %arg22[%parallel_loop3A_764, %parallel_loop3A_765, %parallel_loop3A_766] {strides = array<i32>} : memref<2x8x1024xf32, #tpu.memory_space<vmem>>, vector<16xf32>,
        %parallel_loop3A_768 = arith.constant 1 : i32
        %parallel_loop3A_769 = arith.constant 4 : i32
        %parallel_loop3A_770 = arith.index_cast %parallel_loop3A_768 : i32 to index
        %parallel_loop3A_771 = arith.index_cast %parallel_loop3A_769 : i32 to index
        %parallel_loop3A_772 = arith.index_cast %parallel_loop3A_577 : i32 to index
        %parallel_loop3A_773 = tpu.vector_load %arg23[%parallel_loop3A_770, %parallel_loop3A_771, %parallel_loop3A_772] {strides = array<i32>} : memref<2x8x1024xf32, #tpu.memory_space<vmem>>, vector<16xf32>,
        %parallel_loop3A_774 = vector.broadcast %parallel_loop3A_577 : i32 to vector<16xi32>
        %parallel_loop3A_775 = arith.addi %add3A_498, %parallel_loop3A_774 : vector<16xi32>
        %parallel_loop3A_776 = tpu.vector_load_idx %arg19[%parallel_loop3A_775] : memref<16384xf32, #tpu.memory_space<vmem>>[vector<16xi32>], vector<16xf32>,
        %parallel_loop3A_777 = vector.broadcast %parallel_loop3A_577 : i32 to vector<16xi32>
        %parallel_loop3A_778 = arith.addi %add3A_503, %parallel_loop3A_777 : vector<16xi32>
        %parallel_loop3A_779 = tpu.vector_load_idx %arg19[%parallel_loop3A_778] : memref<16384xf32, #tpu.memory_space<vmem>>[vector<16xi32>], vector<16xf32>,
        %parallel_loop3A_780 = arith.addf %parallel_loop3A_767, %parallel_loop3A_773 : vector<16xf32>
        %parallel_loop3A_781 = arith.addf %parallel_loop3A_755, %parallel_loop3A_776 : vector<16xf32>
        %parallel_loop3A_782 = arith.mulf %gather3A_492, %parallel_loop3A_781 : vector<16xf32>
        %parallel_loop3A_783 = arith.addf %parallel_loop3A_780, %parallel_loop3A_782 : vector<16xf32>
        %parallel_loop3A_784 = arith.addf %parallel_loop3A_761, %parallel_loop3A_779 : vector<16xf32>
        %parallel_loop3A_785 = arith.mulf %gather3A_493, %parallel_loop3A_784 : vector<16xf32>
        %parallel_loop3A_786 = arith.addf %parallel_loop3A_783, %parallel_loop3A_785 : vector<16xf32>
        %parallel_loop3A_787 = arith.constant 1 : i32
        %parallel_loop3A_788 = arith.constant 4 : i32
        %parallel_loop3A_789 = arith.index_cast %parallel_loop3A_787 : i32 to index
        %parallel_loop3A_790 = arith.index_cast %parallel_loop3A_788 : i32 to index
        %parallel_loop3A_791 = arith.index_cast %parallel_loop3A_577 : i32 to index
        %parallel_loop3A_792 = tpu.vector_load %arg24[%parallel_loop3A_789, %parallel_loop3A_790, %parallel_loop3A_791] {strides = array<i32>} : memref<2x8x1024xf32, #tpu.memory_space<vmem>>, vector<16xf32>,
        tpu.vector_store %arg24[%parallel_loop3A_789, %parallel_loop3A_790, %parallel_loop3A_791], %parallel_loop3A_786 {strides = array<i32>} : memref<2x8x1024xf32, #tpu.memory_space<vmem>>, vector<16xf32>,
        %parallel_loop3A_793 = arith.constant 1 : i32
        %parallel_loop3A_794 = arith.constant 5 : i32
        %parallel_loop3A_795 = arith.index_cast %parallel_loop3A_793 : i32 to index
        %parallel_loop3A_796 = arith.index_cast %parallel_loop3A_794 : i32 to index
        %parallel_loop3A_797 = arith.index_cast %parallel_loop3A_577 : i32 to index
        %parallel_loop3A_798 = tpu.vector_load %arg20[%parallel_loop3A_795, %parallel_loop3A_796, %parallel_loop3A_797] {strides = array<i32>} : memref<2x8x1024xf32, #tpu.memory_space<vmem>>, vector<16xf32>,
        %parallel_loop3A_799 = arith.constant 1 : i32
        %parallel_loop3A_800 = arith.constant 5 : i32
        %parallel_loop3A_801 = arith.index_cast %parallel_loop3A_799 : i32 to index
        %parallel_loop3A_802 = arith.index_cast %parallel_loop3A_800 : i32 to index
        %parallel_loop3A_803 = arith.index_cast %parallel_loop3A_577 : i32 to index
        %parallel_loop3A_804 = tpu.vector_load %arg21[%parallel_loop3A_801, %parallel_loop3A_802, %parallel_loop3A_803] {strides = array<i32>} : memref<2x8x1024xf32, #tpu.memory_space<vmem>>, vector<16xf32>,
        %parallel_loop3A_805 = arith.constant 1 : i32
        %parallel_loop3A_806 = arith.constant 5 : i32
        %parallel_loop3A_807 = arith.index_cast %parallel_loop3A_805 : i32 to index
        %parallel_loop3A_808 = arith.index_cast %parallel_loop3A_806 : i32 to index
        %parallel_loop3A_809 = arith.index_cast %parallel_loop3A_577 : i32 to index
        %parallel_loop3A_810 = tpu.vector_load %arg22[%parallel_loop3A_807, %parallel_loop3A_808, %parallel_loop3A_809] {strides = array<i32>} : memref<2x8x1024xf32, #tpu.memory_space<vmem>>, vector<16xf32>,
        %parallel_loop3A_811 = arith.constant 1 : i32
        %parallel_loop3A_812 = arith.constant 5 : i32
        %parallel_loop3A_813 = arith.index_cast %parallel_loop3A_811 : i32 to index
        %parallel_loop3A_814 = arith.index_cast %parallel_loop3A_812 : i32 to index
        %parallel_loop3A_815 = arith.index_cast %parallel_loop3A_577 : i32 to index
        %parallel_loop3A_816 = tpu.vector_load %arg23[%parallel_loop3A_813, %parallel_loop3A_814, %parallel_loop3A_815] {strides = array<i32>} : memref<2x8x1024xf32, #tpu.memory_space<vmem>>, vector<16xf32>,
        %parallel_loop3A_817 = vector.broadcast %parallel_loop3A_577 : i32 to vector<16xi32>
        %parallel_loop3A_818 = arith.addi %add3A_515, %parallel_loop3A_817 : vector<16xi32>
        %parallel_loop3A_819 = tpu.vector_load_idx %arg19[%parallel_loop3A_818] : memref<16384xf32, #tpu.memory_space<vmem>>[vector<16xi32>], vector<16xf32>,
        %parallel_loop3A_820 = vector.broadcast %parallel_loop3A_577 : i32 to vector<16xi32>
        %parallel_loop3A_821 = arith.addi %add3A_520, %parallel_loop3A_820 : vector<16xi32>
        %parallel_loop3A_822 = tpu.vector_load_idx %arg19[%parallel_loop3A_821] : memref<16384xf32, #tpu.memory_space<vmem>>[vector<16xi32>], vector<16xf32>,
        %parallel_loop3A_823 = arith.addf %parallel_loop3A_810, %parallel_loop3A_816 : vector<16xf32>
        %parallel_loop3A_824 = arith.addf %parallel_loop3A_798, %parallel_loop3A_819 : vector<16xf32>
        %parallel_loop3A_825 = arith.mulf %gather3A_509, %parallel_loop3A_824 : vector<16xf32>
        %parallel_loop3A_826 = arith.addf %parallel_loop3A_823, %parallel_loop3A_825 : vector<16xf32>
        %parallel_loop3A_827 = arith.addf %parallel_loop3A_804, %parallel_loop3A_822 : vector<16xf32>
        %parallel_loop3A_828 = arith.mulf %gather3A_510, %parallel_loop3A_827 : vector<16xf32>
        %parallel_loop3A_829 = arith.addf %parallel_loop3A_826, %parallel_loop3A_828 : vector<16xf32>
        %parallel_loop3A_830 = arith.constant 1 : i32
        %parallel_loop3A_831 = arith.constant 5 : i32
        %parallel_loop3A_832 = arith.index_cast %parallel_loop3A_830 : i32 to index
        %parallel_loop3A_833 = arith.index_cast %parallel_loop3A_831 : i32 to index
        %parallel_loop3A_834 = arith.index_cast %parallel_loop3A_577 : i32 to index
        %parallel_loop3A_835 = tpu.vector_load %arg24[%parallel_loop3A_832, %parallel_loop3A_833, %parallel_loop3A_834] {strides = array<i32>} : memref<2x8x1024xf32, #tpu.memory_space<vmem>>, vector<16xf32>,
        tpu.vector_store %arg24[%parallel_loop3A_832, %parallel_loop3A_833, %parallel_loop3A_834], %parallel_loop3A_829 {strides = array<i32>} : memref<2x8x1024xf32, #tpu.memory_space<vmem>>, vector<16xf32>,
        %parallel_loop3A_836 = arith.constant 1 : i32
        %parallel_loop3A_837 = arith.constant 6 : i32
        %parallel_loop3A_838 = arith.index_cast %parallel_loop3A_836 : i32 to index
        %parallel_loop3A_839 = arith.index_cast %parallel_loop3A_837 : i32 to index
        %parallel_loop3A_840 = arith.index_cast %parallel_loop3A_577 : i32 to index
        %parallel_loop3A_841 = tpu.vector_load %arg20[%parallel_loop3A_838, %parallel_loop3A_839, %parallel_loop3A_840] {strides = array<i32>} : memref<2x8x1024xf32, #tpu.memory_space<vmem>>, vector<16xf32>,
        %parallel_loop3A_842 = arith.constant 1 : i32
        %parallel_loop3A_843 = arith.constant 6 : i32
        %parallel_loop3A_844 = arith.index_cast %parallel_loop3A_842 : i32 to index
        %parallel_loop3A_845 = arith.index_cast %parallel_loop3A_843 : i32 to index
        %parallel_loop3A_846 = arith.index_cast %parallel_loop3A_577 : i32 to index
        %parallel_loop3A_847 = tpu.vector_load %arg21[%parallel_loop3A_844, %parallel_loop3A_845, %parallel_loop3A_846] {strides = array<i32>} : memref<2x8x1024xf32, #tpu.memory_space<vmem>>, vector<16xf32>,
        %parallel_loop3A_848 = arith.constant 1 : i32
        %parallel_loop3A_849 = arith.constant 6 : i32
        %parallel_loop3A_850 = arith.index_cast %parallel_loop3A_848 : i32 to index
        %parallel_loop3A_851 = arith.index_cast %parallel_loop3A_849 : i32 to index
        %parallel_loop3A_852 = arith.index_cast %parallel_loop3A_577 : i32 to index
        %parallel_loop3A_853 = tpu.vector_load %arg22[%parallel_loop3A_850, %parallel_loop3A_851, %parallel_loop3A_852] {strides = array<i32>} : memref<2x8x1024xf32, #tpu.memory_space<vmem>>, vector<16xf32>,
        %parallel_loop3A_854 = arith.constant 1 : i32
        %parallel_loop3A_855 = arith.constant 6 : i32
        %parallel_loop3A_856 = arith.index_cast %parallel_loop3A_854 : i32 to index
        %parallel_loop3A_857 = arith.index_cast %parallel_loop3A_855 : i32 to index
        %parallel_loop3A_858 = arith.index_cast %parallel_loop3A_577 : i32 to index
        %parallel_loop3A_859 = tpu.vector_load %arg23[%parallel_loop3A_856, %parallel_loop3A_857, %parallel_loop3A_858] {strides = array<i32>} : memref<2x8x1024xf32, #tpu.memory_space<vmem>>, vector<16xf32>,
        %parallel_loop3A_860 = vector.broadcast %parallel_loop3A_577 : i32 to vector<16xi32>
        %parallel_loop3A_861 = arith.addi %add3A_532, %parallel_loop3A_860 : vector<16xi32>
        %parallel_loop3A_862 = tpu.vector_load_idx %arg19[%parallel_loop3A_861] : memref<16384xf32, #tpu.memory_space<vmem>>[vector<16xi32>], vector<16xf32>,
        %parallel_loop3A_863 = vector.broadcast %parallel_loop3A_577 : i32 to vector<16xi32>
        %parallel_loop3A_864 = arith.addi %add3A_537, %parallel_loop3A_863 : vector<16xi32>
        %parallel_loop3A_865 = tpu.vector_load_idx %arg19[%parallel_loop3A_864] : memref<16384xf32, #tpu.memory_space<vmem>>[vector<16xi32>], vector<16xf32>,
        %parallel_loop3A_866 = arith.addf %parallel_loop3A_853, %parallel_loop3A_859 : vector<16xf32>
        %parallel_loop3A_867 = arith.addf %parallel_loop3A_841, %parallel_loop3A_862 : vector<16xf32>
        %parallel_loop3A_868 = arith.mulf %gather3A_526, %parallel_loop3A_867 : vector<16xf32>
        %parallel_loop3A_869 = arith.addf %parallel_loop3A_866, %parallel_loop3A_868 : vector<16xf32>
        %parallel_loop3A_870 = arith.addf %parallel_loop3A_847, %parallel_loop3A_865 : vector<16xf32>
        %parallel_loop3A_871 = arith.mulf %gather3A_527, %parallel_loop3A_870 : vector<16xf32>
        %parallel_loop3A_872 = arith.addf %parallel_loop3A_869, %parallel_loop3A_871 : vector<16xf32>
        %parallel_loop3A_873 = arith.constant 1 : i32
        %parallel_loop3A_874 = arith.constant 6 : i32
        %parallel_loop3A_875 = arith.index_cast %parallel_loop3A_873 : i32 to index
        %parallel_loop3A_876 = arith.index_cast %parallel_loop3A_874 : i32 to index
        %parallel_loop3A_877 = arith.index_cast %parallel_loop3A_577 : i32 to index
        %parallel_loop3A_878 = tpu.vector_load %arg24[%parallel_loop3A_875, %parallel_loop3A_876, %parallel_loop3A_877] {strides = array<i32>} : memref<2x8x1024xf32, #tpu.memory_space<vmem>>, vector<16xf32>,
        tpu.vector_store %arg24[%parallel_loop3A_875, %parallel_loop3A_876, %parallel_loop3A_877], %parallel_loop3A_872 {strides = array<i32>} : memref<2x8x1024xf32, #tpu.memory_space<vmem>>, vector<16xf32>,
        %parallel_loop3A_879 = arith.constant 1 : i32
        %parallel_loop3A_880 = arith.constant 7 : i32
        %parallel_loop3A_881 = arith.index_cast %parallel_loop3A_879 : i32 to index
        %parallel_loop3A_882 = arith.index_cast %parallel_loop3A_880 : i32 to index
        %parallel_loop3A_883 = arith.index_cast %parallel_loop3A_577 : i32 to index
        %parallel_loop3A_884 = tpu.vector_load %arg20[%parallel_loop3A_881, %parallel_loop3A_882, %parallel_loop3A_883] {strides = array<i32>} : memref<2x8x1024xf32, #tpu.memory_space<vmem>>, vector<16xf32>,
        %parallel_loop3A_885 = arith.constant 1 : i32
        %parallel_loop3A_886 = arith.constant 7 : i32
        %parallel_loop3A_887 = arith.index_cast %parallel_loop3A_885 : i32 to index
        %parallel_loop3A_888 = arith.index_cast %parallel_loop3A_886 : i32 to index
        %parallel_loop3A_889 = arith.index_cast %parallel_loop3A_577 : i32 to index
        %parallel_loop3A_890 = tpu.vector_load %arg21[%parallel_loop3A_887, %parallel_loop3A_888, %parallel_loop3A_889] {strides = array<i32>} : memref<2x8x1024xf32, #tpu.memory_space<vmem>>, vector<16xf32>,
        %parallel_loop3A_891 = arith.constant 1 : i32
        %parallel_loop3A_892 = arith.constant 7 : i32
        %parallel_loop3A_893 = arith.index_cast %parallel_loop3A_891 : i32 to index
        %parallel_loop3A_894 = arith.index_cast %parallel_loop3A_892 : i32 to index
        %parallel_loop3A_895 = arith.index_cast %parallel_loop3A_577 : i32 to index
        %parallel_loop3A_896 = tpu.vector_load %arg22[%parallel_loop3A_893, %parallel_loop3A_894, %parallel_loop3A_895] {strides = array<i32>} : memref<2x8x1024xf32, #tpu.memory_space<vmem>>, vector<16xf32>,
        %parallel_loop3A_897 = arith.constant 1 : i32
        %parallel_loop3A_898 = arith.constant 7 : i32
        %parallel_loop3A_899 = arith.index_cast %parallel_loop3A_897 : i32 to index
        %parallel_loop3A_900 = arith.index_cast %parallel_loop3A_898 : i32 to index
        %parallel_loop3A_901 = arith.index_cast %parallel_loop3A_577 : i32 to index
        %parallel_loop3A_902 = tpu.vector_load %arg23[%parallel_loop3A_899, %parallel_loop3A_900, %parallel_loop3A_901] {strides = array<i32>} : memref<2x8x1024xf32, #tpu.memory_space<vmem>>, vector<16xf32>,
        %parallel_loop3A_903 = vector.broadcast %parallel_loop3A_577 : i32 to vector<16xi32>
        %parallel_loop3A_904 = arith.addi %add3A_549, %parallel_loop3A_903 : vector<16xi32>
        %parallel_loop3A_905 = tpu.vector_load_idx %arg19[%parallel_loop3A_904] : memref<16384xf32, #tpu.memory_space<vmem>>[vector<16xi32>], vector<16xf32>,
        %parallel_loop3A_906 = vector.broadcast %parallel_loop3A_577 : i32 to vector<16xi32>
        %parallel_loop3A_907 = arith.addi %add3A_554, %parallel_loop3A_906 : vector<16xi32>
        %parallel_loop3A_908 = tpu.vector_load_idx %arg19[%parallel_loop3A_907] : memref<16384xf32, #tpu.memory_space<vmem>>[vector<16xi32>], vector<16xf32>,
        %parallel_loop3A_909 = arith.addf %parallel_loop3A_896, %parallel_loop3A_902 : vector<16xf32>
        %parallel_loop3A_910 = arith.addf %parallel_loop3A_884, %parallel_loop3A_905 : vector<16xf32>
        %parallel_loop3A_911 = arith.mulf %gather3A_543, %parallel_loop3A_910 : vector<16xf32>
        %parallel_loop3A_912 = arith.addf %parallel_loop3A_909, %parallel_loop3A_911 : vector<16xf32>
        %parallel_loop3A_913 = arith.addf %parallel_loop3A_890, %parallel_loop3A_908 : vector<16xf32>
        %parallel_loop3A_914 = arith.mulf %gather3A_544, %parallel_loop3A_913 : vector<16xf32>
        %parallel_loop3A_915 = arith.addf %parallel_loop3A_912, %parallel_loop3A_914 : vector<16xf32>
        %parallel_loop3A_916 = arith.constant 1 : i32
        %parallel_loop3A_917 = arith.constant 7 : i32
        %parallel_loop3A_918 = arith.index_cast %parallel_loop3A_916 : i32 to index
        %parallel_loop3A_919 = arith.index_cast %parallel_loop3A_917 : i32 to index
        %parallel_loop3A_920 = arith.index_cast %parallel_loop3A_577 : i32 to index
        %parallel_loop3A_921 = tpu.vector_load %arg24[%parallel_loop3A_918, %parallel_loop3A_919, %parallel_loop3A_920] {strides = array<i32>} : memref<2x8x1024xf32, #tpu.memory_space<vmem>>, vector<16xf32>,
        tpu.vector_store %arg24[%parallel_loop3A_918, %parallel_loop3A_919, %parallel_loop3A_920], %parallel_loop3A_915 {strides = array<i32>} : memref<2x8x1024xf32, #tpu.memory_space<vmem>>, vector<16xf32>,
      } {sc.loop_unroll_factor = 1 : i64, sc.parallel_access}
      %mul3A_558 = arith.constant 8 : i32
      %mul3A_559 = arith.muli %add3A_100, %mul3A_558 : i32
      %add3A_560 = arith.addi %mul3A_2, %mul3A_559 : i32
      %dma_start3A_561 = arith.constant 1 : i32
      %dma_start3A_562 = arith.constant 0 : i32
      %dma_start3A_563 = arith.constant 0 : i32
      %dma_start3A_564 = tpu.memref_slice %arg24[%dma_start3A_561, %dma_start3A_562, %dma_start3A_563] : memref<2x8x1024xf32, #tpu.memory_space<vmem>> -> memref<1x8x1024xf32, #tpu.memory_space<vmem>>
      %dma_start3A_565 = tpu.memref_squeeze %dma_start3A_564 : memref<1x8x1024xf32, #tpu.memory_space<vmem>> -> memref<8x1024xf32, #tpu.memory_space<vmem>>
      %dma_start3A_566 = arith.constant 0 : i32
      %dma_start3A_567 = tpu.memref_slice %arg12[%add3A_560, %dma_start3A_566] : memref<16384x1024xf32, #tpu.memory_space<hbm>> -> memref<8x1024xf32, #tpu.memory_space<hbm>>
      %dma_start3A_568 = arith.constant 0 : i32
      %dma_start3A_569 = tpu.memref_slice %arg12[%add3A_560, %dma_start3A_568] : memref<16384x1024xf32, #tpu.memory_space<hbm>> -> memref<8x1024xf32, #tpu.memory_space<hbm>>
      %dma_start3A_570 = arith.constant 0 : i32
      %dma_start3A_571 = arith.constant 0 : i32
      %dma_start3A_572 = tpu.memref_slice %arg24[%dma_start3A_561, %dma_start3A_570, %dma_start3A_571] : memref<2x8x1024xf32, #tpu.memory_space<vmem>> -> memref<1x8x1024xf32, #tpu.memory_space<vmem>>
      %dma_start3A_573 = tpu.memref_squeeze %dma_start3A_572 : memref<1x8x1024xf32, #tpu.memory_space<vmem>> -> memref<8x1024xf32, #tpu.memory_space<vmem>>
      tpu.enqueue_dma source(%dma_start3A_573 : memref<8x1024xf32, #tpu.memory_space<vmem>>) target(%dma_start3A_569 : memref<8x1024xf32, #tpu.memory_space<hbm>>) target_semaphore(%arg28 : memref<!tpu.dma_semaphore, #tpu.memory_space<semaphore_mem>>)
      %scan3A_574 = arith.constant 0 : i32
      scf.yield %scan3A_574 : i32
    }
    %scan3A_61 = arith.constant 32 : i32
    %mul3A_62 = arith.constant 62 : i32
    %mul3A_63 = arith.constant 8 : i32
    %mul3A_64 = arith.muli %mul3A_62, %mul3A_63 : i32
    %add3A_65 = arith.addi %mul3A_2, %mul3A_64 : i32
    %dma_wait3A = arith.constant 0 : i32
    %dma_wait3A_66 = arith.constant 0 : i32
    %dma_wait3A_67 = arith.constant 0 : i32
    %dma_wait3A_68 = tpu.memref_slice %arg24[%dma_wait3A, %dma_wait3A_66, %dma_wait3A_67] : memref<2x8x1024xf32, #tpu.memory_space<vmem>> -> memref<1x8x1024xf32, #tpu.memory_space<vmem>>
    %dma_wait3A_69 = tpu.memref_squeeze %dma_wait3A_68 : memref<1x8x1024xf32, #tpu.memory_space<vmem>> -> memref<8x1024xf32, #tpu.memory_space<vmem>>
    %dma_wait3A_70 = arith.constant 0 : i32
    %dma_wait3A_71 = tpu.memref_slice %arg12[%add3A_65, %dma_wait3A_70] : memref<16384x1024xf32, #tpu.memory_space<hbm>> -> memref<8x1024xf32, #tpu.memory_space<hbm>>
    %dma_wait3A_72 = arith.constant 0 : i32
    %dma_wait3A_73 = tpu.memref_slice %arg12[%add3A_65, %dma_wait3A_72] : memref<16384x1024xf32, #tpu.memory_space<hbm>> -> memref<8x1024xf32, #tpu.memory_space<hbm>>
    %dma_wait3A_74 = arith.constant 0 : i32
    %dma_wait3A_75 = arith.constant 0 : i32
    %dma_wait3A_76 = tpu.memref_slice %arg24[%dma_wait3A, %dma_wait3A_74, %dma_wait3A_75] : memref<2x8x1024xf32, #tpu.memory_space<vmem>> -> memref<1x8x1024xf32, #tpu.memory_space<vmem>>
    %dma_wait3A_77 = tpu.memref_squeeze %dma_wait3A_76 : memref<1x8x1024xf32, #tpu.memory_space<vmem>> -> memref<8x1024xf32, #tpu.memory_space<vmem>>
    tpu.wait_dma2 semaphore(%arg27 : memref<!tpu.dma_semaphore, #tpu.memory_space<semaphore_mem>>) src(%dma_wait3A_77 : memref<8x1024xf32, #tpu.memory_space<vmem>>) dst(%dma_wait3A_73 : memref<8x1024xf32, #tpu.memory_space<hbm>>)
    %mul3A_78 = arith.constant 63 : i32
    %mul3A_79 = arith.constant 8 : i32
    %mul3A_80 = arith.muli %mul3A_78, %mul3A_79 : i32
    %add3A_81 = arith.addi %mul3A_2, %mul3A_80 : i32
    %dma_wait3A_82 = arith.constant 1 : i32
    %dma_wait3A_83 = arith.constant 0 : i32
    %dma_wait3A_84 = arith.constant 0 : i32
    %dma_wait3A_85 = tpu.memref_slice %arg24[%dma_wait3A_82, %dma_wait3A_83, %dma_wait3A_84] : memref<2x8x1024xf32, #tpu.memory_space<vmem>> -> memref<1x8x1024xf32, #tpu.memory_space<vmem>>
    %dma_wait3A_86 = tpu.memref_squeeze %dma_wait3A_85 : memref<1x8x1024xf32, #tpu.memory_space<vmem>> -> memref<8x1024xf32, #tpu.memory_space<vmem>>
    %dma_wait3A_87 = arith.constant 0 : i32
    %dma_wait3A_88 = tpu.memref_slice %arg12[%add3A_81, %dma_wait3A_87] : memref<16384x1024xf32, #tpu.memory_space<hbm>> -> memref<8x1024xf32, #tpu.memory_space<hbm>>
    %dma_wait3A_89 = arith.constant 0 : i32
    %dma_wait3A_90 = tpu.memref_slice %arg12[%add3A_81, %dma_wait3A_89] : memref<16384x1024xf32, #tpu.memory_space<hbm>> -> memref<8x1024xf32, #tpu.memory_space<hbm>>
    %dma_wait3A_91 = arith.constant 0 : i32
    %dma_wait3A_92 = arith.constant 0 : i32
    %dma_wait3A_93 = tpu.memref_slice %arg24[%dma_wait3A_82, %dma_wait3A_91, %dma_wait3A_92] : memref<2x8x1024xf32, #tpu.memory_space<vmem>> -> memref<1x8x1024xf32, #tpu.memory_space<vmem>>
    %dma_wait3A_94 = tpu.memref_squeeze %dma_wait3A_93 : memref<1x8x1024xf32, #tpu.memory_space<vmem>> -> memref<8x1024xf32, #tpu.memory_space<vmem>>
    tpu.wait_dma2 semaphore(%arg28 : memref<!tpu.dma_semaphore, #tpu.memory_space<semaphore_mem>>) src(%dma_wait3A_94 : memref<8x1024xf32, #tpu.memory_space<vmem>>) dst(%dma_wait3A_90 : memref<8x1024xf32, #tpu.memory_space<hbm>>)
    return
  }
}

</mosaic_0001>

<sc_bundles>
// kernel: _run.3.cloned.1.call-start
scs
__scs_entry_jumppad:
0x0: {  	(pc) =	sbr.rel $0x88, $3  }
0x1: {  	(tag) =	ssettag $0x0;
	lr =	simm.s32 $0x1  }
0x2: {  	[smem:$0x3F97] =	sst lr;
	_ =	strace $0xD0000000  }
0x3: {  	_ = 	snop  }
0x4: {  	_ = 	snop  }
0x5: {  	_ = 	snop  }
0x6: {  	_ = 	snop  }
0x7: {  	_ = 	snop  }
__scs_overlays_trampoline_lowered:
0x8: {  	[smem:$0x3FA6] =	sst s0  }
0x9: {  	[smem:$0x3FA7] =	sst s1  }
0xa: {  	[smem:$0x3FA8] =	sst s2  }
0xb: {  	[smem:$0x3FA9] =	sst s3  }
0xc: {  	[smem:$0x3FAA] =	sst s4  }
0xd: {  	[smem:$0x3FAB] =	sst s5  }
0xe: {  	[smem:$0x3FAC] =	sst s6  }
0xf: {  	[smem:$0x3FAD] =	sst s7  }
0x10: {  	[smem:$0x3FAE] =	sst s8  }
0x11: {  	[smem:$0x3FAF] =	sst s9;
	s0 =	simm.s32 @!p0 $0x0  }
0x12: {  	s1 =	sld [smem:$0x3F95];
	s0 =	simm.s32 @p0 $0x1  }
0x13: {  	[smem:$0x3FB0] =	sst s0;
	s0 =	simm.s32 @!p1 $0x0  }
0x14: {  	s2 =	sld [smem:$0x3F94];
	s0 =	simm.s32 @p1 $0x1  }
0x15: {  	[smem:$0x3FB1] =	sst s0;
	s0 =	simm.s32 @!p2 $0x0  }
0x16: {  	s3 =	sld [smem:$0x3FDB];
	s0 =	simm.s32 @p2 $0x1  }
0x17: {  	s4 =	simm.s32 $0x1BF5;
	[smem:$0x3FB3] =	sst s0  }
0x18: {  	s0 =	sld [smem:$0x3F96];
	_ =	swait.ge [sflag:s4], $0x0  }
0x19: {  	s7 =	sld [smem:$0x3F97]  }
0x1a: {  	s8 =	sadd.s32 $0xFFFFE003, lr  }
0x1b: {  	s9 =	sadd.s32 $0xFFFFFEF7, lr;
	s5 =	simm.s32 $0xFFFFFFFF;
	p2 =	slt.u32 s8, $0xFFFFF086  }
0x1c: {  	p1 =	slt.u32 s9, $0xF7A;
	s5 =	simm.s32 @!p2 $0x0  }
0x1d: {  	s5 =	simm.s32 @p1 $0x1;
	p0 =	seq.s32 s7, s2  }
0x1e: {  	s7 =	smul.u32 @!p0 $0xF7A, s2;
	p2 =	seq.s32 @!p0 s5, $0x0  }
0x1f: {  	s9 =	smul.u32 $0xF7A, s1;
	s8 =	simm.s32 @!p0 $0x1BF5;
	p2 =	por !p2, p0  }
0x20: {  	[sflag:s8] =	ssyncset.s32 @!p0 $0xFFFFF086;
	s6 =	sadd.s32 @!p0 s3, s7;
	s7 =	simm.s32 @!p0 $0x108  }
0x21: {  	s3 =	sadd.s32 s3, s9;
	s6 =	sadd.s32 @!p0 $0x88, s6;
	s7 =	simm.s32 @p2 $0x1082  }
0x22: {  	[simem:s7], [sflag:s8] =	dma.local @!p0 [hbm:s6], $0xF7A  }
0x23: {  	s9 =	sor.u32 $0xD0000000, s2;
	s6 =	simm.s32 $0x108;
	_ =	swait.ge @!p0 [sflag:s8], $0x0  }
0x24: {  	s3 =	sadd.s32 $0x88, s3;
	s6 =	simm.s32 @!p1 $0x1082;
	[sflag:s4] =	ssyncset.s32 $0xFFFFF086  }
0x25: {  	[simem:s6], [sflag:s4] =	dma.local [hbm:s3], $0xF7A  }
0x26: {  	[smem:$0x3F97] =	sst s1;
	(tag) =	ssettag s2;
	_ =	strace s9  }
0x27: {  	s1 =	sld [smem:$0x3FA7]  }
0x28: {  	s2 =	sld [smem:$0x3FA8]  }
0x29: {  	s4 =	sld [smem:$0x3FAA]  }
0x2a: {  	p0 =	seq.s32 s5, $0x0;
	s5 =	sld [smem:$0x3FAB]  }
0x2b: {  	s6 =	sld [smem:$0x3FAC]  }
0x2c: {  	s7 =	sld [smem:$0x3FAD]  }
0x2d: {  	s3 =	simm.s32 $0x108;
	s8 =	sld [smem:$0x3FAE]  }
0x2e: {  	s3 =	simm.s32 @!p0 $0x1082;
	s9 =	sld [smem:$0x3FAF]  }
0x2f: {  	lr =	sadd.s32 s0, s3;
	s0 =	sld [smem:$0x3FA6]  }
0x30: {  	s3 =	sld [smem:$0x3FA9]  }
0x31: {  	[smem:$0x3FB2] =	sst s10  }
0x32: {  	s10 =	sld [smem:$0x3FB0];
	_ =	sdelay $0x3  }
0x33: {  	p0 =	seq.s32 s10, $0x1;
	s10 =	sld [smem:$0x3FB2];
	_ =	sdelay $0x3  }
0x34: {  	[smem:$0x3FB2] =	sst s10  }
0x35: {  	s10 =	sld [smem:$0x3FB1];
	_ =	sdelay $0x3  }
0x36: {  	p1 =	seq.s32 s10, $0x1;
	s10 =	sld [smem:$0x3FB2];
	_ =	sdelay $0x3  }
0x37: {  	[smem:$0x3FB2] =	sst s10  }
0x38: {  	s10 =	sld [smem:$0x3FB3]  }
0x39: {  	_ = 	snop;
	(pc) =	sbr.ind lr, $3  }
0x3a: {  	_ = 	snop  }
0x3b: {  	_ = 	snop  }
0x3c: {  	p2 =	seq.s32 s10, $0x1;
	s10 =	sld [smem:$0x3FB2]  }
0x3d: {  	_ =	shalt  }
0x3e: {  	_ =	shalt  }
0x3f: {  	_ =	shalt  }
0x40: {  	_ =	shalt  }
0x41: {  	_ =	shalt  }
0x42: {  	_ =	shalt  }
0x43: {  	_ =	shalt  }
0x44: {  	_ =	shalt  }
0x45: {  	_ =	shalt  }
0x46: {  	_ =	shalt  }
0x47: {  	_ =	shalt  }
0x48: {  	_ =	shalt  }
0x49: {  	_ =	shalt  }
0x4a: {  	_ =	shalt  }
0x4b: {  	_ =	shalt  }
0x4c: {  	_ =	shalt  }
0x4d: {  	_ =	shalt  }
0x4e: {  	_ =	shalt  }
0x4f: {  	_ =	shalt  }
0x50: {  	_ =	shalt  }
0x51: {  	_ =	shalt  }
0x52: {  	_ =	shalt  }
0x53: {  	_ =	shalt  }
0x54: {  	_ =	shalt  }
0x55: {  	_ =	shalt  }
0x56: {  	_ =	shalt  }
0x57: {  	_ =	shalt  }
0x58: {  	_ =	shalt  }
0x59: {  	_ =	shalt  }
0x5a: {  	_ =	shalt  }
0x5b: {  	_ =	shalt  }
0x5c: {  	_ =	shalt  }
0x5d: {  	_ =	shalt  }
0x5e: {  	_ =	shalt  }
0x5f: {  	_ =	shalt  }
0x60: {  	_ =	shalt  }
0x61: {  	_ =	shalt  }
0x62: {  	_ =	shalt  }
0x63: {  	_ =	shalt  }
0x64: {  	_ =	shalt  }
0x65: {  	_ =	shalt  }
0x66: {  	_ =	shalt  }
0x67: {  	_ =	shalt  }
0x68: {  	_ =	shalt  }
0x69: {  	_ =	shalt  }
0x6a: {  	_ =	shalt  }
0x6b: {  	_ =	shalt  }
0x6c: {  	_ =	shalt  }
0x6d: {  	_ =	shalt  }
0x6e: {  	_ =	shalt  }
0x6f: {  	_ =	shalt  }
0x70: {  	_ =	shalt  }
0x71: {  	_ =	shalt  }
0x72: {  	_ =	shalt  }
0x73: {  	_ =	shalt  }
0x74: {  	_ =	shalt  }
0x75: {  	_ =	shalt  }
0x76: {  	_ =	shalt  }
0x77: {  	_ =	shalt  }
0x78: {  	_ =	shalt  }
0x79: {  	_ =	shalt  }
0x7a: {  	_ =	shalt  }
0x7b: {  	_ =	shalt  }
0x7c: {  	_ =	shalt  }
0x7d: {  	_ =	shalt  }
0x7e: {  	_ =	shalt  }
0x7f: {  	_ =	shalt  }
0x80: {  	_ =	shalt  }
0x81: {  	_ =	shalt  }
0x82: {  	_ =	shalt  }
0x83: {  	_ =	shalt  }
0x84: {  	_ =	shalt  }
0x85: {  	_ =	shalt  }
0x86: {  	_ =	shalt  }
0x87: {  	_ =	shalt  }
.Lfunc_end0:
.L_simem_size_0:
called_computation_lowered:
.L_overlay_start_0:
0x88: {  	s2 =	sld [smem:$0x3FD9]  }
0x89: {  	s3 =	sld [smem:$0x3FFE];
	_ =	sdelay $0x1  }
0x8a: {  	s1 =	srdreg.scid  }
0x8b: {  	s0 =	sand.u32 $0x1, s1  }
0x8c: {  	s18 =	sshll.u32 s0, $0xA;
	s2 =	sadd.s32 s3, s2  }
0x8d: {  	s2 =	sadd.s32 s2, s18  }
0x8e: {  	[smem:$0x3FBE] =	sst s2  }
0x8f: {  	_ = 	snop  }
0x90: {  	s2 =	sld [smem:$0x3FC9]  }
0x91: {  	s19 =	sld [smem:$0x3FC8]  }
0x92: {  	s4 =	sld [smem:$0x3FC7]  }
0x93: {  	s5 =	sld [smem:$0x3FC6]  }
0x94: {  	s6 =	sld [smem:$0x3FC5]  }
0x95: {  	s7 =	sld [smem:$0x3FC4]  }
0x96: {  	s8 =	sld [smem:$0x3FC3]  }
0x97: {  	s9 =	sld [smem:$0x3FC2]  }
0x98: {  	s10 =	sld [smem:$0x3FC1]  }
0x99: {  	s11 =	sld [smem:$0x3FC0]  }
0x9a: {  	s12 =	sld [smem:$0x3FD0];
	(tm) =	ssettm $0x1  }
0x9b: {  	s13 =	sld [smem:$0x3FFB];
	_ =	sdelay $0x3  }
0x9c: {  	_ =	strace s13  }
0x9d: {  	s13 =	sld [smem:$0x3FFC];
	_ =	sdelay $0x3  }
0x9e: {  	_ =	strace s13  }
0x9f: {  	s13 =	sld [smem:$0x3FFD];
	_ =	sdelay $0x3  }
0xa0: {  	_ =	strace s13  }
0xa1: {  	_ =	strace $0x8FFFFFFF  }
0xa2: {  	s20 =	sld [smem:$0x3FDB];
	_ =	sdelay $0x1  }
0xa3: {  	s14 =	simm.s32 $_scs_section_size  }
0xa4: {  	s15 =	simm.s32 $_size__tile_overlayer_lowered;
	s16 =	simm.s32 $_tile_overlayer_lowered  }
0xa5: {  	s23 =	simm.s32 $0x1BFF;
	s22 =	sshll.u32 s16, $0x1;
	s13 =	sadd.s32 s14, s20  }
0xa6: {  	s17 =	simm.s32 $0x0;
	s21 =	sshll.u32 s15, $0x1;
	s15 =	sadd.s32 s22, s13  }
0xa7: {  	[timem:s17], [sflag:s23] =	dma.local [hbm:s15], s21  }
0xa8: {  	_ =	swait.ge [sflag:s23], s21  }
0xa9: {  	s14 =	ssub.s32 $0x0, s21;
	[sflag:s23] =	ssyncset.done $0x0  }
0xaa: {  	[sflag:s23] =	ssyncadd.s32 s14;
	_ =	sdelay $0x1  }
0xab: {  	s24 =	simm.s32 $0x1B8B  }
0xac: {  	_ =	swait.ge [sflag:s24], $0x1  }
0xad: {  	[sflag:s24] =	ssyncset.done $0x0  }
0xae: {  	s25 =	simm.s32 $0x1B8E;
	[sflag:s24] =	ssyncadd.s32 $0xFFFFFFFF  }
0xaf: {  	s26 =	simm.s32 $execute0_lowered;
	[smem:$0x3FD2] =	sst s25  }
0xb0: {  	s14 =	sshll.u32 s26, $0x1;
	_ =	strace $0x80000046;
	[dreg:$0x1] =	wrdreg $0xFFFFFFFF  }
0xb1: {  	s28 =	simm.s32 $_size_execute0_lowered;
	s13 =	sadd.s32 s13, s14;
	[dreg:$0x0] =	wrdreg $0x0  }
0xb2: {  	s14 =	sshll.u32 s28, $0x1;
	[dreg:$0x2] =	wrdreg s13  }
0xb3: {  	[dreg:$0x3] =	wrdreg s14  }
0xb4: {  	[dreg:$0x4] =	wrdreg $0xC0  }
0xb5: {  	_ =	task [dreg:s17], $0x5FFFF  }
0xb6: {  	[dreg:$0x1] =	wrdreg $0xFFFFFFFF  }
0xb7: {  	[dreg:$0x0] =	wrdreg $0x60  }
0xb8: {  	[dreg:$0x2] =	wrdreg s2  }
0xb9: {  	[dreg:$0x3] =	wrdreg s19  }
0xba: {  	[dreg:$0x4] =	wrdreg s4  }
0xbb: {  	[dreg:$0x5] =	wrdreg s5  }
0xbc: {  	[dreg:$0x6] =	wrdreg s6  }
0xbd: {  	[dreg:$0x7] =	wrdreg s7  }
0xbe: {  	[dreg:$0x8] =	wrdreg s8  }
0xbf: {  	[dreg:$0x9] =	wrdreg s9  }
0xc0: {  	[dreg:$0xa] =	wrdreg s10  }
0xc1: {  	[dreg:$0xb] =	wrdreg s11  }
0xc2: {  	[dreg:$0xc] =	wrdreg s12  }
0xc3: {  	[dreg:$0xd] =	wrdreg $0x9  }
0xc4: {  	_ =	task.clear_ibuf [dreg:s17], $0xEFFFF;
	_ =	strace $0x90000046  }
0xc5: {  	s29 =	simm.s32 $0x9;
	_ =	strace $0x80000048  }
0xc6: {  	_ =	swait.ge [sflag:s29], $0x1  }
0xc7: {  	[sflag:s29] =	ssyncadd.s32 $0xFFFFFFFF  }
0xc8: {  	_ =	strace $0x90000048  }
0xc9: {  	_ =	sfence  }
0xca: {  	s30 =	sld [smem:$0x0];
	_ =	sdelay $0x2  }
0xcb: {  	s31 =	sshll.u32 s1, $0xD;
	s1 =	sshrl.u32 s1, $0x2  }
0xcc: {  	s3 =	sand.u32 $0x4000, s31;
	s1 =	sadd.s32 s1, s30  }
0xcd: {  	s0 =	sor.u32 s3, s0;
	s1 =	sshll.u32 s1, $0x11  }
0xce: {  	s0 =	sor.u32 s1, s0  }
0xcf: {  	s0 =	sadd.s32 $0x8F2B, s0  }
0xd0: {  	[sflag:s0] =	ssyncadd.remote.s32 $0x1  }
0xd1: {  	_ =	sfence.sel $0xFFFF  }
0xd2: {  	[dreg:$0x0] =	wrdreg $0xFFFFFFFF;
	(pc) =	sbr.abs _section_cstart, $3  }
0xd3: {  	[dreg:$0x1] =	wrdreg $0xFFFFFFFF  }
0xd4: {  	_ =	task.clear_ibuf [dreg:s17], $0x2FFFF;
	_ =	strace $0x9FFFFFFF  }
0xd5: {  	(tm) =	ssettm $0x7FFFFFFF  }
tec
execute0_lowered:
.L_overlay_start_1:
0x0: {  	(tag) =	ssettag $0x1  }
0x1: {  	s31 =	rddreg [dreg:$0x0]  }
0x2: {  	s1 =	rddreg [dreg:$0x1]  }
0x3: {  	s2 =	rddreg [dreg:$0x2]  }
0x4: {  	s18 =	rddreg [dreg:$0x3]  }
0x5: {  	s30 =	rddreg [dreg:$0x4]  }
0x6: {  	s3 =	rddreg [dreg:$0x6]  }
0x7: {  	s4 =	rddreg [dreg:$0x7]  }
0x8: {  	s5 =	rddreg [dreg:$0x8]  }
0x9: {  	s9 =	rddreg [dreg:$0x9]  }
0xa: {  	s7 =	srdreg.scid;
	s0 =	stileid.u32;
	s28 =	simm.s32 $0xC00  }
0xb: {  	s14 =	simm.s32 $0x2;
	s8 =	sand.u32 $0x1, s7;
	s7 =	simm.s32 $0x0  }
0xc: {  	s10 =	sshll.u32 s0, $0xA;
	s15 =	sadd.s32 $0x100, s31;
	s11 =	sshll.u32 s8, $0x9  }
0xd: {  	s24 =	sadd.s32 $0x200, s31;
	[smem:$0x7FF] =	sst s7;
	s0 =	sor.u32 s11, s10  }
0xe: {  	_ =	strace $0x80000047;
	[dreg:$0x13] =	wrdreg s24;
	s11 =	sshrl.u32 s0, $0x3  }
0xf: {  	s12 =	ssub.s32 $0x2, s8;
	[dreg:$0xc] =	wrdreg s0;
	s1 =	sadd.s32 s1, s11  }
0x10: {  	s16 =	sshrl.u32 s12, $0x1;
	s17 =	sadd.s32 s2, s11;
	[dreg:$0xd] =	wrdreg s1  }
0x11: {  	s24 =	simm.s32 $0x600;
	s19 =	sadd.s32 s3, s11;
	[dreg:$0xe] =	wrdreg s17  }
0x12: {  	s10 =	ssub.s32 s12, s16;
	s20 =	sadd.s32 s4, s11;
	[dreg:$0xf] =	wrdreg s19  }
0x13: {  	s23 =	sshll.u32 s0, $0x7;
	s21 =	sadd.s32 s5, s11;
	[dreg:$0x10] =	wrdreg s20  }
0x14: {  	s12 =	simm.s32 $0x1;
	s22 =	sadd.s32 s9, s11;
	[dreg:$0x11] =	wrdreg s21  }
0x15: {  	s25 =	sadd.s32 s18, s23;
	s26 =	sadd.s32 s30, s23;
	[dreg:$0x12] =	wrdreg s22  }
0x16: {  	v0 =	vlaneseq.u32;
	s29 =	smax.u32 s10, $0x1;
	s23 =	simm.s32 $0x400;
	[dreg:$0x14] =	wrdreg s25  }
0x17: {  	vm0 =	vmmov $0xffff;
	v2 =	vshrl.u32 v0, $0x3;
	s2 =	simm.s32 $0x0;
	s17 =	sadd.s32 $0x300, s31;
	[dreg:$0x15] =	wrdreg s26  }
0x18: {  	v1 =	vand.u32 $0x7, v0;
	v3 =	vor.u32 $0x10, v0;
	v2 =	vmul.u32 $0x8, v2;
	[dreg:$0x16] =	wrdreg s29;
	s25 =	simm.s32 $0x800;
	s26 =	simm.s32 $0xA00  }
.LBB2_1:
0x19: {  	[dreg:$0x17] =	wrdreg s2  }
0x1a: {  	s0 =	rddreg [dreg:$0xd];
	s1 =	simm.s32 $0x5  }
0x1b: {  	[tilespmem:s7], [sflag:$0x5] =	stream.linear.gather [hbm4b:s0+s7], $0x200, $0x38;
	[tilespmem:$0x18C00] =	vst v63  }
0x1c: {  	_ =	swait.ge [sflag:s1], $0x200  }
0x1d: {  	[sflag:s1] =	ssyncset.done $0x0  }
0x1e: {  	s21 =	simm.s32 $0x200;
	s20 =	rddreg [dreg:$0xe];
	[sflag:s1] =	ssyncadd.s32 $0xFFFFFE00  }
0x1f: {  	[tilespmem:s21], [sflag:$0x5] =	stream.linear.gather [hbm4b:s20+s7], $0x200, $0x38;
	[tilespmem:$0x18C00] =	vst v63  }
0x20: {  	_ =	swait.ge [sflag:s1], $0x200  }
0x21: {  	[sflag:s1] =	ssyncset.done $0x0  }
0x22: {  	s22 =	rddreg [dreg:$0xf];
	[sflag:s1] =	ssyncadd.s32 $0xFFFFFE00  }
0x23: {  	[tilespmem:s23], [sflag:$0x5] =	stream.linear.gather [hbm4b:s22+s7], $0x200, $0x38;
	[tilespmem:$0x18C00] =	vst v63  }
0x24: {  	_ =	swait.ge [sflag:s1], $0x200  }
0x25: {  	[sflag:s1] =	ssyncset.done $0x0  }
0x26: {  	s29 =	rddreg [dreg:$0x10];
	[sflag:s1] =	ssyncadd.s32 $0xFFFFFE00  }
0x27: {  	[tilespmem:s24], [sflag:$0x5] =	stream.linear.gather [hbm4b:s29+s7], $0x200, $0x38;
	[tilespmem:$0x18C00] =	vst v63  }
0x28: {  	_ =	swait.ge [sflag:s1], $0x200  }
0x29: {  	[sflag:s1] =	ssyncset.done $0x0  }
0x2a: {  	s2 =	rddreg [dreg:$0x11];
	[sflag:s1] =	ssyncadd.s32 $0xFFFFFE00  }
0x2b: {  	[tilespmem:s25], [sflag:$0x5] =	stream.linear.gather [hbm4b:s2+s7], $0x200, $0x38;
	[tilespmem:$0x18C00] =	vst v63  }
0x2c: {  	_ =	swait.ge [sflag:s1], $0x200  }
0x2d: {  	[sflag:s1] =	ssyncset.done $0x0  }
0x2e: {  	s3 =	rddreg [dreg:$0x12];
	[sflag:s1] =	ssyncadd.s32 $0xFFFFFE00  }
0x2f: {  	[tilespmem:s26], [sflag:$0x5] =	stream.linear.gather [hbm4b:s3+s7], $0x200, $0x38;
	[tilespmem:$0x18C00] =	vst v63  }
0x30: {  	_ =	swait.ge [sflag:s1], $0x200  }
0x31: {  	[sflag:s1] =	ssyncset.done $0x0  }
0x32: {  	[sflag:s1] =	ssyncadd.s32 $0xFFFFFE00  }
0x33: {  	s4 =	rddreg [dreg:$0x5]  }
0x34: {  	[tilespmem:s28], [sflag:$0x5] =	stream.linear.gather [hbm4b:s4+s7], $0x4000, $0x38;
	[tilespmem:$0x18C00] =	vst v63  }
0x35: {  	_ =	swait.ge [sflag:s1], $0x4000  }
0x36: {  	[sflag:s1] =	ssyncset.done $0x0  }
0x37: {  	[sflag:s1] =	ssyncadd.s32 $0xFFFFC000  }
0x38: {  	v4 =	vld.msk [tilespmem:$0x0], $0xff;
	_ =	sdelay $0x4  }
0x39: {  	v5 =	vshll.u32 v4, $0x3  }
0x3a: {  	v4 =	vand.u32 $0x7, v4;
	v5 =	vand.u32 $0xFFFFFFC0, v5  }
0x3b: {  	v4 =	vor.u32 v4, v5  }
0x3c: {  	v4 =	vperm.xlane v4, v1;
	_ =	sdelay $0x1  }
0x3d: {  	v4 =	vadd.s32 v2, v4;
	_ =	sdelay $0x3  }
0x3e: {  	s5 =	simm.s32 $0x4C00  }
0x3f: {  	[tilespmem:s5], [sflag:$0x1] =	stream.indirect_vreg.gather [hbm4b:s31+s7], $0x80, v4, vm0, $0xb8;
	[tilespmem:$0x18C00] =	vst v63  }
0x40: {  	s6 =	simm.s32 $0x5400  }
0x41: {  	[tilespmem:s6], [sflag:$0x1] =	stream.indirect_vreg.gather [hbm4b:s15+s7], $0x80, v4, vm0, $0xb8;
	[tilespmem:$0x18C00] =	vst v63  }
0x42: {  	s9 =	simm.s32 $0x5C00;
	s8 =	rddreg [dreg:$0x13]  }
0x43: {  	[tilespmem:s9], [sflag:$0x1] =	stream.indirect_vreg.gather [hbm4b:s8+s7], $0x80, v4, vm0, $0xb8;
	[tilespmem:$0x18C00] =	vst v63  }
0x44: {  	s10 =	simm.s32 $0x6400  }
0x45: {  	[tilespmem:s10], [sflag:$0x1] =	stream.indirect_vreg.gather [hbm4b:s17+s7], $0x80, v4, vm0, $0xb8;
	[tilespmem:$0x18C00] =	vst v63  }
0x46: {  	v4 =	vld.msk [tilespmem:$0x200], $0xff;
	_ =	sdelay $0x4  }
0x47: {  	v5 =	vshll.u32 v4, $0x3  }
0x48: {  	v4 =	vand.u32 $0x7, v4;
	v5 =	vand.u32 $0xFFFFFFC0, v5  }
0x49: {  	v4 =	vor.u32 v4, v5  }
0x4a: {  	v4 =	vperm.xlane v4, v1;
	_ =	sdelay $0x1  }
0x4b: {  	v4 =	vadd.s32 v2, v4;
	_ =	sdelay $0x3  }
0x4c: {  	s11 =	simm.s32 $0x8C00  }
0x4d: {  	[tilespmem:s11], [sflag:$0x1] =	stream.indirect_vreg.gather [hbm4b:s31+s7], $0x80, v4, vm0, $0xb8;
	[tilespmem:$0x18C00] =	vst v63  }
0x4e: {  	s13 =	simm.s32 $0x9400  }
0x4f: {  	[tilespmem:s13], [sflag:$0x1] =	stream.indirect_vreg.gather [hbm4b:s15+s7], $0x80, v4, vm0, $0xb8;
	[tilespmem:$0x18C00] =	vst v63  }
0x50: {  	s16 =	simm.s32 $0x9C00  }
0x51: {  	[tilespmem:s16], [sflag:$0x1] =	stream.indirect_vreg.gather [hbm4b:s8+s7], $0x80, v4, vm0, $0xb8;
	[tilespmem:$0x18C00] =	vst v63  }
0x52: {  	s19 =	simm.s32 $0xA400  }
0x53: {  	[tilespmem:s19], [sflag:$0x1] =	stream.indirect_vreg.gather [hbm4b:s17+s7], $0x80, v4, vm0, $0xb8;
	[tilespmem:$0x18C00] =	vst v63  }
0x54: {  	s21 =	simm.s32 $0xCC00;
	s20 =	rddreg [dreg:$0x14]  }
0x55: {  	[tilespmem:s21], [sflag:$0x1] =	stream.linear.gather [hbm4b:s20+s7], $0x2000, $0x38;
	[tilespmem:$0x18C00] =	vst v63  }
0x56: {  	s29 =	simm.s32 $0x10C00;
	s22 =	rddreg [dreg:$0x15];
	s20 =	simm.s32 $0x0  }
0x57: {  	[tilespmem:s29], [sflag:$0x1] =	stream.linear.gather [hbm4b:s22+s7], $0x2000, $0x38;
	[tilespmem:$0x18C00] =	vst v63  }
.LBB2_2:
0x58: {  	s21 =	sshll.u32 s20, $0x4  }
0x59: {  	s4 =	sor.u32 $0x8, s21  }
0x5a: {  	v4 =	vld.msk [tilespmem:s4+$0x0], $0xff;
	_ =	sdelay $0x4  }
0x5b: {  	v5 =	vshll.u32 v4, $0x3  }
0x5c: {  	v4 =	vand.u32 $0x7, v4;
	v5 =	vand.u32 $0xFFFFFFC0, v5  }
0x5d: {  	v4 =	vor.u32 v4, v5  }
0x5e: {  	v4 =	vperm.xlane v4, v1;
	_ =	sdelay $0x1  }
0x5f: {  	v4 =	vadd.s32 v2, v4;
	_ =	sdelay $0x3  }
0x60: {  	s0 =	simm.s32 $0x6C00  }
0x61: {  	[tilespmem:s0], [sflag:$0x2] =	stream.indirect_vreg.gather [hbm4b:s31+s7], $0x80, v4, vm0, $0xb8;
	[tilespmem:$0x18C00] =	vst v63  }
0x62: {  	s11 =	simm.s32 $0x7400  }
0x63: {  	[tilespmem:s11], [sflag:$0x2] =	stream.indirect_vreg.gather [hbm4b:s15+s7], $0x80, v4, vm0, $0xb8;
	[tilespmem:$0x18C00] =	vst v63  }
0x64: {  	s13 =	rddreg [dreg:$0x13];
	s1 =	simm.s32 $0x7C00  }
0x65: {  	[tilespmem:s1], [sflag:$0x2] =	stream.indirect_vreg.gather [hbm4b:s13+s7], $0x80, v4, vm0, $0xb8;
	[tilespmem:$0x18C00] =	vst v63  }
0x66: {  	s19 =	simm.s32 $0x8400  }
0x67: {  	[tilespmem:s19], [sflag:$0x2] =	stream.indirect_vreg.gather [hbm4b:s17+s7], $0x80, v4, vm0, $0xb8;
	[tilespmem:$0x18C00] =	vst v63  }
0x68: {  	v4 =	vld.msk [tilespmem:s21+$0x208], $0xff;
	_ =	sdelay $0x4  }
0x69: {  	v5 =	vshll.u32 v4, $0x3  }
0x6a: {  	v4 =	vand.u32 $0x7, v4;
	v5 =	vand.u32 $0xFFFFFFC0, v5  }
0x6b: {  	v4 =	vor.u32 v4, v5  }
0x6c: {  	v4 =	vperm.xlane v4, v1;
	_ =	sdelay $0x1  }
0x6d: {  	v4 =	vadd.s32 v2, v4;
	_ =	sdelay $0x3  }
0x6e: {  	s22 =	simm.s32 $0xAC00  }
0x6f: {  	[tilespmem:s22], [sflag:$0x2] =	stream.indirect_vreg.gather [hbm4b:s31+s7], $0x80, v4, vm0, $0xb8;
	[tilespmem:$0x18C00] =	vst v63  }
0x70: {  	s2 =	simm.s32 $0xB400  }
0x71: {  	[tilespmem:s2], [sflag:$0x2] =	stream.indirect_vreg.gather [hbm4b:s15+s7], $0x80, v4, vm0, $0xb8;
	[tilespmem:$0x18C00] =	vst v63  }
0x72: {  	s16 =	smov.u32 s15;
	s15 =	rddreg [dreg:$0xc]  }
0x73: {  	s3 =	simm.s32 $0xBC00;
	s6 =	sor.u32 s15, s4  }
0x74: {  	[tilespmem:s3], [sflag:$0x2] =	stream.indirect_vreg.gather [hbm4b:s13+s7], $0x80, v4, vm0, $0xb8;
	[tilespmem:$0x18C00] =	vst v63  }
0x75: {  	s5 =	simm.s32 $0xC400;
	s19 =	sshll.u32 s6, $0x7  }
0x76: {  	[tilespmem:s5], [sflag:$0x2] =	stream.indirect_vreg.gather [hbm4b:s17+s7], $0x80, v4, vm0, $0xb8;
	[tilespmem:$0x18C00] =	vst v63  }
0x77: {  	s9 =	simm.s32 $0xEC00;
	s1 =	sadd.s32 s18, s19  }
0x78: {  	[tilespmem:s9], [sflag:$0x2] =	stream.linear.gather [hbm4b:s1+s7], $0x2000, $0x38;
	[tilespmem:$0x18C00] =	vst v63  }
0x79: {  	s2 =	simm.s32 $0x12C00;
	s10 =	sadd.s32 s30, s19  }
0x7a: {  	[tilespmem:s2], [sflag:$0x2] =	stream.linear.gather [hbm4b:s10+s7], $0x2000, $0x38;
	[tilespmem:$0x18C00] =	vst v63  }
0x7b: {  	_ =	swait.ge [sflag:s12], $0x2000  }
0x7c: {  	[sflag:s12] =	ssyncset.done $0x0  }
0x7d: {  	[sflag:s12] =	ssyncadd.s32 $0xFFFFE000  }
0x7e: {  	_ =	swait.ge [sflag:s12], $0x2000  }
0x7f: {  	[sflag:s12] =	ssyncset.done $0x0  }
0x80: {  	[sflag:s12] =	ssyncadd.s32 $0xFFFFE000  }
0x81: {  	_ =	swait.ge [sflag:s12], $0x2000  }
0x82: {  	v4 =	vmov s21;
	[sflag:s12] =	ssyncset.done $0x0  }
0x83: {  	v4 =	vand.u32 $0xFFFFFFF0, v4;
	[sflag:s12] =	ssyncadd.s32 $0xFFFFE000  }
0x84: {  	v4 =	vbroadcast v4, $0x0;
	_ =	swait.ge [sflag:s12], $0x2000  }
0x85: {  	p0 =	seq.s32 s20, $0x0;
	s11 =	sor.u32 $0x1, s21;
	[sflag:s12] =	ssyncset.done $0x0  }
0x86: {  	v5 =	vmov s11;
	s2 =	simm.s32 @!p0 $0x3;
	[sflag:s12] =	ssyncadd.s32 $0xFFFFE000  }
0x87: {  	v5 =	vand.u32 $0xFFFFFFF1, v5;
	_ =	swait.ge @!p0 [sflag:s2], $0x2000  }
0x88: {  	v5 =	vbroadcast v5, $0x0;
	[sflag:s2] =	ssyncset.done @!p0 $0x0  }
0x89: {  	s13 =	sor.u32 $0x2, s21;
	[sflag:s2] =	ssyncadd.s32 @!p0 $0xFFFFE000  }
0x8a: {  	v6 =	vmov s13;
	v18 =	vld.idx.msk [tilespmem:v4+s23+$0x0], $0xffff  }
0x8b: {  	v6 =	vand.u32 $0xFFFFFFF2, v6;
	v19 =	vld.idx.msk [tilespmem:v4+s24+$0x0], $0xffff  }
0x8c: {  	v6 =	vbroadcast v6, $0x0;
	v7 =	vld.idx.msk [tilespmem:v4+s25+$0x0], $0xffff  }
0x8d: {  	s6 =	smov.u32 s18;
	s18 =	sor.u32 $0x3, s21;
	v4 =	vld.idx.msk [tilespmem:v4+s26+$0x0], $0xffff  }
0x8e: {  	v8 =	vmov s18;
	v16 =	vld.idx.msk [tilespmem:v5+s23+$0x0], $0xffff  }
0x8f: {  	v8 =	vand.u32 $0xFFFFFFF3, v8;
	v17 =	vld.idx.msk [tilespmem:v5+s24+$0x0], $0xffff  }
0x90: {  	v8 =	vbroadcast v8, $0x0;
	v20 =	vld.idx.msk [tilespmem:v5+s25+$0x0], $0xffff  }
0x91: {  	v21 =	vld.idx.msk [tilespmem:v5+s26+$0x0], $0xffff  }
0x92: {  	s22 =	sor.u32 $0x4, s21;
	v14 =	vld.idx.msk [tilespmem:v6+s23+$0x0], $0xffff  }
0x93: {  	v5 =	vmov s22;
	v15 =	vld.idx.msk [tilespmem:v6+s24+$0x0], $0xffff  }
0x94: {  	v22 =	vld.idx.msk [tilespmem:v6+s25+$0x0], $0xffff;
	v5 =	vand.u32 $0xFFFFFFF4, v5  }
0x95: {  	v23 =	vld.idx.msk [tilespmem:v6+s26+$0x0], $0xffff;
	v5 =	vbroadcast v5, $0x0  }
0x96: {  	s2 =	sor.u32 $0x5, s21;
	v13 =	vld.idx.msk [tilespmem:v8+s23+$0x0], $0xffff  }
0x97: {  	s5 =	simm.s32 $0x0;
	v6 =	vmov s2;
	v12 =	vld.idx.msk [tilespmem:v8+s24+$0x0], $0xffff  }
0x98: {  	s9 =	sand.u32 $0x70, s5;
	s10 =	sand.u32 $0x1C00, s5;
	v24 =	vld.idx.msk [tilespmem:v8+s25+$0x0], $0xffff;
	v6 =	vand.u32 $0xFFFFFFF5, v6  }
0x99: {  	s10 =	sor.u32 s9, s10;
	v25 =	vld.idx.msk [tilespmem:v8+s26+$0x0], $0xffff;
	v6 =	vbroadcast v6, $0x0  }
0x9a: {  	v30 =	vld [tilespmem:s10+$0x8C00]  }
0x9b: {  	v11 =	vld.idx.msk [tilespmem:v5+s23+$0x0], $0xffff  }
0x9c: {  	v10 =	vld.idx.msk [tilespmem:v5+s24+$0x0], $0xffff  }
0x9d: {  	v32 =	vld.idx.msk [tilespmem:v5+s25+$0x0], $0xffff  }
0x9e: {  	v33 =	vld.idx.msk [tilespmem:v5+s26+$0x0], $0xffff  }
0x9f: {  	v34 =	vshll.u32 v7, $0xA;
	v9 =	vld.idx.msk [tilespmem:v6+s23+$0x0], $0xffff  }
0xa0: {  	v5 =	vor.u32 v0, v34;
	v8 =	vld.idx.msk [tilespmem:v6+s24+$0x0], $0xffff  }
0xa1: {  	v35 =	vshll.u32 v4, $0xA;
	v27 =	vld.idx.msk [tilespmem:v6+s25+$0x0], $0xffff  }
0xa2: {  	s3 =	sor.u32 $0x6, s21;
	v26 =	vld.idx.msk [tilespmem:v6+s26+$0x0], $0xffff;
	v6 =	vor.u32 v0, v35  }
0xa3: {  	v31 =	vld [tilespmem:s10+$0xCC00];
	v7 =	vmov s3  }
0xa4: {  	v28 =	vld [tilespmem:s10+$0x4C00];
	v4 =	vand.u32 $0xFFFFFFF6, v7  }
0xa5: {  	s11 =	sor.u32 $0x7, s21;
	v4 =	vbroadcast v4, $0x0;
	v5 =	vld.idx.msk [tilespmem:v5+s28+$0x0], $0xffff  }
0xa6: {  	v37 =	vld [tilespmem:s10+$0x10C00];
	v7 =	vmov s11  }
0xa7: {  	v7 =	vand.u32 $0xFFFFFFF7, v7;
	v38 =	vld.idx.msk [tilespmem:v6+s28+$0x0], $0xffff  }
0xa8: {  	v44 =	vld [tilespmem:s10+$0x8C80];
	v36 =	vbroadcast v7, $0x0  }
0xa9: {  	v45 =	vld [tilespmem:s10+$0xCC80]  }
0xaa: {  	v46 =	vld [tilespmem:s10+$0x4C80];
	v39 =	vadd.f32 v5, v28  }
0xab: {  	v7 =	vld.idx.msk [tilespmem:v4+s23+$0x0], $0xffff  }
0xac: {  	v37 =	vadd.f32 v37, v31;
	v6 =	vld.idx.msk [tilespmem:v4+s24+$0x0], $0xffff;
	v30 =	vadd.f32 v38, v30;
	v39 =	vmul.f32 v39, v18  }
0xad: {  	v62 =	vshll.u32 v20, $0xA;
	v29 =	vld.idx.msk [tilespmem:v4+s25+$0x0], $0xffff  }
0xae: {  	v20 =	vor.u32 v0, v62;
	v31 =	vld.idx.msk [tilespmem:v36+s25+$0x0], $0xffff;
	v63 =	vmul.f32 v30, v19;
	v37 =	vadd.f32 v39, v37  }
0xaf: {  	v40 =	vshll.u32 v21, $0xA;
	v28 =	vld.idx.msk [tilespmem:v4+s26+$0x0], $0xffff  }
0xb0: {  	v21 =	vor.u32 v0, v40;
	v5 =	vld.idx.msk [tilespmem:v36+s23+$0x0], $0xffff;
	v43 =	vadd.f32 v63, v37  }
0xb1: {  	v4 =	vld.idx.msk [tilespmem:v36+s24+$0x0], $0xffff  }
0xb2: {  	v30 =	vld.idx.msk [tilespmem:v36+s26+$0x0], $0xffff;
	[tilespmem:s10+$0x14C00] =	vst v43  }
0xb3: {  	v20 =	vld.idx.msk [tilespmem:v20+s28+$0x0], $0xffff  }
0xb4: {  	v41 =	vld [tilespmem:s10+$0x10C80]  }
0xb5: {  	v21 =	vld.idx.msk [tilespmem:v21+s28+$0x0], $0xffff;
	_ =	sdelay $0x2  }
0xb6: {  	v20 =	vadd.f32 v20, v46  }
0xb7: {  	v36 =	vshll.u32 v22, $0xA  }
0xb8: {  	v22 =	vadd.f32 v41, v45;
	v21 =	vadd.f32 v21, v44;
	v20 =	vmul.f32 v20, v16;
	_ =	sdelay $0x1  }
0xb9: {  	v48 =	vld [tilespmem:s10+$0xCD00];
	s22 =	simm.s32 $0x80;
	s3 =	simm.s32 $0x10;
	v47 =	vor.u32 v0, v36;
	v21 =	vmul.f32 v21, v17;
	v20 =	vadd.f32 v20, v22  }
0xba: {  	v42 =	vld [tilespmem:s10+$0x4D00];
	s18 =	sand.u32 $0x1C00, s22;
	s13 =	sand.u32 $0x70, s3;
	v39 =	vshll.u32 v23, $0xA  }
0xbb: {  	v50 =	vld [tilespmem:s10+$0x8D80];
	s29 =	sor.u32 s13, s18;
	v22 =	vor.u32 v0, v39;
	v20 =	vadd.f32 v21, v20  }
0xbc: {  	v51 =	vld [tilespmem:s29+$0x8C00]  }
0xbd: {  	v23 =	vld [tilespmem:s10+$0x8D00];
	[tilespmem:s10+$0x14C80] =	vst v20  }
0xbe: {  	v37 =	vld.idx.msk [tilespmem:v47+s28+$0x0], $0xffff  }
0xbf: {  	v43 =	vld [tilespmem:s10+$0x10D00]  }
0xc0: {  	v22 =	vld.idx.msk [tilespmem:v22+s28+$0x0], $0xffff  }
0xc1: {  	v54 =	vld [tilespmem:s29+$0x4C00];
	v20 =	vor.u32 v3, v34  }
0xc2: {  	v59 =	vld [tilespmem:s29+$0x8C80];
	v34 =	vadd.s32 s5, v20  }
0xc3: {  	v60 =	vld [tilespmem:s29+$0xCC80];
	v21 =	vor.u32 v3, v35;
	v49 =	vadd.f32 v37, v42  }
0xc4: {  	v38 =	vld [tilespmem:s10+$0xCE00];
	v42 =	vshll.u32 v24, $0xA;
	v24 =	vadd.s32 s5, v21  }
0xc5: {  	v45 =	vld [tilespmem:s29+$0xCC00];
	v22 =	vadd.f32 v22, v23;
	v23 =	vadd.f32 v43, v48;
	v35 =	vmul.f32 v49, v14  }
0xc6: {  	v63 =	vld [tilespmem:s29+$0x10C80];
	v46 =	vshll.u32 v25, $0xA  }
0xc7: {  	v25 =	vld.idx.msk [tilespmem:v34+s28+$0x0], $0xffff;
	v52 =	vor.u32 v0, v42;
	v22 =	vmul.f32 v22, v15;
	v23 =	vadd.f32 v35, v23  }
0xc8: {  	v47 =	vld [tilespmem:s29+$0x10C00]  }
0xc9: {  	v53 =	vor.u32 v0, v46;
	v22 =	vadd.f32 v22, v23;
	v23 =	vld.idx.msk [tilespmem:v24+s28+$0x0], $0xffff  }
0xca: {  	v44 =	vld [tilespmem:s10+$0xCD80]  }
0xcb: {  	v24 =	vld [tilespmem:s10+$0x4D80];
	[tilespmem:s10+$0x14D00] =	vst v22  }
0xcc: {  	v22 =	vadd.f32 v25, v54;
	v43 =	vld.idx.msk [tilespmem:v52+s28+$0x0], $0xffff  }
0xcd: {  	v25 =	vld [tilespmem:s10+$0x10D80]  }
0xce: {  	v55 =	vadd.f32 v47, v45;
	v34 =	vld.idx.msk [tilespmem:v53+s28+$0x0], $0xffff;
	v56 =	vmul.f32 v22, v18;
	v41 =	vadd.f32 v23, v51  }
0xcf: {  	v37 =	vld [tilespmem:s10+$0x10F00];
	v22 =	vor.u32 v3, v62  }
0xd0: {  	v45 =	vld [tilespmem:s10+$0x10E80];
	v58 =	vadd.s32 s5, v22;
	v35 =	vadd.f32 v56, v55;
	v57 =	vmul.f32 v41, v19  }
0xd1: {  	v49 =	vld [tilespmem:s10+$0x8E00];
	v23 =	vor.u32 v3, v40;
	v24 =	vadd.f32 v43, v24  }
0xd2: {  	v54 =	vld [tilespmem:s10+$0x4E00];
	v62 =	vadd.s32 s5, v23;
	v35 =	vadd.f32 v57, v35  }
0xd3: {  	v52 =	vld [tilespmem:s10+$0x10E00];
	v25 =	vadd.f32 v25, v44;
	v34 =	vadd.f32 v34, v50;
	v24 =	vmul.f32 v24, v13  }
0xd4: {  	v53 =	vld [tilespmem:s29+$0x4C80];
	v41 =	vshll.u32 v32, $0xA;
	[tilespmem:s29+$0x14C00] =	vst v35  }
0xd5: {  	v61 =	vor.u32 v0, v41;
	v34 =	vmul.f32 v34, v12;
	v24 =	vadd.f32 v24, v25;
	v32 =	vld.idx.msk [tilespmem:v58+s28+$0x0], $0xffff  }
0xd6: {  	v33 =	vshll.u32 v33, $0xA;
	v51 =	vld [tilespmem:s29+$0x10D00]  }
0xd7: {  	v56 =	vadd.f32 v63, v60;
	v63 =	vld [tilespmem:s29+$0xCD00];
	v25 =	vor.u32 v0, v33;
	v24 =	vadd.f32 v34, v24  }
0xd8: {  	v44 =	vld.idx.msk [tilespmem:v62+s28+$0x0], $0xffff  }
0xd9: {  	v50 =	vld [tilespmem:s10+$0xCF00];
	[tilespmem:s10+$0x14D80] =	vst v24  }
0xda: {  	v43 =	vld.idx.msk [tilespmem:v61+s28+$0x0], $0xffff;
	v24 =	vadd.f32 v32, v53  }
0xdb: {  	v58 =	vadd.f32 v52, v38;
	v38 =	vld [tilespmem:s29+$0x8D00]  }
0xdc: {  	v48 =	vld.idx.msk [tilespmem:v25+s28+$0x0], $0xffff;
	v57 =	vmul.f32 v24, v16  }
0xdd: {  	s8 =	smov.u32 s31;
	v55 =	vadd.f32 v44, v59;
	v25 =	vor.u32 v3, v39;
	v39 =	vld [tilespmem:s10+$0x4F00]  }
0xde: {  	s0 =	smov.u32 s30;
	s31 =	simm.s32 $0x100;
	s30 =	simm.s32 $0x20;
	v24 =	vor.u32 v3, v36;
	v35 =	vadd.f32 v57, v56;
	v56 =	vld [tilespmem:s10+$0x4E80]  }
0xdf: {  	s9 =	sand.u32 $0x70, s30;
	s11 =	sand.u32 $0x1C00, s31;
	v59 =	vmul.f32 v55, v17;
	v60 =	vadd.s32 s5, v24;
	v57 =	vld [tilespmem:s29+$0x4D00];
	v34 =	vadd.f32 v43, v54  }
0xe0: {  	s9 =	sor.u32 s9, s11;
	v32 =	vshll.u32 v27, $0xA;
	v27 =	vadd.s32 s5, v25;
	v43 =	vld [tilespmem:s10+$0xCE80]  }
0xe1: {  	v61 =	vadd.f32 v48, v49;
	v49 =	vld [tilespmem:s9+$0x8C00];
	v35 =	vadd.f32 v59, v35;
	v34 =	vmul.f32 v34, v11  }
0xe2: {  	v62 =	vor.u32 v0, v32;
	v36 =	vshll.u32 v26, $0xA;
	v48 =	vadd.f32 v51, v63;
	v63 =	vld [tilespmem:s9+$0x10C00]  }
0xe3: {  	v44 =	vmul.f32 v61, v10;
	[tilespmem:s29+$0x14C80] =	vst v35;
	v35 =	vshll.u32 v28, $0xA;
	v28 =	vld [tilespmem:s9+$0x4C00];
	v34 =	vadd.f32 v34, v58  }
0xe4: {  	v26 =	vor.u32 v0, v36;
	v40 =	vld.idx.msk [tilespmem:v60+s28+$0x0], $0xffff  }
0xe5: {  	v58 =	vld.idx.msk [tilespmem:v27+s28+$0x0], $0xffff;
	v60 =	vadd.s32 s3, v20;
	v34 =	vadd.f32 v44, v34  }
0xe6: {  	v61 =	vadd.s32 s3, v21;
	v43 =	vadd.f32 v45, v43;
	v45 =	vld [tilespmem:s9+$0xCC00]  }
0xe7: {  	v44 =	vld [tilespmem:s29+$0xCD80];
	[tilespmem:s10+$0x14E00] =	vst v34  }
0xe8: {  	v47 =	vld.idx.msk [tilespmem:v62+s28+$0x0], $0xffff  }
0xe9: {  	v52 =	vld.idx.msk [tilespmem:v26+s28+$0x0], $0xffff  }
0xea: {  	v55 =	vld.idx.msk [tilespmem:v60+s28+$0x0], $0xffff  }
0xeb: {  	v34 =	vshll.u32 v29, $0xA;
	v26 =	vor.u32 v3, v46;
	v29 =	vadd.f32 v40, v57;
	v46 =	vld.idx.msk [tilespmem:v61+s28+$0x0], $0xffff  }
0xec: {  	v61 =	vld [tilespmem:s29+$0x10D80]  }
0xed: {  	v59 =	vld [tilespmem:s10+$0x8E80];
	v27 =	vor.u32 v3, v42;
	v38 =	vadd.f32 v58, v38;
	v29 =	vmul.f32 v29, v14  }
0xee: {  	v51 =	vld [tilespmem:s29+$0x4D80];
	v53 =	vadd.s32 s5, v27;
	v63 =	vadd.f32 v63, v45  }
0xef: {  	v40 =	vld [tilespmem:s29+$0x8D80];
	v38 =	vmul.f32 v38, v15;
	v29 =	vadd.f32 v29, v48;
	v47 =	vadd.f32 v47, v56  }
0xf0: {  	v45 =	vld [tilespmem:s9+$0xCC80];
	v60 =	vadd.f32 v55, v28;
	v46 =	vadd.f32 v46, v49  }
0xf1: {  	v44 =	vadd.f32 v61, v44;
	v61 =	vld [tilespmem:s29+$0x4E00];
	v29 =	vadd.f32 v38, v29  }
0xf2: {  	v54 =	vadd.s32 s5, v26;
	v42 =	vadd.f32 v52, v59;
	v55 =	vld [tilespmem:s29+$0x4E80];
	v47 =	vmul.f32 v47, v9  }
0xf3: {  	v56 =	vmul.f32 v60, v18;
	v60 =	vmul.f32 v46, v19;
	v46 =	vld [tilespmem:s9+$0x8C80];
	[tilespmem:s29+$0x14D00] =	vst v29  }
0xf4: {  	v62 =	vor.u32 v0, v34;
	v42 =	vmul.f32 v42, v8;
	v57 =	vadd.f32 v47, v43;
	v59 =	vld.idx.msk [tilespmem:v53+s28+$0x0], $0xffff  }
0xf5: {  	v58 =	vor.u32 v0, v35;
	v43 =	vadd.f32 v56, v63;
	v63 =	vld [tilespmem:s9+$0x4C80]  }
0xf6: {  	v53 =	vld [tilespmem:s9+$0x8D00];
	v29 =	vadd.f32 v42, v57  }
0xf7: {  	v42 =	vld.idx.msk [tilespmem:v54+s28+$0x0], $0xffff  }
0xf8: {  	v57 =	vld [tilespmem:s10+$0x8F00];
	[tilespmem:s10+$0x14E80] =	vst v29  }
0xf9: {  	v47 =	vld.idx.msk [tilespmem:v62+s28+$0x0], $0xffff  }
0xfa: {  	v28 =	vor.u32 v3, v33;
	v33 =	vadd.s32 s3, v22;
	v62 =	vld.idx.msk [tilespmem:v58+s28+$0x0], $0xffff;
	v38 =	vadd.f32 v59, v51  }
0xfb: {  	v43 =	vadd.f32 v60, v43;
	v60 =	vld [tilespmem:s29+$0x8E00]  }
0xfc: {  	v54 =	vld [tilespmem:s29+$0x10F00];
	v40 =	vadd.f32 v42, v40;
	v38 =	vmul.f32 v38, v13  }
0xfd: {  	[tilespmem:s9+$0x14C00] =	vst v43;
	v43 =	vld [tilespmem:s29+$0xCF00];
	v58 =	vadd.s32 s3, v23  }
0xfe: {  	v29 =	vor.u32 v3, v41;
	v51 =	vld [tilespmem:s29+$0xCE00];
	v40 =	vmul.f32 v40, v12;
	v38 =	vadd.f32 v38, v44  }
0xff: {  	v33 =	vld.idx.msk [tilespmem:v33+s28+$0x0], $0xffff;
	v39 =	vadd.f32 v47, v39;
	v41 =	vadd.f32 v62, v57;
	v62 =	vadd.s32 s5, v29  }
0x100: {  	v37 =	vadd.f32 v37, v50;
	v42 =	vld [tilespmem:s29+$0x10E00]  }
0x101: {  	v59 =	vadd.s32 s5, v28;
	v44 =	vld [tilespmem:s9+$0x10C80];
	v38 =	vadd.f32 v40, v38;
	v39 =	vmul.f32 v39, v7  }
0x102: {  	v57 =	vld.idx.msk [tilespmem:v58+s28+$0x0], $0xffff  }
0x103: {  	v47 =	vld [tilespmem:s29+$0xCE80];
	v56 =	vmul.f32 v41, v6;
	[tilespmem:s29+$0x14D80] =	vst v38;
	v37 =	vadd.f32 v39, v37  }
0x104: {  	v31 =	vshll.u32 v31, $0xA;
	v48 =	vld.idx.msk [tilespmem:v62+s28+$0x0], $0xffff  }
0x105: {  	v58 =	vor.u32 v0, v31;
	v42 =	vadd.f32 v42, v51;
	v51 =	vld [tilespmem:s29+$0x10E80];
	v37 =	vadd.f32 v56, v37  }
0x106: {  	s13 =	sor.u32 s5, s5;
	v30 =	vshll.u32 v30, $0xA;
	v33 =	vadd.f32 v33, v63;
	v38 =	vld.idx.msk [tilespmem:v59+s28+$0x0], $0xffff  }
0x107: {  	s1 =	sor.u32 $0x380, s13;
	v59 =	vor.u32 v0, v30;
	v40 =	vadd.f32 v57, v46;
	v46 =	vld [tilespmem:s29+$0x4F00];
	[tilespmem:s10+$0x14F00] =	vst v37  }
0x108: {  	v33 =	vmul.f32 v33, v16;
	v44 =	vadd.f32 v44, v45;
	v37 =	vld [tilespmem:s1+$0x8C00]  }
0x109: {  	v49 =	vld [tilespmem:s1+$0xCC00];
	v61 =	vadd.f32 v48, v61  }
0x10a: {  	v63 =	vadd.s32 s3, v25;
	v33 =	vadd.f32 v33, v44;
	v40 =	vmul.f32 v40, v17;
	v41 =	vld.idx.msk [tilespmem:v58+s28+$0x0], $0xffff  }
0x10b: {  	v62 =	vadd.s32 s3, v24;
	v50 =	vld [tilespmem:s1+$0x4C00];
	v38 =	vadd.f32 v38, v60;
	v45 =	vmul.f32 v61, v11  }
0x10c: {  	v39 =	vld.idx.msk [tilespmem:v59+s28+$0x0], $0xffff;
	v40 =	vadd.f32 v40, v33;
	v33 =	vor.u32 v3, v32;
	v32 =	vor.u32 v3, v36  }
0x10d: {  	v36 =	vld [tilespmem:s9+$0xCD00];
	v56 =	vadd.s32 s5, v33;
	v38 =	vmul.f32 v38, v10;
	v42 =	vadd.f32 v45, v42  }
0x10e: {  	v60 =	vadd.s32 s5, v32;
	[tilespmem:s9+$0x14C80] =	vst v40;
	v40 =	vld [tilespmem:s9+$0x4D00]  }
0x10f: {  	v61 =	vld.idx.msk [tilespmem:v63+s28+$0x0], $0xffff;
	v38 =	vadd.f32 v38, v42  }
0x110: {  	v42 =	vld.idx.msk [tilespmem:v62+s28+$0x0], $0xffff  }
0x111: {  	v62 =	vld [tilespmem:s9+$0x10D00];
	[tilespmem:s29+$0x14E00] =	vst v38  }
0x112: {  	v57 =	vadd.s32 s30, v20;
	v63 =	vld.idx.msk [tilespmem:v56+s28+$0x0], $0xffff  }
0x113: {  	v45 =	vld.idx.msk [tilespmem:v60+s28+$0x0], $0xffff  }
0x114: {  	v60 =	vld [tilespmem:s29+$0x8E80]  }
0x115: {  	s11 =	simm.s32 $0x30;
	s10 =	simm.s32 $0x180;
	v52 =	vld [tilespmem:s1+$0x10C00]  }
0x116: {  	s18 =	sand.u32 $0x70, s11;
	s13 =	sand.u32 $0x1C00, s10;
	v58 =	vld [tilespmem:s9+$0x4D80];
	v40 =	vadd.f32 v42, v40  }
0x117: {  	v47 =	vadd.f32 v51, v47;
	s18 =	sor.u32 s18, s13;
	v57 =	vld.idx.msk [tilespmem:v57+s28+$0x0], $0xffff;
	v44 =	vadd.f32 v61, v53  }
0x118: {  	v51 =	vld [tilespmem:s18+$0xCC00];
	v36 =	vadd.f32 v62, v36;
	v61 =	vmul.f32 v40, v14;
	v48 =	vadd.f32 v63, v55  }
0x119: {  	v59 =	vld [tilespmem:s18+$0x4C00];
	v38 =	vadd.s32 s3, v27;
	v62 =	vadd.s32 s30, v21;
	v45 =	vadd.f32 v45, v60  }
0x11a: {  	v53 =	vld [tilespmem:s9+$0xCD80];
	v44 =	vmul.f32 v44, v15;
	v36 =	vadd.f32 v61, v36;
	v48 =	vmul.f32 v48, v9  }
0x11b: {  	v34 =	vor.u32 v3, v34;
	v56 =	vld [tilespmem:s18+$0x10C00];
	v63 =	vadd.s32 s3, v26;
	v45 =	vmul.f32 v45, v8  }
0x11c: {  	v42 =	vld [tilespmem:s9+$0x8D80];
	v36 =	vadd.f32 v44, v36;
	v47 =	vadd.f32 v48, v47;
	v48 =	vadd.s32 s5, v34  }
0x11d: {  	v35 =	vor.u32 v3, v35;
	v41 =	vadd.f32 v41, v50;
	v55 =	vld [tilespmem:s18+$0x8C00]  }
0x11e: {  	v37 =	vadd.f32 v39, v37;
	v40 =	vld.idx.msk [tilespmem:v62+s28+$0x0], $0xffff;
	[tilespmem:s9+$0x14D00] =	vst v36;
	v60 =	vadd.f32 v45, v47  }
0x11f: {  	v41 =	vmul.f32 v41, v5;
	v61 =	vadd.s32 s5, v35;
	v62 =	vadd.f32 v52, v49;
	v38 =	vld.idx.msk [tilespmem:v38+s28+$0x0], $0xffff  }
0x120: {  	v63 =	vld.idx.msk [tilespmem:v63+s28+$0x0], $0xffff;
	[tilespmem:s29+$0x14E80] =	vst v60  }
0x121: {  	v37 =	vmul.f32 v37, v4;
	v52 =	vadd.f32 v41, v62;
	v41 =	vld.idx.msk [tilespmem:v48+s28+$0x0], $0xffff  }
0x122: {  	v31 =	vor.u32 v3, v31;
	v59 =	vadd.f32 v57, v59;
	v48 =	vld [tilespmem:s9+$0x10D80]  }
0x123: {  	v30 =	vor.u32 v3, v30;
	v44 =	vadd.s32 s3, v28;
	v50 =	vadd.f32 v37, v52;
	v37 =	vld [tilespmem:s29+$0x8F00]  }
0x124: {  	v40 =	vadd.f32 v40, v55;
	v60 =	vadd.f32 v56, v51;
	v36 =	vld.idx.msk [tilespmem:v61+s28+$0x0], $0xffff;
	v61 =	vmul.f32 v59, v18  }
0x125: {  	v39 =	vld [tilespmem:s9+$0x4E00];
	v45 =	vadd.s32 s30, v22;
	v47 =	vadd.s32 s30, v23;
	v62 =	vadd.f32 v38, v58  }
0x126: {  	v55 =	vmul.f32 v40, v19;
	v40 =	vld [tilespmem:s9+$0x10E00];
	v51 =	vadd.f32 v61, v60;
	v63 =	vadd.f32 v63, v42  }
0x127: {  	v38 =	vld [tilespmem:s9+$0xCE00];
	v49 =	vmul.f32 v62, v13;
	v48 =	vadd.f32 v48, v53;
	v42 =	vadd.f32 v41, v46  }
0x128: {  	s13 =	sadd.s32 s15, s21;
	[tilespmem:s1+$0x14C00] =	vst v50;
	s1 =	simm.s32 $0x40;
	v51 =	vadd.f32 v55, v51;
	v50 =	vmul.f32 v63, v12;
	v46 =	vld [tilespmem:s18+$0x8C80];
	v41 =	vadd.f32 v54, v43  }
.LBB2_3:
0x129: {  	p1 =	sne.s32 s1, $0x3F0;
	v43 =	vld [tilespmem:s18+$0xCC80];
	v48 =	vadd.f32 v49, v48;
	v42 =	vmul.f32 v42, v7;
	v36 =	vadd.f32 v36, v37  }
0x12a: {  	v49 =	vadd.s32 s3, v29;
	v37 =	vld [tilespmem:s18+$0x10C80]  }
0x12b: {  	[tilespmem:s18+$0x14C00] =	vst v51;
	v51 =	vld [tilespmem:s18+$0x4C80];
	v48 =	vadd.f32 v50, v48;
	v41 =	vadd.f32 v42, v41;
	v36 =	vmul.f32 v36, v6  }
0x12c: {  	v42 =	vld.idx.msk [tilespmem:v47+s28+$0x0], $0xffff  }
0x12d: {  	v45 =	vld.idx.msk [tilespmem:v45+s28+$0x0], $0xffff;
	[tilespmem:s9+$0x14D80] =	vst v48;
	v36 =	vadd.f32 v36, v41;
	v41 =	vadd.s32 s5, v31  }
0x12e: {  	s2 =	sor.u32 s22, s3;
	s22 =	smov.u32 s31;
	s31 =	smov.u32 s10;
	v44 =	vld.idx.msk [tilespmem:v44+s28+$0x0], $0xffff  }
0x12f: {  	s2 =	sor.u32 $0x380, s2;
	v47 =	vld.idx.msk [tilespmem:v49+s28+$0x0], $0xffff;
	[tilespmem:s29+$0x14F00] =	vst v36;
	v36 =	vadd.s32 s5, v30;
	s29 =	smov.u32 s9;
	s9 =	smov.u32 s18  }
0x130: {  	s5 =	smov.u32 s3;
	s3 =	smov.u32 s30;
	s30 =	smov.u32 s11;
	v48 =	vld [tilespmem:s2+$0x8C00]  }
0x131: {  	s11 =	smov.u32 s1;
	v49 =	vld [tilespmem:s2+$0xCC00]  }
0x132: {  	v50 =	vld.idx.msk [tilespmem:v41+s28+$0x0], $0xffff  }
0x133: {  	v52 =	vld [tilespmem:s2+$0x4C00]  }
0x134: {  	v36 =	vld.idx.msk [tilespmem:v36+s28+$0x0], $0xffff  }
0x135: {  	v53 =	vld [tilespmem:s2+$0x10C00]  }
0x136: {  	v38 =	vadd.f32 v40, v38;
	v54 =	vld [tilespmem:s29+$0x8E00]  }
0x137: {  	v42 =	vadd.f32 v42, v46;
	v40 =	vadd.f32 v45, v51;
	v45 =	vadd.s32 s3, v24;
	v41 =	vld [tilespmem:s29+$0xCF00]  }
0x138: {  	v37 =	vadd.f32 v37, v43;
	v46 =	vadd.s32 s3, v25;
	v43 =	vld [tilespmem:s29+$0x10F00];
	v50 =	vadd.f32 v50, v52  }
0x139: {  	v42 =	vmul.f32 v42, v17;
	v40 =	vmul.f32 v40, v16;
	v39 =	vadd.f32 v47, v39;
	v51 =	vld [tilespmem:s29+$0x4F00]  }
0x13a: {  	v36 =	vadd.f32 v36, v48;
	v47 =	vld [tilespmem:s29+$0xCE80];
	v49 =	vadd.f32 v53, v49;
	v50 =	vmul.f32 v50, v5  }
0x13b: {  	v37 =	vadd.f32 v40, v37;
	v39 =	vmul.f32 v39, v11;
	v40 =	vadd.f32 v44, v54;
	v44 =	vld [tilespmem:s29+$0x10E80]  }
0x13c: {  	v52 =	vadd.s32 s5, v33;
	v36 =	vmul.f32 v36, v4;
	v48 =	vld [tilespmem:s29+$0x4E80];
	v49 =	vadd.f32 v50, v49  }
0x13d: {  	v37 =	vadd.f32 v42, v37;
	v38 =	vadd.f32 v39, v38;
	v42 =	vld [tilespmem:s9+$0x8D00];
	v39 =	vmul.f32 v40, v10  }
0x13e: {  	v40 =	vld [tilespmem:s9+$0xCD00];
	v36 =	vadd.f32 v36, v49  }
0x13f: {  	[tilespmem:s9+$0x14C80] =	vst v37;
	v37 =	vld [tilespmem:s9+$0x4D00];
	v38 =	vadd.f32 v39, v38;
	v39 =	vadd.s32 s5, v32  }
0x140: {  	v45 =	vld.idx.msk [tilespmem:v45+s28+$0x0], $0xffff;
	[tilespmem:s2+$0x14C00] =	vst v36  }
0x141: {  	v36 =	vld.idx.msk [tilespmem:v46+s28+$0x0], $0xffff;
	[tilespmem:s29+$0x14E00] =	vst v38  }
0x142: {  	v38 =	vld.idx.msk [tilespmem:v52+s28+$0x0], $0xffff  }
0x143: {  	v46 =	vld [tilespmem:s9+$0x10D00]  }
0x144: {  	v39 =	vld.idx.msk [tilespmem:v39+s28+$0x0], $0xffff  }
0x145: {  	v49 =	vld [tilespmem:s29+$0x8E80]  }
0x146: {  	s10 =	sadd.s32 $0x80, s10;
	v37 =	vadd.f32 v45, v37;
	v50 =	vld [tilespmem:s9+$0x8D80]  }
0x147: {  	s18 =	sand.u32 $0x1C00, s10;
	s2 =	sand.u32 $0x70, s1;
	v52 =	vadd.s32 s30, v21;
	v45 =	vadd.s32 s30, v20;
	v36 =	vadd.f32 v36, v42;
	v42 =	vld [tilespmem:s9+$0xCD80]  }
0x148: {  	s18 =	sor.u32 s2, s18;
	v37 =	vmul.f32 v37, v14;
	v38 =	vadd.f32 v38, v48;
	v40 =	vadd.f32 v46, v40;
	v46 =	vld [tilespmem:s9+$0x4D80]  }
0x149: {  	v53 =	vadd.s32 s3, v27;
	v44 =	vadd.f32 v44, v47;
	v36 =	vmul.f32 v36, v15;
	v48 =	vld [tilespmem:s18+$0x8C00]  }
0x14a: {  	v38 =	vmul.f32 v38, v9;
	v47 =	vld [tilespmem:s18+$0xCC00];
	v37 =	vadd.f32 v37, v40;
	v39 =	vadd.f32 v39, v49  }
0x14b: {  	v54 =	vadd.s32 s5, v34;
	v49 =	vadd.s32 s3, v26;
	v40 =	vld [tilespmem:s18+$0x10C00]  }
0x14c: {  	v45 =	vld.idx.msk [tilespmem:v45+s28+$0x0], $0xffff;
	v36 =	vadd.f32 v36, v37;
	v37 =	vadd.f32 v38, v44;
	v38 =	vmul.f32 v39, v8  }
0x14d: {  	v39 =	vld [tilespmem:s18+$0x4C00]  }
0x14e: {  	v44 =	vld.idx.msk [tilespmem:v52+s28+$0x0], $0xffff;
	[tilespmem:s9+$0x14D00] =	vst v36;
	v36 =	vadd.f32 v38, v37;
	v37 =	vadd.s32 s5, v35  }
0x14f: {  	v38 =	vld.idx.msk [tilespmem:v53+s28+$0x0], $0xffff  }
0x150: {  	v49 =	vld.idx.msk [tilespmem:v49+s28+$0x0], $0xffff;
	[tilespmem:s29+$0x14E80] =	vst v36  }
0x151: {  	v52 =	vld.idx.msk [tilespmem:v54+s28+$0x0], $0xffff  }
0x152: {  	v39 =	vadd.f32 v45, v39;
	v53 =	vld [tilespmem:s9+$0x10D80]  }
0x153: {  	v45 =	vadd.s32 s30, v22;
	v36 =	vld.idx.msk [tilespmem:v37+s28+$0x0], $0xffff  }
.Ltmp0:
0x154: {  	v40 =	vadd.f32 v40, v47;
	v48 =	vadd.f32 v44, v48;
	v39 =	vmul.f32 v39, v18;
	v37 =	vld [tilespmem:s29+$0x8F00];
	(pc) =	sbr.rel @p1 .LBB2_3-.Ltmp0, $4  }
0x155: {  	v47 =	vadd.s32 s30, v23;
	v44 =	vadd.s32 s3, v28;
	v46 =	vadd.f32 v38, v46;
	v38 =	vld [tilespmem:s9+$0xCE00]  }
0x156: {  	v55 =	vmul.f32 v48, v19;
	v50 =	vadd.f32 v49, v50;
	v54 =	vadd.f32 v39, v40;
	v40 =	vld [tilespmem:s9+$0x10E00]  }
0x157: {  	v49 =	vmul.f32 v46, v13;
	v48 =	vadd.f32 v53, v42;
	v39 =	vld [tilespmem:s9+$0x4E00];
	v42 =	vadd.f32 v52, v51  }
0x158: {  	v41 =	vadd.f32 v43, v41;
	s1 =	sadd.s32 $0x10, s1;
	v50 =	vmul.f32 v50, v12;
	v51 =	vadd.f32 v55, v54;
	v46 =	vld [tilespmem:s18+$0x8C80]  }
0x159: {  	_ =	sdelay $0x1  }
0x15a: {  	v18 =	vld [tilespmem:s18+$0xCC80]  }
0x15b: {  	v20 =	vld [tilespmem:s18+$0x4C80];
	[tilespmem:s18+$0x14C00] =	vst v51  }
0x15c: {  	v21 =	vld.idx.msk [tilespmem:v45+s28+$0x0], $0xffff  }
0x15d: {  	v19 =	vld [tilespmem:s18+$0x10C80]  }
0x15e: {  	v22 =	vld.idx.msk [tilespmem:v47+s28+$0x0], $0xffff;
	_ =	sdelay $0x2  }
0x15f: {  	v20 =	vadd.f32 v21, v20;
	_ =	sdelay $0x1  }
0x160: {  	v18 =	vadd.f32 v19, v18;
	v21 =	vadd.f32 v22, v46;
	v16 =	vmul.f32 v20, v16;
	_ =	sdelay $0x1  }
0x161: {  	v17 =	vmul.f32 v21, v17;
	v16 =	vadd.f32 v16, v18;
	v18 =	vadd.s32 s30, v24;
	_ =	sdelay $0x1  }
0x162: {  	v19 =	vadd.s32 s30, v25;
	v20 =	vld [tilespmem:s18+$0xCD00];
	v16 =	vadd.f32 v17, v16  }
0x163: {  	v21 =	vld [tilespmem:s18+$0x10D00]  }
0x164: {  	[tilespmem:s18+$0x14C80] =	vst v16;
	v16 =	vld [tilespmem:s18+$0x4D00]  }
0x165: {  	v18 =	vld.idx.msk [tilespmem:v18+s28+$0x0], $0xffff  }
0x166: {  	v17 =	vld [tilespmem:s18+$0x8D00]  }
0x167: {  	v19 =	vld.idx.msk [tilespmem:v19+s28+$0x0], $0xffff;
	_ =	sdelay $0x2  }
0x168: {  	v16 =	vadd.f32 v18, v16;
	_ =	sdelay $0x1  }
0x169: {  	v17 =	vadd.f32 v19, v17;
	v18 =	vadd.f32 v21, v20;
	v14 =	vmul.f32 v16, v14  }
0x16a: {  	v16 =	vadd.f32 v49, v48  }
0x16b: {  	v15 =	vmul.f32 v17, v15;
	v17 =	vadd.s32 s30, v27;
	v14 =	vadd.f32 v14, v18  }
0x16c: {  	v19 =	vadd.s32 s30, v26;
	v16 =	vadd.f32 v50, v16  }
0x16d: {  	v20 =	vld [tilespmem:s18+$0xCD80];
	v14 =	vadd.f32 v15, v14  }
0x16e: {  	v18 =	vld [tilespmem:s18+$0x8D80];
	[tilespmem:s9+$0x14D80] =	vst v16  }
0x16f: {  	v16 =	vld [tilespmem:s18+$0x4D80];
	[tilespmem:s18+$0x14D00] =	vst v14  }
0x170: {  	v15 =	vadd.s32 s3, v29;
	v14 =	vld.idx.msk [tilespmem:v17+s28+$0x0], $0xffff  }
0x171: {  	v17 =	vld.idx.msk [tilespmem:v19+s28+$0x0], $0xffff  }
0x172: {  	v19 =	vld [tilespmem:s18+$0x10D80];
	_ =	sdelay $0x1  }
0x173: {  	v22 =	vld [tilespmem:s9+$0x8E00]  }
0x174: {  	v15 =	vld.idx.msk [tilespmem:v15+s28+$0x0], $0xffff;
	v14 =	vadd.f32 v14, v16  }
0x175: {  	v21 =	vld.idx.msk [tilespmem:v44+s28+$0x0], $0xffff  }
0x176: {  	v17 =	vadd.f32 v17, v18;
	v18 =	vadd.f32 v19, v20;
	v13 =	vmul.f32 v14, v13;
	_ =	sdelay $0x1  }
0x177: {  	v12 =	vmul.f32 v17, v12;
	v17 =	vadd.s32 s30, v29;
	v13 =	vadd.f32 v13, v18  }
0x178: {  	v14 =	vadd.f32 v15, v39  }
0x179: {  	v25 =	vadd.s32 s30, v28;
	v21 =	vadd.f32 v21, v22;
	v22 =	vld [tilespmem:s18+$0x10E00];
	v12 =	vadd.f32 v12, v13  }
0x17a: {  	v20 =	vld [tilespmem:s18+$0xCE00];
	v18 =	vadd.f32 v40, v38;
	v14 =	vmul.f32 v14, v11  }
0x17b: {  	v13 =	vld [tilespmem:s18+$0x4E00];
	[tilespmem:s18+$0x14D80] =	vst v12  }
0x17c: {  	v14 =	vadd.f32 v14, v18;
	v18 =	vmul.f32 v21, v10;
	v17 =	vld.idx.msk [tilespmem:v17+s28+$0x0], $0xffff  }
0x17d: {  	v21 =	vld [tilespmem:s18+$0x8E00]  }
0x17e: {  	v14 =	vadd.f32 v18, v14;
	v18 =	vld.idx.msk [tilespmem:v25+s28+$0x0], $0xffff  }
0x17f: {  	v27 =	vadd.s32 s3, v33  }
0x180: {  	v12 =	vadd.s32 s3, v32  }
0x181: {  	v19 =	vld [tilespmem:s9+$0x10E80];
	v13 =	vadd.f32 v17, v13  }
0x182: {  	v15 =	vld [tilespmem:s9+$0xCE80]  }
0x183: {  	v26 =	vld [tilespmem:s9+$0x4E80];
	v20 =	vadd.f32 v22, v20;
	[tilespmem:s9+$0x14E00] =	vst v14;
	v11 =	vmul.f32 v13, v11;
	v13 =	vadd.f32 v18, v21  }
0x184: {  	v14 =	vld.idx.msk [tilespmem:v27+s28+$0x0], $0xffff  }
0x185: {  	v25 =	vadd.s32 s30, v33;
	v12 =	vld.idx.msk [tilespmem:v12+s28+$0x0], $0xffff;
	v11 =	vadd.f32 v11, v20;
	v10 =	vmul.f32 v13, v10  }
0x186: {  	v17 =	vld [tilespmem:s9+$0x8E80]  }
0x187: {  	v15 =	vadd.f32 v19, v15;
	v19 =	vld [tilespmem:s18+$0x8E80];
	v20 =	vadd.s32 s30, v32;
	v10 =	vadd.f32 v10, v11  }
0x188: {  	v27 =	vld [tilespmem:s18+$0x10E80]  }
0x189: {  	v14 =	vadd.f32 v14, v26;
	v11 =	vld [tilespmem:s18+$0x4E80];
	[tilespmem:s18+$0x14E00] =	vst v10  }
0x18a: {  	v10 =	vld.idx.msk [tilespmem:v25+s28+$0x0], $0xffff  }
0x18b: {  	v13 =	vld [tilespmem:s18+$0xCE80];
	v14 =	vmul.f32 v14, v9;
	v12 =	vadd.f32 v12, v17  }
0x18c: {  	v17 =	vld.idx.msk [tilespmem:v20+s28+$0x0], $0xffff  }
0x18d: {  	v14 =	vadd.f32 v14, v15;
	v12 =	vmul.f32 v12, v8;
	v20 =	vadd.s32 s3, v34  }
0x18e: {  	v23 =	vld [tilespmem:s9+$0xCF00];
	v15 =	vadd.s32 s3, v35  }
0x18f: {  	v24 =	vld [tilespmem:s9+$0x4F00];
	v12 =	vadd.f32 v12, v14;
	v10 =	vadd.f32 v10, v11  }
0x190: {  	v16 =	vld [tilespmem:s9+$0x10F00];
	v14 =	vadd.f32 v36, v37;
	v11 =	vmul.f32 v42, v7  }
0x191: {  	v22 =	vld [tilespmem:s18+$0xCF00];
	[tilespmem:s9+$0x14E80] =	vst v12;
	v12 =	vadd.f32 v27, v13;
	v9 =	vmul.f32 v10, v9;
	v10 =	vadd.f32 v17, v19  }
0x192: {  	v13 =	vmul.f32 v14, v6;
	v14 =	vld.idx.msk [tilespmem:v20+s28+$0x0], $0xffff;
	v11 =	vadd.f32 v11, v41  }
0x193: {  	v15 =	vld.idx.msk [tilespmem:v15+s28+$0x0], $0xffff;
	v17 =	vadd.s32 s30, v34;
	v9 =	vadd.f32 v9, v12;
	v8 =	vmul.f32 v10, v8  }
0x194: {  	v10 =	vadd.f32 v13, v11;
	v11 =	vld [tilespmem:s9+$0x8F00];
	v12 =	vadd.s32 s30, v35  }
0x195: {  	s1 =	sor.u32 s22, s3;
	v18 =	vld [tilespmem:s18+$0x10F00];
	v8 =	vadd.f32 v8, v9  }
0x196: {  	s1 =	sor.u32 $0x380, s1;
	v21 =	vld [tilespmem:s18+$0x4F00];
	[tilespmem:s29+$0x14F00] =	vst v10  }
0x197: {  	v13 =	vadd.f32 v14, v24;
	v10 =	vld [tilespmem:s1+$0x8C00];
	[tilespmem:s18+$0x14E80] =	vst v8  }
0x198: {  	v16 =	vadd.f32 v16, v23;
	v9 =	vadd.s32 s5, v31;
	v14 =	vld.idx.msk [tilespmem:v17+s28+$0x0], $0xffff  }
0x199: {  	v13 =	vmul.f32 v13, v7;
	v8 =	vadd.s32 s5, v30;
	v11 =	vadd.f32 v15, v11;
	v12 =	vld.idx.msk [tilespmem:v12+s28+$0x0], $0xffff  }
0x19a: {  	v15 =	vld [tilespmem:s18+$0x8F00]  }
0x19b: {  	v20 =	vld [tilespmem:s1+$0x10C00];
	v13 =	vadd.f32 v13, v16;
	v11 =	vmul.f32 v11, v6  }
0x19c: {  	v17 =	vld [tilespmem:s1+$0xCC00]  }
0x19d: {  	v9 =	vld.idx.msk [tilespmem:v9+s28+$0x0], $0xffff;
	v11 =	vadd.f32 v11, v13;
	v14 =	vadd.f32 v14, v21  }
0x19e: {  	s2 =	sor.u32 s31, s30;
	v13 =	vadd.s32 s3, v31;
	v8 =	vld.idx.msk [tilespmem:v8+s28+$0x0], $0xffff  }
0x19f: {  	s2 =	sor.u32 $0x380, s2;
	v16 =	vld [tilespmem:s1+$0x4C00];
	v12 =	vadd.f32 v12, v15;
	[tilespmem:s9+$0x14F00] =	vst v11;
	v11 =	vadd.f32 v18, v22;
	v7 =	vmul.f32 v14, v7  }
0x1a0: {  	v19 =	vadd.s32 s3, v30;
	v14 =	vld [tilespmem:s2+$0x8C00]  }
0x1a1: {  	v15 =	vld [tilespmem:s2+$0xCC00];
	v6 =	vmul.f32 v12, v6;
	v7 =	vadd.f32 v7, v11  }
0x1a2: {  	v12 =	vld [tilespmem:s2+$0x4C00]  }
0x1a3: {  	v18 =	vld [tilespmem:s2+$0x10C00];
	v6 =	vadd.f32 v6, v7  }
0x1a4: {  	s15 =	sor.u32 s10, s11;
	v11 =	vld.idx.msk [tilespmem:v13+s28+$0x0], $0xffff;
	v7 =	vadd.s32 s30, v31  }
0x1a5: {  	s3 =	sor.u32 $0x380, s15;
	v13 =	vld.idx.msk [tilespmem:v19+s28+$0x0], $0xffff;
	[tilespmem:s18+$0x14F00] =	vst v6  }
0x1a6: {  	v6 =	vadd.s32 s30, v30;
	v19 =	vld [tilespmem:s3+$0x8C00]  }
0x1a7: {  	v21 =	vld [tilespmem:s3+$0xCC00]  }
0x1a8: {  	v22 =	vld [tilespmem:s3+$0x4C00]  }
0x1a9: {  	v7 =	vld.idx.msk [tilespmem:v7+s28+$0x0], $0xffff  }
0x1aa: {  	v9 =	vadd.f32 v9, v16;
	v16 =	vld [tilespmem:s3+$0x10C00]  }
0x1ab: {  	v6 =	vld.idx.msk [tilespmem:v6+s28+$0x0], $0xffff  }
0x1ac: {  	v17 =	vadd.f32 v20, v17;
	v9 =	vmul.f32 v9, v5;
	v8 =	vadd.f32 v8, v10  }
0x1ad: {  	v10 =	vadd.f32 v11, v12  }
0x1ae: {  	v9 =	vadd.f32 v9, v17;
	v8 =	vmul.f32 v8, v4;
	v7 =	vadd.f32 v7, v22  }
0x1af: {  	v11 =	vadd.f32 v18, v15;
	v12 =	vadd.f32 v13, v14;
	v10 =	vmul.f32 v10, v5  }
0x1b0: {  	v13 =	vadd.f32 v16, v21;
	v5 =	vmul.f32 v7, v5;
	v6 =	vadd.f32 v6, v19  }
0x1b1: {  	v7 =	vadd.f32 v10, v11;
	v10 =	vmul.f32 v12, v4  }
0x1b2: {  	v8 =	vadd.f32 v8, v9;
	v5 =	vadd.f32 v5, v13;
	v4 =	vmul.f32 v6, v4  }
0x1b3: {  	v6 =	vadd.f32 v10, v7  }
0x1b4: {  	[tilespmem:s1+$0x14C00] =	vst v8;
	v4 =	vadd.f32 v4, v5  }
0x1b5: {  	s22 =	rddreg [dreg:$0xa];
	s18 =	sshll.u32 s13, $0x7;
	[tilespmem:s2+$0x14C00] =	vst v6  }
0x1b6: {  	p1 =	seq.s32 s20, $0x1F;
	s1 =	sadd.s32 s22, s18;
	[tilespmem:s3+$0x14C00] =	vst v4;
	s3 =	simm.s32 $0x14C00  }
0x1b7: {  	[hbm4b:s1+s7] =	stream.linear.scatter [tilespmem:s3], [sflag:$0x3], $0x2000, $0x38;
	[tilespmem:$0x18C00] =	vst v63  }
0x1b8: {  	v4 =	vld.msk @!p1 [tilespmem:s21+$0x10], $0xff;
	_ =	sdelay $0x4  }
0x1b9: {  	v5 =	vshll.u32 @!p1 v4, $0x3  }
0x1ba: {  	v6 =	vlaneseq.u32 @!p1;
	v4 =	vand.u32 @!p1 $0x7, v4;
	v5 =	vand.u32 @!p1 $0xFFFFFFC0, v5  }
0x1bb: {  	v4 =	vor.u32 @!p1 v4, v5;
	v5 =	vand.u32 @!p1 $0x7, v6;
	v6 =	vshrl.u32 @!p1 v6, $0x3  }
0x1bc: {  	v4 =	vperm.xlane @!p1 v4, v5;
	v6 =	vmul.u32 @!p1 $0x8, v6;
	_ =	sdelay $0x1  }
0x1bd: {  	v4 =	vadd.s32 @!p1 v6, v4;
	_ =	sdelay $0x3  }
0x1be: {  	vm1 =	vmmov @!p1 $0xffff;
	s2 =	simm.s32 @!p1 $0x4C00;
	s1 =	simm.s32 @!p1 $0x0  }
0x1bf: {  	[tilespmem:s2], [sflag:$0x1] =	stream.indirect_vreg.gather @!p1 [hbm4b:s8+s1], $0x80, v4, vm1, $0xb8;
	[tilespmem:$0x18C00] =	vst v63  }
0x1c0: {  	s2 =	simm.s32 @!p1 $0x5400  }
0x1c1: {  	[tilespmem:s2], [sflag:$0x1] =	stream.indirect_vreg.gather @!p1 [hbm4b:s16+s1], $0x80, v4, vm1, $0xb8;
	[tilespmem:$0x18C00] =	vst v63  }
0x1c2: {  	s3 =	rddreg [dreg:$0x13];
	s2 =	simm.s32 @!p1 $0x5C00  }
0x1c3: {  	[tilespmem:s2], [sflag:$0x1] =	stream.indirect_vreg.gather @!p1 [hbm4b:s3+s1], $0x80, v4, vm1, $0xb8;
	[tilespmem:$0x18C00] =	vst v63  }
0x1c4: {  	s2 =	simm.s32 @!p1 $0x6400  }
0x1c5: {  	[tilespmem:s2], [sflag:$0x1] =	stream.indirect_vreg.gather @!p1 [hbm4b:s17+s1], $0x80, v4, vm1, $0xb8;
	[tilespmem:$0x18C00] =	vst v63  }
0x1c6: {  	v4 =	vld.msk @!p1 [tilespmem:s21+$0x210], $0xff;
	_ =	sdelay $0x4  }
0x1c7: {  	v7 =	vshll.u32 @!p1 v4, $0x3  }
0x1c8: {  	v4 =	vand.u32 @!p1 $0x7, v4;
	v7 =	vand.u32 @!p1 $0xFFFFFFC0, v7  }
0x1c9: {  	v4 =	vor.u32 @!p1 v4, v7  }
0x1ca: {  	v4 =	vperm.xlane @!p1 v4, v5;
	_ =	sdelay $0x1  }
0x1cb: {  	v4 =	vadd.s32 @!p1 v6, v4;
	_ =	sdelay $0x3  }
0x1cc: {  	s2 =	simm.s32 @!p1 $0x8C00  }
0x1cd: {  	[tilespmem:s2], [sflag:$0x1] =	stream.indirect_vreg.gather @!p1 [hbm4b:s8+s1], $0x80, v4, vm1, $0xb8;
	[tilespmem:$0x18C00] =	vst v63  }
0x1ce: {  	s2 =	simm.s32 @!p1 $0x9400  }
0x1cf: {  	[tilespmem:s2], [sflag:$0x1] =	stream.indirect_vreg.gather @!p1 [hbm4b:s16+s1], $0x80, v4, vm1, $0xb8;
	[tilespmem:$0x18C00] =	vst v63  }
0x1d0: {  	s2 =	simm.s32 @!p1 $0x9C00  }
0x1d1: {  	[tilespmem:s2], [sflag:$0x1] =	stream.indirect_vreg.gather @!p1 [hbm4b:s3+s1], $0x80, v4, vm1, $0xb8;
	[tilespmem:$0x18C00] =	vst v63  }
0x1d2: {  	s3 =	simm.s32 @!p1 $0xA400  }
0x1d3: {  	[tilespmem:s3], [sflag:$0x1] =	stream.indirect_vreg.gather @!p1 [hbm4b:s17+s1], $0x80, v4, vm1, $0xb8;
	[tilespmem:$0x18C00] =	vst v63  }
0x1d4: {  	s2 =	sadd.s32 @!p1 $0x10, s21;
	s3 =	rddreg [dreg:$0xc]  }
0x1d5: {  	s2 =	sadd.s32 @!p1 s3, s2  }
0x1d6: {  	s2 =	sshll.u32 @!p1 s2, $0x7  }
0x1d7: {  	s5 =	simm.s32 @!p1 $0xCC00;
	s3 =	sadd.s32 @!p1 s6, s2  }
0x1d8: {  	[tilespmem:s5], [sflag:$0x1] =	stream.linear.gather @!p1 [hbm4b:s3+s1], $0x2000, $0x38;
	[tilespmem:$0x18C00] =	vst v63  }
0x1d9: {  	s2 =	sadd.s32 @!p1 s0, s2;
	s3 =	simm.s32 @!p1 $0x10C00  }
0x1da: {  	[tilespmem:s3], [sflag:$0x1] =	stream.linear.gather @!p1 [hbm4b:s2+s1], $0x2000, $0x38;
	[tilespmem:$0x18C00] =	vst v63  }
0x1db: {  	_ =	swait.ge [sflag:s14], $0x2000  }
0x1dc: {  	[sflag:s14] =	ssyncset.done $0x0  }
0x1dd: {  	[sflag:s14] =	ssyncadd.s32 $0xFFFFE000  }
0x1de: {  	_ =	swait.ge [sflag:s14], $0x2000  }
0x1df: {  	[sflag:s14] =	ssyncset.done $0x0  }
0x1e0: {  	[sflag:s14] =	ssyncadd.s32 $0xFFFFE000  }
0x1e1: {  	_ =	swait.ge [sflag:s14], $0x2000  }
0x1e2: {  	v4 =	vmov s4;
	[sflag:s14] =	ssyncset.done $0x0  }
0x1e3: {  	v4 =	vand.u32 $0xFFFFFFF8, v4;
	[sflag:s14] =	ssyncadd.s32 $0xFFFFE000  }
0x1e4: {  	v4 =	vbroadcast v4, $0x0;
	_ =	swait.ge [sflag:s14], $0x2000  }
0x1e5: {  	s4 =	sor.u32 $0x9, s21;
	[sflag:s14] =	ssyncset.done $0x0  }
0x1e6: {  	v5 =	vmov s4;
	s2 =	simm.s32 @!p0 $0x4;
	[sflag:s14] =	ssyncadd.s32 $0xFFFFE000  }
0x1e7: {  	v5 =	vand.u32 $0xFFFFFFF9, v5;
	_ =	swait.ge @!p0 [sflag:s2], $0x2000  }
0x1e8: {  	v5 =	vbroadcast v5, $0x0;
	[sflag:s2] =	ssyncset.done @!p0 $0x0  }
0x1e9: {  	s5 =	sor.u32 $0xA, s21;
	[sflag:s2] =	ssyncadd.s32 @!p0 $0xFFFFE000  }
0x1ea: {  	v6 =	vmov s5;
	v18 =	vld.idx.msk [tilespmem:v4+s23+$0x0], $0xffff  }
0x1eb: {  	v6 =	vand.u32 $0xFFFFFFFA, v6;
	v19 =	vld.idx.msk [tilespmem:v4+s24+$0x0], $0xffff  }
0x1ec: {  	v6 =	vbroadcast v6, $0x0;
	v7 =	vld.idx.msk [tilespmem:v4+s25+$0x0], $0xffff  }
0x1ed: {  	s18 =	smov.u32 s6;
	s6 =	sor.u32 $0xB, s21;
	v4 =	vld.idx.msk [tilespmem:v4+s26+$0x0], $0xffff  }
0x1ee: {  	v8 =	vmov s6;
	v16 =	vld.idx.msk [tilespmem:v5+s23+$0x0], $0xffff  }
0x1ef: {  	v8 =	vand.u32 $0xFFFFFFFB, v8;
	v17 =	vld.idx.msk [tilespmem:v5+s24+$0x0], $0xffff  }
0x1f0: {  	v8 =	vbroadcast v8, $0x0;
	v20 =	vld.idx.msk [tilespmem:v5+s25+$0x0], $0xffff  }
0x1f1: {  	v21 =	vld.idx.msk [tilespmem:v5+s26+$0x0], $0xffff  }
0x1f2: {  	s31 =	smov.u32 s8;
	s8 =	sor.u32 $0xC, s21;
	v14 =	vld.idx.msk [tilespmem:v6+s23+$0x0], $0xffff  }
0x1f3: {  	v5 =	vmov s8;
	v15 =	vld.idx.msk [tilespmem:v6+s24+$0x0], $0xffff  }
0x1f4: {  	v22 =	vld.idx.msk [tilespmem:v6+s25+$0x0], $0xffff;
	v5 =	vand.u32 $0xFFFFFFFC, v5  }
0x1f5: {  	v23 =	vld.idx.msk [tilespmem:v6+s26+$0x0], $0xffff;
	v5 =	vbroadcast v5, $0x0  }
0x1f6: {  	s9 =	sor.u32 $0xD, s21;
	v13 =	vld.idx.msk [tilespmem:v8+s23+$0x0], $0xffff  }
0x1f7: {  	s4 =	simm.s32 $0x0;
	v6 =	vmov s9;
	v12 =	vld.idx.msk [tilespmem:v8+s24+$0x0], $0xffff  }
0x1f8: {  	s11 =	sand.u32 $0x70, s4;
	s13 =	sand.u32 $0x1C00, s4;
	v24 =	vld.idx.msk [tilespmem:v8+s25+$0x0], $0xffff;
	v6 =	vand.u32 $0xFFFFFFFD, v6  }
0x1f9: {  	s15 =	smov.u32 s16;
	s16 =	sor.u32 s11, s13;
	v25 =	vld.idx.msk [tilespmem:v8+s26+$0x0], $0xffff;
	v6 =	vbroadcast v6, $0x0  }
0x1fa: {  	v30 =	vld [tilespmem:s16+$0xAC00]  }
0x1fb: {  	v11 =	vld.idx.msk [tilespmem:v5+s23+$0x0], $0xffff  }
0x1fc: {  	v10 =	vld.idx.msk [tilespmem:v5+s24+$0x0], $0xffff  }
0x1fd: {  	v32 =	vld.idx.msk [tilespmem:v5+s25+$0x0], $0xffff  }
0x1fe: {  	v33 =	vld.idx.msk [tilespmem:v5+s26+$0x0], $0xffff  }
0x1ff: {  	v45 =	vshll.u32 v7, $0xA;
	v9 =	vld.idx.msk [tilespmem:v6+s23+$0x0], $0xffff  }
0x200: {  	v5 =	vor.u32 v0, v45;
	v8 =	vld.idx.msk [tilespmem:v6+s24+$0x0], $0xffff  }
0x201: {  	v46 =	vshll.u32 v4, $0xA;
	v27 =	vld.idx.msk [tilespmem:v6+s25+$0x0], $0xffff  }
0x202: {  	v26 =	vld.idx.msk [tilespmem:v6+s26+$0x0], $0xffff;
	v6 =	vor.u32 v0, v46  }
0x203: {  	s10 =	sor.u32 $0xE, s21;
	v31 =	vld [tilespmem:s16+$0xEC00]  }
0x204: {  	v28 =	vld [tilespmem:s16+$0x6C00];
	v7 =	vmov s10  }
0x205: {  	s30 =	smov.u32 s0;
	s0 =	sor.u32 $0xF, s21;
	v4 =	vand.u32 $0xFFFFFFFE, v7;
	v5 =	vld.idx.msk [tilespmem:v5+s28+$0x0], $0xffff  }
0x206: {  	v48 =	vmov s0;
	v47 =	vld [tilespmem:s16+$0x12C00];
	v4 =	vbroadcast v4, $0x0  }
0x207: {  	v49 =	vld.idx.msk [tilespmem:v6+s28+$0x0], $0xffff  }
0x208: {  	v52 =	vld [tilespmem:s16+$0xAC80]  }
0x209: {  	v53 =	vld [tilespmem:s16+$0xEC80]  }
0x20a: {  	v54 =	vld [tilespmem:s16+$0x6C80];
	v50 =	vadd.f32 v5, v28  }
0x20b: {  	v36 =	vadd.f32 v47, v31;
	v31 =	vld.idx.msk [tilespmem:v48+s25+$0x0], $0xffff  }
0x20c: {  	v7 =	vld.idx.msk [tilespmem:v4+s23+$0x0], $0xffff;
	v30 =	vadd.f32 v49, v30;
	v39 =	vmul.f32 v50, v18  }
0x20d: {  	v38 =	vshll.u32 v20, $0xA;
	v6 =	vld.idx.msk [tilespmem:v4+s24+$0x0], $0xffff  }
0x20e: {  	v20 =	vor.u32 v0, v38;
	v29 =	vld.idx.msk [tilespmem:v4+s25+$0x0], $0xffff;
	v51 =	vmul.f32 v30, v19;
	v36 =	vadd.f32 v39, v36  }
0x20f: {  	v40 =	vshll.u32 v21, $0xA;
	v28 =	vld.idx.msk [tilespmem:v4+s26+$0x0], $0xffff  }
0x210: {  	v21 =	vor.u32 v0, v40;
	v5 =	vld.idx.msk [tilespmem:v48+s23+$0x0], $0xffff;
	v36 =	vadd.f32 v51, v36  }
0x211: {  	v4 =	vld.idx.msk [tilespmem:v48+s24+$0x0], $0xffff  }
0x212: {  	v30 =	vld.idx.msk [tilespmem:v48+s26+$0x0], $0xffff;
	[tilespmem:s16+$0x16C00] =	vst v36  }
0x213: {  	v20 =	vld.idx.msk [tilespmem:v20+s28+$0x0], $0xffff  }
0x214: {  	v55 =	vld [tilespmem:s16+$0x12C80]  }
0x215: {  	v21 =	vld.idx.msk [tilespmem:v21+s28+$0x0], $0xffff;
	_ =	sdelay $0x2  }
0x216: {  	v20 =	vadd.f32 v20, v54  }
0x217: {  	v36 =	vshll.u32 v22, $0xA  }
0x218: {  	v22 =	vadd.f32 v55, v53;
	v21 =	vadd.f32 v21, v52;
	v20 =	vmul.f32 v20, v16;
	_ =	sdelay $0x1  }
0x219: {  	s5 =	simm.s32 $0x80;
	s3 =	simm.s32 $0x10;
	v57 =	vld [tilespmem:s16+$0xED00];
	v56 =	vor.u32 v0, v36;
	v21 =	vmul.f32 v21, v17;
	v20 =	vadd.f32 v20, v22  }
0x21a: {  	s6 =	sand.u32 $0x1C00, s5;
	s2 =	sand.u32 $0x70, s3;
	v58 =	vld [tilespmem:s16+$0x6D00];
	v39 =	vshll.u32 v23, $0xA  }
0x21b: {  	v43 =	vld [tilespmem:s16+$0x12D00];
	s21 =	sor.u32 s2, s6;
	v22 =	vor.u32 v0, v39;
	v20 =	vadd.f32 v21, v20  }
0x21c: {  	v48 =	vld [tilespmem:s21+$0xEC00]  }
0x21d: {  	v23 =	vld [tilespmem:s16+$0xAD00];
	[tilespmem:s16+$0x16C80] =	vst v20  }
0x21e: {  	v37 =	vld.idx.msk [tilespmem:v56+s28+$0x0], $0xffff  }
0x21f: {  	v51 =	vld [tilespmem:s21+$0x12C00]  }
0x220: {  	v22 =	vld.idx.msk [tilespmem:v22+s28+$0x0], $0xffff  }
0x221: {  	v60 =	vld [tilespmem:s16+$0xAD80];
	v20 =	vor.u32 v3, v45  }
0x222: {  	v61 =	vld [tilespmem:s16+$0xED80];
	v34 =	vadd.s32 s4, v20  }
0x223: {  	v62 =	vld [tilespmem:s21+$0xAC00];
	v21 =	vor.u32 v3, v46;
	v59 =	vadd.f32 v37, v58  }
0x224: {  	v42 =	vshll.u32 v24, $0xA;
	v50 =	vld [tilespmem:s21+$0x6C00];
	v52 =	vadd.f32 v51, v48;
	v24 =	vadd.s32 s4, v21  }
0x225: {  	v51 =	vld [tilespmem:s21+$0x6D80];
	v22 =	vadd.f32 v22, v23;
	v23 =	vadd.f32 v43, v57;
	v35 =	vmul.f32 v59, v14  }
0x226: {  	v63 =	vor.u32 v0, v42;
	v45 =	vld [tilespmem:s16+$0x12E80]  }
0x227: {  	v46 =	vshll.u32 v25, $0xA;
	v25 =	vld.idx.msk [tilespmem:v34+s28+$0x0], $0xffff;
	v22 =	vmul.f32 v22, v15;
	v23 =	vadd.f32 v35, v23  }
0x228: {  	v56 =	vld [tilespmem:s21+$0xAC80]  }
0x229: {  	v49 =	vor.u32 v0, v46;
	v22 =	vadd.f32 v22, v23;
	v23 =	vld.idx.msk [tilespmem:v24+s28+$0x0], $0xffff  }
0x22a: {  	v57 =	vld [tilespmem:s21+$0xEC80]  }
0x22b: {  	v24 =	vld [tilespmem:s16+$0x6D80];
	[tilespmem:s16+$0x16D00] =	vst v22  }
0x22c: {  	v22 =	vadd.f32 v25, v50;
	v43 =	vld.idx.msk [tilespmem:v63+s28+$0x0], $0xffff  }
0x22d: {  	v25 =	vld [tilespmem:s16+$0x12D80]  }
0x22e: {  	v34 =	vld.idx.msk [tilespmem:v49+s28+$0x0], $0xffff;
	v53 =	vmul.f32 v22, v18;
	v41 =	vadd.f32 v23, v62  }
0x22f: {  	v37 =	vld [tilespmem:s16+$0x12F00];
	v22 =	vor.u32 v3, v38  }
0x230: {  	v50 =	vld [tilespmem:s16+$0xEF00];
	v55 =	vadd.s32 s4, v22;
	v35 =	vadd.f32 v53, v52;
	v54 =	vmul.f32 v41, v19  }
0x231: {  	v63 =	vld [tilespmem:s16+$0x6E00];
	v23 =	vor.u32 v3, v40;
	v24 =	vadd.f32 v43, v24  }
0x232: {  	v38 =	vld [tilespmem:s16+$0xEE00];
	v59 =	vadd.s32 s4, v23;
	v35 =	vadd.f32 v54, v35  }
0x233: {  	v62 =	vld [tilespmem:s21+$0x6C80];
	v25 =	vadd.f32 v25, v61;
	v34 =	vadd.f32 v34, v60;
	v24 =	vmul.f32 v24, v13  }
0x234: {  	v41 =	vshll.u32 v32, $0xA;
	v61 =	vld [tilespmem:s16+$0x12E00];
	[tilespmem:s21+$0x16C00] =	vst v35  }
0x235: {  	s29 =	simm.s32 $0x100;
	s22 =	simm.s32 $0x20;
	v58 =	vor.u32 v0, v41;
	v34 =	vmul.f32 v34, v12;
	v24 =	vadd.f32 v24, v25;
	v32 =	vld.idx.msk [tilespmem:v55+s28+$0x0], $0xffff  }
0x236: {  	s8 =	sand.u32 $0x70, s22;
	s9 =	sand.u32 $0x1C00, s29;
	v33 =	vshll.u32 v33, $0xA;
	v60 =	vld [tilespmem:s21+$0x12C80]  }
0x237: {  	s9 =	sor.u32 s8, s9;
	v25 =	vor.u32 v0, v33;
	v44 =	vld.idx.msk [tilespmem:v59+s28+$0x0], $0xffff;
	v24 =	vadd.f32 v34, v24  }
0x238: {  	v49 =	vld [tilespmem:s9+$0xAC00]  }
0x239: {  	v53 =	vld [tilespmem:s16+$0xAE00];
	[tilespmem:s16+$0x16D80] =	vst v24  }
0x23a: {  	v43 =	vld.idx.msk [tilespmem:v58+s28+$0x0], $0xffff;
	v24 =	vadd.f32 v32, v62  }
0x23b: {  	v55 =	vadd.f32 v60, v57;
	v57 =	vadd.f32 v61, v38;
	v38 =	vld [tilespmem:s21+$0xAD00]  }
0x23c: {  	v52 =	vld.idx.msk [tilespmem:v25+s28+$0x0], $0xffff;
	v54 =	vadd.f32 v44, v56;
	v56 =	vmul.f32 v24, v16  }
0x23d: {  	v25 =	vor.u32 v3, v39;
	v39 =	vld [tilespmem:s16+$0x6F00];
	v24 =	vor.u32 v3, v36  }
0x23e: {  	v62 =	vld [tilespmem:s21+$0xED00];
	v58 =	vmul.f32 v54, v17;
	v59 =	vadd.s32 s4, v24;
	v35 =	vadd.f32 v56, v55  }
0x23f: {  	v56 =	vld [tilespmem:s21+$0x6D00];
	v34 =	vadd.f32 v43, v63  }
0x240: {  	v32 =	vshll.u32 v27, $0xA;
	v27 =	vadd.s32 s4, v25;
	v43 =	vld [tilespmem:s16+$0xEE80];
	v35 =	vadd.f32 v58, v35  }
0x241: {  	v60 =	vadd.f32 v52, v53;
	v63 =	vld [tilespmem:s16+$0x6E80];
	v34 =	vmul.f32 v34, v11  }
0x242: {  	v58 =	vld [tilespmem:s21+$0x12D00];
	[tilespmem:s21+$0x16C80] =	vst v35  }
0x243: {  	v61 =	vor.u32 v0, v32;
	v44 =	vmul.f32 v60, v10;
	v34 =	vadd.f32 v34, v57;
	v40 =	vld.idx.msk [tilespmem:v59+s28+$0x0], $0xffff  }
0x244: {  	v35 =	vshll.u32 v28, $0xA;
	v28 =	vld [tilespmem:s9+$0x6C00]  }
0x245: {  	v36 =	vshll.u32 v26, $0xA;
	v60 =	vadd.s32 s3, v20;
	v57 =	vld.idx.msk [tilespmem:v27+s28+$0x0], $0xffff;
	v34 =	vadd.f32 v44, v34  }
0x246: {  	v26 =	vor.u32 v0, v36;
	v59 =	vld [tilespmem:s16+$0xAE80]  }
0x247: {  	v43 =	vadd.f32 v45, v43;
	v45 =	vld [tilespmem:s9+$0xEC00];
	[tilespmem:s16+$0x16E00] =	vst v34  }
0x248: {  	v34 =	vshll.u32 v29, $0xA;
	v47 =	vld.idx.msk [tilespmem:v61+s28+$0x0], $0xffff;
	v29 =	vadd.f32 v40, v56  }
0x249: {  	v44 =	vld [tilespmem:s21+$0xED80];
	v61 =	vadd.s32 s3, v21  }
0x24a: {  	v48 =	vadd.f32 v58, v62;
	v55 =	vld.idx.msk [tilespmem:v60+s28+$0x0], $0xffff;
	v38 =	vadd.f32 v57, v38;
	v29 =	vmul.f32 v29, v14  }
0x24b: {  	v27 =	vor.u32 v3, v42;
	v52 =	vld.idx.msk [tilespmem:v26+s28+$0x0], $0xffff  }
0x24c: {  	v53 =	vadd.s32 s4, v27;
	v40 =	vld [tilespmem:s21+$0xAD80];
	v38 =	vmul.f32 v38, v15;
	v29 =	vadd.f32 v29, v48  }
0x24d: {  	v47 =	vadd.f32 v47, v63;
	v63 =	vld [tilespmem:s9+$0x12C00]  }
0x24e: {  	v26 =	vor.u32 v3, v46;
	v46 =	vld.idx.msk [tilespmem:v61+s28+$0x0], $0xffff;
	v29 =	vadd.f32 v38, v29  }
0x24f: {  	v61 =	vld [tilespmem:s21+$0x12D80]  }
0x250: {  	v54 =	vadd.s32 s4, v26;
	v60 =	vadd.f32 v55, v28;
	v55 =	vld [tilespmem:s21+$0x6E80];
	[tilespmem:s21+$0x16D00] =	vst v29  }
0x251: {  	v42 =	vadd.f32 v52, v59;
	v47 =	vmul.f32 v47, v9;
	v59 =	vld.idx.msk [tilespmem:v53+s28+$0x0], $0xffff  }
0x252: {  	v53 =	vld [tilespmem:s9+$0xAD00]  }
0x253: {  	v42 =	vmul.f32 v42, v8;
	v57 =	vadd.f32 v47, v43;
	v63 =	vadd.f32 v63, v45;
	v45 =	vld [tilespmem:s9+$0xEC80]  }
0x254: {  	v62 =	vor.u32 v0, v34;
	v44 =	vadd.f32 v61, v44;
	v61 =	vld [tilespmem:s21+$0x6E00]  }
0x255: {  	v58 =	vor.u32 v0, v35;
	v29 =	vadd.f32 v42, v57;
	v42 =	vld.idx.msk [tilespmem:v54+s28+$0x0], $0xffff  }
0x256: {  	v46 =	vadd.f32 v46, v49;
	v57 =	vld [tilespmem:s16+$0xAF00]  }
0x257: {  	v54 =	vld [tilespmem:s21+$0x12F00]  }
0x258: {  	v56 =	vmul.f32 v60, v18;
	v60 =	vmul.f32 v46, v19;
	v46 =	vld [tilespmem:s9+$0xAC80];
	[tilespmem:s16+$0x16E80] =	vst v29  }
0x259: {  	v47 =	vld.idx.msk [tilespmem:v62+s28+$0x0], $0xffff  }
0x25a: {  	v62 =	vld.idx.msk [tilespmem:v58+s28+$0x0], $0xffff;
	v38 =	vadd.f32 v59, v51  }
0x25b: {  	v28 =	vor.u32 v3, v33;
	v33 =	vadd.s32 s3, v22;
	v43 =	vadd.f32 v56, v63;
	v63 =	vld [tilespmem:s9+$0x6C80]  }
0x25c: {  	v51 =	vld [tilespmem:s21+$0xEE00];
	v40 =	vadd.f32 v42, v40;
	v38 =	vmul.f32 v38, v13  }
0x25d: {  	v58 =	vadd.s32 s3, v23;
	v43 =	vadd.f32 v60, v43;
	v60 =	vld [tilespmem:s21+$0xAE00]  }
0x25e: {  	v29 =	vor.u32 v3, v41;
	v42 =	vld [tilespmem:s21+$0x12E00];
	v40 =	vmul.f32 v40, v12;
	v38 =	vadd.f32 v38, v44  }
0x25f: {  	[tilespmem:s9+$0x16C00] =	vst v43;
	v43 =	vld [tilespmem:s21+$0xEF00];
	v39 =	vadd.f32 v47, v39;
	v41 =	vadd.f32 v62, v57;
	v62 =	vadd.s32 s4, v29  }
0x260: {  	v37 =	vadd.f32 v37, v50;
	v33 =	vld.idx.msk [tilespmem:v33+s28+$0x0], $0xffff  }
0x261: {  	v59 =	vadd.s32 s4, v28;
	v44 =	vld [tilespmem:s9+$0x12C80];
	v38 =	vadd.f32 v40, v38;
	v39 =	vmul.f32 v39, v7  }
0x262: {  	v57 =	vld.idx.msk [tilespmem:v58+s28+$0x0], $0xffff  }
0x263: {  	v47 =	vld [tilespmem:s21+$0xEE80];
	v56 =	vmul.f32 v41, v6;
	[tilespmem:s21+$0x16D80] =	vst v38;
	v37 =	vadd.f32 v39, v37  }
0x264: {  	v31 =	vshll.u32 v31, $0xA;
	v48 =	vld.idx.msk [tilespmem:v62+s28+$0x0], $0xffff  }
0x265: {  	v58 =	vor.u32 v0, v31;
	v42 =	vadd.f32 v42, v51;
	v51 =	vld [tilespmem:s21+$0x12E80];
	v37 =	vadd.f32 v56, v37  }
0x266: {  	s11 =	sor.u32 s4, s4;
	v30 =	vshll.u32 v30, $0xA;
	v33 =	vadd.f32 v33, v63;
	v38 =	vld.idx.msk [tilespmem:v59+s28+$0x0], $0xffff  }
0x267: {  	s1 =	sor.u32 $0x2380, s11;
	v59 =	vor.u32 v0, v30;
	v40 =	vadd.f32 v57, v46;
	v46 =	vld [tilespmem:s21+$0x6F00];
	[tilespmem:s16+$0x16F00] =	vst v37  }
0x268: {  	v44 =	vadd.f32 v44, v45;
	v33 =	vmul.f32 v33, v16;
	v37 =	vld [tilespmem:s1+$0x8C00]  }
0x269: {  	v49 =	vld [tilespmem:s1+$0xCC00];
	v61 =	vadd.f32 v48, v61  }
0x26a: {  	v63 =	vadd.s32 s3, v25;
	v40 =	vmul.f32 v40, v17;
	v33 =	vadd.f32 v33, v44;
	v41 =	vld.idx.msk [tilespmem:v58+s28+$0x0], $0xffff  }
0x26b: {  	v62 =	vadd.s32 s3, v24;
	v50 =	vld [tilespmem:s1+$0x4C00];
	v38 =	vadd.f32 v38, v60;
	v45 =	vmul.f32 v61, v11  }
0x26c: {  	v39 =	vld.idx.msk [tilespmem:v59+s28+$0x0], $0xffff;
	v40 =	vadd.f32 v40, v33;
	v33 =	vor.u32 v3, v32;
	v32 =	vor.u32 v3, v36  }
0x26d: {  	v36 =	vld [tilespmem:s9+$0xED00];
	v56 =	vadd.s32 s4, v33;
	v38 =	vmul.f32 v38, v10;
	v42 =	vadd.f32 v45, v42  }
0x26e: {  	v60 =	vadd.s32 s4, v32;
	[tilespmem:s9+$0x16C80] =	vst v40;
	v40 =	vld [tilespmem:s9+$0x6D00]  }
0x26f: {  	v61 =	vld.idx.msk [tilespmem:v63+s28+$0x0], $0xffff;
	v38 =	vadd.f32 v38, v42  }
0x270: {  	v42 =	vld.idx.msk [tilespmem:v62+s28+$0x0], $0xffff  }
0x271: {  	v62 =	vld [tilespmem:s9+$0x12D00];
	[tilespmem:s21+$0x16E00] =	vst v38  }
0x272: {  	v63 =	vld.idx.msk [tilespmem:v56+s28+$0x0], $0xffff  }
0x273: {  	v57 =	vadd.s32 s22, v20;
	v45 =	vld.idx.msk [tilespmem:v60+s28+$0x0], $0xffff  }
0x274: {  	s11 =	simm.s32 $0x30;
	s10 =	simm.s32 $0x180;
	v60 =	vld [tilespmem:s21+$0xAE80]  }
0x275: {  	s13 =	sand.u32 $0x70, s11;
	s16 =	sand.u32 $0x1C00, s10;
	v52 =	vld [tilespmem:s1+$0x10C00]  }
0x276: {  	s13 =	sor.u32 s13, s16;
	v58 =	vld [tilespmem:s9+$0x6D80];
	v40 =	vadd.f32 v42, v40  }
0x277: {  	v47 =	vadd.f32 v51, v47;
	v51 =	vld [tilespmem:s13+$0xEC00];
	v44 =	vadd.f32 v61, v53  }
0x278: {  	v57 =	vld.idx.msk [tilespmem:v57+s28+$0x0], $0xffff;
	v36 =	vadd.f32 v62, v36;
	v61 =	vmul.f32 v40, v14;
	v48 =	vadd.f32 v63, v55  }
0x279: {  	v59 =	vld [tilespmem:s13+$0x6C00];
	v38 =	vadd.s32 s3, v27;
	v62 =	vadd.s32 s22, v21;
	v45 =	vadd.f32 v45, v60  }
0x27a: {  	v53 =	vld [tilespmem:s9+$0xED80];
	v44 =	vmul.f32 v44, v15;
	v36 =	vadd.f32 v61, v36;
	v48 =	vmul.f32 v48, v9  }
0x27b: {  	v34 =	vor.u32 v3, v34;
	v56 =	vld [tilespmem:s13+$0x12C00];
	v63 =	vadd.s32 s3, v26;
	v45 =	vmul.f32 v45, v8  }
0x27c: {  	v42 =	vld [tilespmem:s9+$0xAD80];
	v36 =	vadd.f32 v44, v36;
	v47 =	vadd.f32 v48, v47;
	v48 =	vadd.s32 s4, v34  }
0x27d: {  	v35 =	vor.u32 v3, v35;
	v41 =	vadd.f32 v41, v50;
	v55 =	vld [tilespmem:s13+$0xAC00]  }
0x27e: {  	v37 =	vadd.f32 v39, v37;
	v40 =	vld.idx.msk [tilespmem:v62+s28+$0x0], $0xffff;
	[tilespmem:s9+$0x16D00] =	vst v36;
	v60 =	vadd.f32 v45, v47  }
0x27f: {  	v41 =	vmul.f32 v41, v5;
	v61 =	vadd.s32 s4, v35;
	v62 =	vadd.f32 v52, v49;
	v38 =	vld.idx.msk [tilespmem:v38+s28+$0x0], $0xffff  }
0x280: {  	v63 =	vld.idx.msk [tilespmem:v63+s28+$0x0], $0xffff;
	[tilespmem:s21+$0x16E80] =	vst v60  }
0x281: {  	v37 =	vmul.f32 v37, v4;
	v52 =	vadd.f32 v41, v62;
	v41 =	vld.idx.msk [tilespmem:v48+s28+$0x0], $0xffff  }
0x282: {  	v31 =	vor.u32 v3, v31;
	v59 =	vadd.f32 v57, v59;
	v48 =	vld [tilespmem:s9+$0x12D80]  }
0x283: {  	v30 =	vor.u32 v3, v30;
	v44 =	vadd.s32 s3, v28;
	v50 =	vadd.f32 v37, v52;
	v37 =	vld [tilespmem:s21+$0xAF00]  }
0x284: {  	v40 =	vadd.f32 v40, v55;
	v60 =	vadd.f32 v56, v51;
	v36 =	vld.idx.msk [tilespmem:v61+s28+$0x0], $0xffff;
	v61 =	vmul.f32 v59, v18  }
0x285: {  	v39 =	vld [tilespmem:s9+$0x6E00];
	v45 =	vadd.s32 s22, v22;
	v47 =	vadd.s32 s22, v23;
	v62 =	vadd.f32 v38, v58  }
0x286: {  	v55 =	vmul.f32 v40, v19;
	v40 =	vld [tilespmem:s9+$0x12E00];
	v51 =	vadd.f32 v61, v60;
	v63 =	vadd.f32 v63, v42  }
0x287: {  	v38 =	vld [tilespmem:s9+$0xEE00];
	v49 =	vmul.f32 v62, v13;
	v48 =	vadd.f32 v48, v53;
	v42 =	vadd.f32 v41, v46  }
0x288: {  	[tilespmem:s1+$0x14C00] =	vst v50;
	s1 =	simm.s32 $0x40;
	v51 =	vadd.f32 v55, v51;
	v50 =	vmul.f32 v63, v12;
	v46 =	vld [tilespmem:s13+$0xAC80];
	v41 =	vadd.f32 v54, v43  }
.LBB2_5:
0x289: {  	p0 =	sne.s32 s1, $0x3F0;
	v43 =	vld [tilespmem:s13+$0xEC80];
	v48 =	vadd.f32 v49, v48;
	v42 =	vmul.f32 v42, v7;
	v36 =	vadd.f32 v36, v37  }
0x28a: {  	v49 =	vadd.s32 s3, v29;
	v37 =	vld [tilespmem:s13+$0x12C80]  }
0x28b: {  	[tilespmem:s13+$0x16C00] =	vst v51;
	v51 =	vld [tilespmem:s13+$0x6C80];
	v48 =	vadd.f32 v50, v48;
	v41 =	vadd.f32 v42, v41;
	v36 =	vmul.f32 v36, v6  }
0x28c: {  	v42 =	vld.idx.msk [tilespmem:v47+s28+$0x0], $0xffff  }
0x28d: {  	v45 =	vld.idx.msk [tilespmem:v45+s28+$0x0], $0xffff;
	[tilespmem:s9+$0x16D80] =	vst v48;
	v36 =	vadd.f32 v36, v41;
	v41 =	vadd.s32 s4, v31  }
0x28e: {  	s2 =	sor.u32 s5, s3;
	s5 =	smov.u32 s29;
	s29 =	smov.u32 s10;
	v44 =	vld.idx.msk [tilespmem:v44+s28+$0x0], $0xffff  }
0x28f: {  	s2 =	sor.u32 $0x2380, s2;
	v47 =	vld.idx.msk [tilespmem:v49+s28+$0x0], $0xffff;
	[tilespmem:s21+$0x16F00] =	vst v36;
	v36 =	vadd.s32 s4, v30;
	s21 =	smov.u32 s9;
	s9 =	smov.u32 s13  }
0x290: {  	s4 =	smov.u32 s3;
	s3 =	smov.u32 s22;
	s22 =	smov.u32 s11;
	v48 =	vld [tilespmem:s2+$0x8C00]  }
0x291: {  	s11 =	smov.u32 s1;
	v49 =	vld [tilespmem:s2+$0xCC00]  }
0x292: {  	v50 =	vld.idx.msk [tilespmem:v41+s28+$0x0], $0xffff  }
0x293: {  	v52 =	vld [tilespmem:s2+$0x4C00]  }
0x294: {  	v36 =	vld.idx.msk [tilespmem:v36+s28+$0x0], $0xffff  }
0x295: {  	v53 =	vld [tilespmem:s2+$0x10C00]  }
0x296: {  	v38 =	vadd.f32 v40, v38;
	v54 =	vld [tilespmem:s21+$0xAE00]  }
0x297: {  	v42 =	vadd.f32 v42, v46;
	v40 =	vadd.f32 v45, v51;
	v45 =	vadd.s32 s3, v24;
	v41 =	vld [tilespmem:s21+$0xEF00]  }
0x298: {  	v37 =	vadd.f32 v37, v43;
	v46 =	vadd.s32 s3, v25;
	v43 =	vld [tilespmem:s21+$0x12F00];
	v50 =	vadd.f32 v50, v52  }
0x299: {  	v42 =	vmul.f32 v42, v17;
	v40 =	vmul.f32 v40, v16;
	v39 =	vadd.f32 v47, v39;
	v51 =	vld [tilespmem:s21+$0x6F00]  }
0x29a: {  	v36 =	vadd.f32 v36, v48;
	v47 =	vld [tilespmem:s21+$0xEE80];
	v49 =	vadd.f32 v53, v49;
	v50 =	vmul.f32 v50, v5  }
0x29b: {  	v37 =	vadd.f32 v40, v37;
	v39 =	vmul.f32 v39, v11;
	v40 =	vadd.f32 v44, v54;
	v44 =	vld [tilespmem:s21+$0x12E80]  }
0x29c: {  	v52 =	vadd.s32 s4, v33;
	v36 =	vmul.f32 v36, v4;
	v48 =	vld [tilespmem:s21+$0x6E80];
	v49 =	vadd.f32 v50, v49  }
0x29d: {  	v37 =	vadd.f32 v42, v37;
	v38 =	vadd.f32 v39, v38;
	v42 =	vld [tilespmem:s9+$0xAD00];
	v39 =	vmul.f32 v40, v10  }
0x29e: {  	v40 =	vld [tilespmem:s9+$0xED00];
	v36 =	vadd.f32 v36, v49  }
0x29f: {  	[tilespmem:s9+$0x16C80] =	vst v37;
	v37 =	vld [tilespmem:s9+$0x6D00];
	v38 =	vadd.f32 v39, v38;
	v39 =	vadd.s32 s4, v32  }
0x2a0: {  	v45 =	vld.idx.msk [tilespmem:v45+s28+$0x0], $0xffff;
	[tilespmem:s2+$0x14C00] =	vst v36  }
0x2a1: {  	v36 =	vld.idx.msk [tilespmem:v46+s28+$0x0], $0xffff;
	[tilespmem:s21+$0x16E00] =	vst v38  }
0x2a2: {  	v38 =	vld.idx.msk [tilespmem:v52+s28+$0x0], $0xffff  }
0x2a3: {  	v46 =	vld [tilespmem:s9+$0x12D00]  }
0x2a4: {  	v39 =	vld.idx.msk [tilespmem:v39+s28+$0x0], $0xffff  }
0x2a5: {  	v49 =	vld [tilespmem:s21+$0xAE80]  }
0x2a6: {  	s10 =	sadd.s32 $0x80, s10;
	v37 =	vadd.f32 v45, v37;
	v50 =	vld [tilespmem:s9+$0xAD80]  }
0x2a7: {  	s13 =	sand.u32 $0x1C00, s10;
	s2 =	sand.u32 $0x70, s1;
	v52 =	vadd.s32 s22, v21;
	v45 =	vadd.s32 s22, v20;
	v36 =	vadd.f32 v36, v42;
	v42 =	vld [tilespmem:s9+$0xED80]  }
0x2a8: {  	s13 =	sor.u32 s2, s13;
	v37 =	vmul.f32 v37, v14;
	v38 =	vadd.f32 v38, v48;
	v40 =	vadd.f32 v46, v40;
	v46 =	vld [tilespmem:s9+$0x6D80]  }
0x2a9: {  	v53 =	vadd.s32 s3, v27;
	v44 =	vadd.f32 v44, v47;
	v36 =	vmul.f32 v36, v15;
	v48 =	vld [tilespmem:s13+$0xAC00]  }
0x2aa: {  	v38 =	vmul.f32 v38, v9;
	v47 =	vld [tilespmem:s13+$0xEC00];
	v37 =	vadd.f32 v37, v40;
	v39 =	vadd.f32 v39, v49  }
0x2ab: {  	v54 =	vadd.s32 s4, v34;
	v49 =	vadd.s32 s3, v26;
	v40 =	vld [tilespmem:s13+$0x12C00]  }
0x2ac: {  	v45 =	vld.idx.msk [tilespmem:v45+s28+$0x0], $0xffff;
	v36 =	vadd.f32 v36, v37;
	v37 =	vadd.f32 v38, v44;
	v38 =	vmul.f32 v39, v8  }
0x2ad: {  	v39 =	vld [tilespmem:s13+$0x6C00]  }
0x2ae: {  	v44 =	vld.idx.msk [tilespmem:v52+s28+$0x0], $0xffff;
	[tilespmem:s9+$0x16D00] =	vst v36;
	v36 =	vadd.f32 v38, v37;
	v37 =	vadd.s32 s4, v35  }
0x2af: {  	v38 =	vld.idx.msk [tilespmem:v53+s28+$0x0], $0xffff  }
0x2b0: {  	v49 =	vld.idx.msk [tilespmem:v49+s28+$0x0], $0xffff;
	[tilespmem:s21+$0x16E80] =	vst v36  }
0x2b1: {  	v52 =	vld.idx.msk [tilespmem:v54+s28+$0x0], $0xffff  }
0x2b2: {  	v39 =	vadd.f32 v45, v39;
	v53 =	vld [tilespmem:s9+$0x12D80]  }
0x2b3: {  	v45 =	vadd.s32 s22, v22;
	v36 =	vld.idx.msk [tilespmem:v37+s28+$0x0], $0xffff  }
.Ltmp1:
0x2b4: {  	v40 =	vadd.f32 v40, v47;
	v48 =	vadd.f32 v44, v48;
	v39 =	vmul.f32 v39, v18;
	v37 =	vld [tilespmem:s21+$0xAF00];
	(pc) =	sbr.rel @p0 .LBB2_5-.Ltmp1, $4  }
0x2b5: {  	v47 =	vadd.s32 s22, v23;
	v44 =	vadd.s32 s3, v28;
	v46 =	vadd.f32 v38, v46;
	v38 =	vld [tilespmem:s9+$0xEE00]  }
0x2b6: {  	v55 =	vmul.f32 v48, v19;
	v50 =	vadd.f32 v49, v50;
	v54 =	vadd.f32 v39, v40;
	v40 =	vld [tilespmem:s9+$0x12E00]  }
0x2b7: {  	v49 =	vmul.f32 v46, v13;
	v48 =	vadd.f32 v53, v42;
	v39 =	vld [tilespmem:s9+$0x6E00];
	v42 =	vadd.f32 v52, v51  }
0x2b8: {  	v41 =	vadd.f32 v43, v41;
	s1 =	sadd.s32 $0x10, s1;
	v50 =	vmul.f32 v50, v12;
	v51 =	vadd.f32 v55, v54;
	v46 =	vld [tilespmem:s13+$0xAC80]  }
0x2b9: {  	_ =	sdelay $0x1  }
0x2ba: {  	v18 =	vld [tilespmem:s13+$0xEC80]  }
0x2bb: {  	v20 =	vld [tilespmem:s13+$0x6C80];
	[tilespmem:s13+$0x16C00] =	vst v51  }
0x2bc: {  	v21 =	vld.idx.msk [tilespmem:v45+s28+$0x0], $0xffff  }
0x2bd: {  	v19 =	vld [tilespmem:s13+$0x12C80]  }
0x2be: {  	v22 =	vld.idx.msk [tilespmem:v47+s28+$0x0], $0xffff;
	_ =	sdelay $0x2  }
0x2bf: {  	v20 =	vadd.f32 v21, v20;
	_ =	sdelay $0x1  }
0x2c0: {  	v18 =	vadd.f32 v19, v18;
	v53 =	vadd.f32 v22, v46;
	v16 =	vmul.f32 v20, v16;
	_ =	sdelay $0x1  }
0x2c1: {  	v54 =	vadd.s32 s22, v24;
	v17 =	vmul.f32 v53, v17;
	v16 =	vadd.f32 v16, v18;
	_ =	sdelay $0x1  }
0x2c2: {  	v55 =	vadd.s32 s22, v25;
	v56 =	vld [tilespmem:s13+$0xAD00];
	v16 =	vadd.f32 v17, v16  }
0x2c3: {  	v57 =	vld [tilespmem:s13+$0xED00]  }
0x2c4: {  	v58 =	vld [tilespmem:s13+$0x6D00];
	[tilespmem:s13+$0x16C80] =	vst v16  }
0x2c5: {  	v18 =	vld.idx.msk [tilespmem:v54+s28+$0x0], $0xffff  }
0x2c6: {  	v59 =	vld [tilespmem:s13+$0x12D00]  }
0x2c7: {  	v19 =	vld.idx.msk [tilespmem:v55+s28+$0x0], $0xffff;
	_ =	sdelay $0x2  }
0x2c8: {  	v16 =	vadd.f32 v18, v58;
	_ =	sdelay $0x1  }
0x2c9: {  	v60 =	vadd.f32 v59, v57;
	v17 =	vadd.f32 v19, v56;
	v14 =	vmul.f32 v16, v14;
	_ =	sdelay $0x1  }
0x2ca: {  	v62 =	vadd.s32 s22, v27;
	v15 =	vmul.f32 v17, v15;
	v14 =	vadd.f32 v14, v60;
	_ =	sdelay $0x1  }
0x2cb: {  	v63 =	vld [tilespmem:s13+$0xAD80];
	v43 =	vadd.s32 s22, v26;
	v14 =	vadd.f32 v15, v14  }
0x2cc: {  	v45 =	vld [tilespmem:s13+$0xED80]  }
0x2cd: {  	v61 =	vadd.f32 v49, v48;
	v47 =	vld [tilespmem:s13+$0x6D80];
	[tilespmem:s13+$0x16D00] =	vst v14  }
0x2ce: {  	v14 =	vld.idx.msk [tilespmem:v62+s28+$0x0], $0xffff  }
0x2cf: {  	v16 =	vadd.f32 v50, v61;
	v50 =	vld [tilespmem:s13+$0x12D80]  }
0x2d0: {  	v49 =	vld.idx.msk [tilespmem:v43+s28+$0x0], $0xffff  }
0x2d1: {  	v46 =	vadd.s32 s3, v29;
	_ =	sdelay $0x1  }
0x2d2: {  	v14 =	vadd.f32 v14, v47;
	_ =	sdelay $0x1  }
0x2d3: {  	[tilespmem:s9+$0x16D80] =	vst v16;
	v52 =	vadd.f32 v50, v45;
	v17 =	vadd.f32 v49, v63;
	v13 =	vmul.f32 v14, v13  }
0x2d4: {  	v15 =	vld.idx.msk [tilespmem:v46+s28+$0x0], $0xffff  }
0x2d5: {  	v51 =	vld [tilespmem:s9+$0xAE00];
	v56 =	vadd.s32 s22, v29;
	v12 =	vmul.f32 v17, v12;
	v13 =	vadd.f32 v13, v52  }
0x2d6: {  	v48 =	vld.idx.msk [tilespmem:v44+s28+$0x0], $0xffff  }
0x2d7: {  	v59 =	vadd.s32 s22, v28;
	v58 =	vld [tilespmem:s13+$0xEE00];
	v12 =	vadd.f32 v12, v13  }
0x2d8: {  	v61 =	vld [tilespmem:s13+$0x6E00]  }
0x2d9: {  	v60 =	vld [tilespmem:s13+$0x12E00];
	v53 =	vadd.f32 v15, v39;
	[tilespmem:s13+$0x16D80] =	vst v12  }
0x2da: {  	v17 =	vld.idx.msk [tilespmem:v56+s28+$0x0], $0xffff  }
0x2db: {  	v57 =	vadd.f32 v40, v38;
	v21 =	vadd.f32 v48, v51;
	v39 =	vld [tilespmem:s13+$0xAE00];
	v14 =	vmul.f32 v53, v11  }
0x2dc: {  	v38 =	vld.idx.msk [tilespmem:v59+s28+$0x0], $0xffff  }
0x2dd: {  	v28 =	vmul.f32 v21, v10;
	v63 =	vadd.s32 s3, v33;
	v14 =	vadd.f32 v14, v57;
	_ =	sdelay $0x1  }
0x2de: {  	v54 =	vld [tilespmem:s9+$0xEE80];
	v29 =	vadd.s32 s3, v32;
	v14 =	vadd.f32 v28, v14;
	v13 =	vadd.f32 v17, v61  }
0x2df: {  	v55 =	vld [tilespmem:s9+$0x12E80]  }
0x2e0: {  	v62 =	vld [tilespmem:s9+$0x6E80];
	v20 =	vadd.f32 v60, v58;
	[tilespmem:s9+$0x16E00] =	vst v14;
	v45 =	vadd.f32 v38, v39;
	v44 =	vmul.f32 v13, v11  }
0x2e1: {  	v14 =	vld.idx.msk [tilespmem:v63+s28+$0x0], $0xffff  }
0x2e2: {  	v40 =	vld [tilespmem:s9+$0xAE80];
	v48 =	vadd.s32 s22, v33;
	v49 =	vmul.f32 v45, v10;
	v11 =	vadd.f32 v44, v20  }
0x2e3: {  	v12 =	vld.idx.msk [tilespmem:v29+s28+$0x0], $0xffff  }
0x2e4: {  	v50 =	vld [tilespmem:s13+$0xEE80];
	v51 =	vadd.s32 s22, v32;
	v10 =	vadd.f32 v49, v11  }
0x2e5: {  	v15 =	vadd.f32 v55, v54;
	v55 =	vld [tilespmem:s13+$0xAE80]  }
0x2e6: {  	v53 =	vld [tilespmem:s13+$0x6E80];
	v14 =	vadd.f32 v14, v62;
	[tilespmem:s13+$0x16E00] =	vst v10  }
0x2e7: {  	v10 =	vld.idx.msk [tilespmem:v48+s28+$0x0], $0xffff  }
0x2e8: {  	v52 =	vld [tilespmem:s13+$0x12E80];
	v12 =	vadd.f32 v12, v40;
	v14 =	vmul.f32 v14, v9  }
0x2e9: {  	v54 =	vld.idx.msk [tilespmem:v51+s28+$0x0], $0xffff  }
0x2ea: {  	v56 =	vadd.s32 s3, v34;
	v12 =	vmul.f32 v12, v8;
	v14 =	vadd.f32 v14, v15  }
0x2eb: {  	v23 =	vld [tilespmem:s9+$0xEF00]  }
0x2ec: {  	v24 =	vld [tilespmem:s9+$0x6F00];
	v57 =	vadd.s32 s3, v35;
	v12 =	vadd.f32 v12, v14;
	v10 =	vadd.f32 v10, v53  }
0x2ed: {  	v16 =	vld [tilespmem:s9+$0x12F00]  }
0x2ee: {  	v46 =	vld [tilespmem:s13+$0x12F00];
	v60 =	vadd.f32 v52, v50;
	[tilespmem:s9+$0x16E80] =	vst v12;
	v62 =	vadd.f32 v54, v55;
	v61 =	vmul.f32 v10, v9  }
0x2ef: {  	v58 =	vmul.f32 v42, v7;
	v59 =	vadd.f32 v36, v37;
	v20 =	vld.idx.msk [tilespmem:v56+s28+$0x0], $0xffff  }
0x2f0: {  	v25 =	vadd.s32 s22, v34;
	v28 =	vld [tilespmem:s9+$0xAF00];
	v26 =	vmul.f32 v62, v8;
	v9 =	vadd.f32 v61, v60  }
0x2f1: {  	v63 =	vmul.f32 v59, v6;
	v11 =	vadd.f32 v58, v41;
	v15 =	vld.idx.msk [tilespmem:v57+s28+$0x0], $0xffff  }
0x2f2: {  	v43 =	vld [tilespmem:s13+$0xEF00];
	v29 =	vadd.s32 s22, v35;
	v8 =	vadd.f32 v26, v9  }
0x2f3: {  	v47 =	vld [tilespmem:s13+$0x6F00];
	v27 =	vadd.f32 v63, v11  }
0x2f4: {  	s1 =	sor.u32 s5, s3;
	v36 =	vld [tilespmem:s13+$0xAF00];
	v33 =	vadd.f32 v20, v24;
	[tilespmem:s13+$0x16E80] =	vst v8  }
0x2f5: {  	s1 =	sor.u32 $0x2380, s1;
	v16 =	vadd.f32 v16, v23;
	[tilespmem:s21+$0x16F00] =	vst v27;
	v35 =	vld.idx.msk [tilespmem:v25+s28+$0x0], $0xffff  }
0x2f6: {  	v32 =	vadd.s32 s4, v31;
	v37 =	vld [tilespmem:s1+$0xCC00];
	v11 =	vadd.f32 v15, v28;
	v13 =	vmul.f32 v33, v7  }
0x2f7: {  	v34 =	vadd.s32 s4, v30;
	v12 =	vld.idx.msk [tilespmem:v29+s28+$0x0], $0xffff  }
0x2f8: {  	v38 =	vld [tilespmem:s1+$0x4C00];
	v11 =	vmul.f32 v11, v6;
	v13 =	vadd.f32 v13, v16  }
0x2f9: {  	v41 =	vld [tilespmem:s1+$0x10C00]  }
0x2fa: {  	v10 =	vld [tilespmem:s1+$0x8C00];
	v11 =	vadd.f32 v11, v13;
	v14 =	vadd.f32 v35, v47  }
0x2fb: {  	s2 =	sor.u32 s29, s22;
	v42 =	vadd.f32 v46, v43;
	v40 =	vadd.s32 s3, v30;
	v9 =	vld.idx.msk [tilespmem:v32+s28+$0x0], $0xffff  }
0x2fc: {  	s2 =	sor.u32 $0x2380, s2;
	v8 =	vld.idx.msk [tilespmem:v34+s28+$0x0], $0xffff;
	[tilespmem:s9+$0x16F00] =	vst v11;
	v12 =	vadd.f32 v12, v36;
	v43 =	vmul.f32 v14, v7  }
0x2fd: {  	v39 =	vadd.s32 s3, v31;
	v44 =	vld [tilespmem:s2+$0x8C00]  }
0x2fe: {  	v45 =	vld [tilespmem:s2+$0xCC00];
	v46 =	vmul.f32 v12, v6;
	v7 =	vadd.f32 v43, v42  }
0x2ff: {  	v48 =	vld [tilespmem:s2+$0x4C00]  }
0x300: {  	v49 =	vadd.s32 s22, v31;
	v50 =	vld.idx.msk [tilespmem:v40+s28+$0x0], $0xffff;
	v6 =	vadd.f32 v46, v7  }
0x301: {  	s21 =	sor.u32 s10, s11;
	v51 =	vld [tilespmem:s2+$0x10C00]  }
0x302: {  	v52 =	vadd.s32 s22, v30;
	s3 =	sor.u32 $0x2380, s21;
	v47 =	vld.idx.msk [tilespmem:v39+s28+$0x0], $0xffff;
	[tilespmem:s13+$0x16F00] =	vst v6  }
0x303: {  	v53 =	vld [tilespmem:s3+$0x8C00]  }
0x304: {  	v54 =	vld [tilespmem:s3+$0xCC00]  }
0x305: {  	v7 =	vld.idx.msk [tilespmem:v49+s28+$0x0], $0xffff  }
0x306: {  	v55 =	vld [tilespmem:s3+$0x4C00]  }
0x307: {  	v6 =	vld.idx.msk [tilespmem:v52+s28+$0x0], $0xffff  }
0x308: {  	v9 =	vadd.f32 v9, v38;
	v56 =	vld [tilespmem:s3+$0x10C00]  }
0x309: {  	v17 =	vadd.f32 v41, v37;
	v8 =	vadd.f32 v8, v10  }
0x30a: {  	v9 =	vmul.f32 v9, v5;
	v58 =	vadd.f32 v51, v45;
	v57 =	vadd.f32 v47, v48  }
0x30b: {  	v59 =	vadd.f32 v50, v44;
	v7 =	vadd.f32 v7, v55  }
0x30c: {  	v9 =	vadd.f32 v9, v17;
	v8 =	vmul.f32 v8, v4;
	v10 =	vmul.f32 v57, v5  }
0x30d: {  	v60 =	vadd.f32 v56, v54;
	v6 =	vadd.f32 v6, v53;
	v5 =	vmul.f32 v7, v5  }
0x30e: {  	s20 =	sadd.s32 $0x1, s20;
	v62 =	vmul.f32 v59, v4;
	v61 =	vadd.f32 v10, v58  }
0x30f: {  	p0 =	sne.s32 s20, $0x20;
	v8 =	vadd.f32 v8, v9;
	v4 =	vmul.f32 v6, v4;
	v5 =	vadd.f32 v5, v60  }
.Ltmp2:
0x310: {  	v63 =	vadd.f32 v62, v61;
	(pc) =	sbr.rel @p0 .LBB2_2-.Ltmp2, $4  }
0x311: {  	[tilespmem:s1+$0x14C00] =	vst v8;
	v4 =	vadd.f32 v4, v5  }
0x312: {  	s0 =	rddreg [dreg:$0xa];
	[tilespmem:s2+$0x14C00] =	vst v63  }
0x313: {  	s29 =	simm.s32 $0x16C00;
	s22 =	sadd.s32 s0, s19;
	[tilespmem:s3+$0x14C00] =	vst v4  }
0x314: {  	[hbm4b:s22+s7] =	stream.linear.scatter [tilespmem:s29], [sflag:$0x4], $0x2000, $0x38;
	[tilespmem:$0x18C00] =	vst v63  }
0x315: {  	s0 =	simm.s32 $0x3  }
0x316: {  	_ =	swait.ge [sflag:s0], $0x2000  }
0x317: {  	[sflag:s0] =	ssyncset.done $0x0  }
0x318: {  	s1 =	simm.s32 $0x4;
	[sflag:s0] =	ssyncadd.s32 $0xFFFFE000  }
0x319: {  	_ =	swait.ge [sflag:s1], $0x2000  }
0x31a: {  	s2 =	rddreg [dreg:$0x17]  }
0x31b: {  	s29 =	rddreg [dreg:$0x16];
	s2 =	sadd.s32 $0x1, s2  }
0x31c: {  	p0 =	sne.s32 s2, s29  }
.Ltmp3:
0x31d: {  	_ = 	snop;
	(pc) =	sbr.rel @p0 .LBB2_1-.Ltmp3, $3  }
0x31e: {  	_ =	sdelay $0x1  }
0x31f: {  	[sflag:s1] =	ssyncset.done $0x0  }
0x320: {  	[sflag:s1] =	ssyncadd.s32 $0xFFFFE000  }
0x321: {  	_ =	sfence.sel $0x180000  }
0x322: {  	[bflag:$0x0] =	sbarrier.arrive $0xFFFF  }
0x323: {  	_ =	strace $0x90000047  }
0x324: {  	s0 =	stileid.u32;
	[bflag:$0x2] =	sbarrier.arrive $0xFFFF  }
0x325: {  	p0 =	sne.s32 s0, $0x0;
	s0 =	rddreg [dreg:$0xb]  }
0x326: {  	s0 =	sadd.s32 @!p0 $0x100000, s0  }
0x327: {  	[sflag:s0] =	ssyncadd.tile.s32 @!p0 $0x1;
	_ =	shalt  }
.Lfunc_end2:
_tile_overlayer_lowered:
.L_overlay_start_2:
0x328: {  	(tag) =	ssettag $0x2  }
0x329: {  	s0 =	rddreg [dreg:$0x0];
	s2 =	stileid.u32  }
0x32a: {  	s1 =	rddreg [dreg:$0x1];
	p0 =	sne.s32 s2, $0x0  }
0x32b: {  	s3 =	rddreg [dreg:$0x2];
	[bflag:$0x3] =	sbarrier.arrive $0xFFFF;
	s2 =	simm.s32 @!p0 $0x1C05  }
0x32c: {  	[timem:s3], [sflag:s2] =	dma.local @!p0 [hbm:s0], s1  }
0x32d: {  	s0 =	simm.s32 @!p0 $0x5  }
0x32e: {  	_ =	swait.ge @!p0 [sflag:s0], s1  }
0x32f: {  	s1 =	ssub.s32 @!p0 $0x0, s1;
	[sflag:s0] =	ssyncset.done @!p0 $0x0  }
0x330: {  	[sflag:s0] =	ssyncadd.s32 @!p0 s1  }
0x331: {  	[bflag:$0x3] =	sbarrier.arrive $0xFFFF  }
0x332: {  	_ =	shalt  }

</sc_bundles>
